<compile_context>
chip_gen: v7x
topology: tpu7x:2x2x1
jax: 0.10.2.dev20260603
libtpu: 0.0.44.dev20260713+nightly
codegen_flags: <defaults>
</compile_context>

<pallas_src>
import functools

_INTERPRET = False

import jax
import jax.numpy as jnp
from jax import lax
from jax.experimental import pallas as pl
from jax.experimental.pallas import tpu as pltpu
from jax.experimental.pallas import tpu_sc as plsc

N_NODES = 10000
D = 128

NC = 2
NS = 16
NW = NC * NS
N_PAD = 10240
ROWS_PER_TILE = N_PAD // NS
CHUNK = 128
E_PAD = 327680
CHUNKS_PER_W = E_PAD // (NW * CHUNK)
EDGES_PER_W = E_PAD // NW
HALF = CHUNKS_PER_W // 2
TOTAL_CHUNKS = E_PAD // CHUNK
ROUND = 40
CH0 = 160


DEGW = 128


def _sc_degree_body(dst_hbm, out_hbm, didx, ones_rows, sem, acc):
    c = lax.axis_index("c")
    s = lax.axis_index("s")
    wid = c * NS + s

    ones16 = jnp.ones((16,), jnp.float32)
    zeros16 = jnp.zeros((16,), jnp.float32)

    nq = DEGW // 16

    def fill_z(i, _):
        ones_rows[i // nq, pl.ds((i % nq) * 16, 16)] = zeros16
        return 0

    lax.fori_loop(0, CHUNK * nq, fill_z, 0)

    row0 = s * ROWS_PER_TILE

    def zero_acc(j, _):
        pltpu.sync_copy(ones_rows, acc.at[pl.ds(row0 + j * CHUNK, CHUNK)])
        return 0

    lax.fori_loop(0, ROWS_PER_TILE // CHUNK, zero_acc, 0)

    def fill_o(i, _):
        ones_rows[i // nq, pl.ds((i % nq) * 16, 16)] = ones16
        return 0

    lax.fori_loop(0, CHUNK * nq, fill_o, 0)

    pltpu.sync_copy(dst_hbm.at[pl.ds(wid * CHUNKS_PER_W, CHUNKS_PER_W)], didx)

    plsc.subcore_barrier()

    def fire(j, _):
        pltpu.async_copy(ones_rows, acc.at[didx.at[j]], sem, add=True)
        return 0

    lax.fori_loop(0, CHUNKS_PER_W, fire, 0)

    def drain(j, _):
        pltpu.make_async_copy(ones_rows, acc.at[didx.at[j]], sem).wait()
        return 0

    lax.fori_loop(0, CHUNKS_PER_W, drain, 0)

    plsc.subcore_barrier()

    pltpu.sync_copy(
        acc.at[pl.ds(row0, ROWS_PER_TILE)],
        out_hbm.at[c, pl.ds(row0, ROWS_PER_TILE)],
    )


def _sc_degree(dst_pad):
    mesh = plsc.VectorSubcoreMesh(core_axis_name="c", subcore_axis_name="s", num_cores=NC, num_subcores=NS)
    return pl.kernel(
        _sc_degree_body,
        out_type=jax.ShapeDtypeStruct((NC, N_PAD, DEGW), jnp.float32),
        mesh=mesh,
        interpret=_INTERPRET,
        scratch_types=[
            pltpu.VMEM((CHUNKS_PER_W, CHUNK), jnp.int32),
            pltpu.VMEM((CHUNK, DEGW), jnp.float32),
            pltpu.SemaphoreType.DMA,
            pltpu.VMEM_SHARED((N_PAD, DEGW), jnp.float32),
        ],
    )(dst_pad)


def _sc_agg_body(g_hbm, src_hbm, dst_hbm, out_hbm, sidx, didx, rows0, rows1, sem, acc):
    c = lax.axis_index("c")
    s = lax.axis_index("s")

    zeros16 = jnp.zeros((16,), jnp.float32)
    row0 = s * ROWS_PER_TILE

    def run_round(base):
        pltpu.sync_copy(src_hbm.at[pl.ds(base, ROUND)], sidx)
        pltpu.sync_copy(dst_hbm.at[pl.ds(base, ROUND)], didx)
        pltpu.async_copy(g_hbm.at[sidx.at[0]], rows0, sem)

        def body(i, _):
            j0 = 2 * i
            pltpu.async_copy(g_hbm.at[sidx.at[j0 + 1]], rows1, sem)
            pltpu.make_async_copy(g_hbm.at[sidx.at[j0]], rows0, sem).wait()
            pltpu.sync_copy(rows0, acc.at[didx.at[j0]], add=True)

            @pl.when(i < ROUND // 2 - 1)
            def _():
                pltpu.async_copy(g_hbm.at[sidx.at[j0 + 2]], rows0, sem)

            pltpu.make_async_copy(g_hbm.at[sidx.at[j0 + 1]], rows1, sem).wait()
            pltpu.sync_copy(rows1, acc.at[didx.at[j0 + 1]], add=True)
            return 0

        lax.fori_loop(0, ROUND // 2, body, 0)

    @pl.when(c == 0)
    def _():
        def zero_rows(i, _):
            rows0[i // 8, pl.ds((i % 8) * 16, 16)] = zeros16
            return 0

        lax.fori_loop(0, CHUNK * 8, zero_rows, 0)

        def zero_acc(j, _):
            pltpu.sync_copy(rows0, acc.at[pl.ds(row0 + j * CHUNK, CHUNK)])
            return 0

        lax.fori_loop(0, ROWS_PER_TILE // CHUNK, zero_acc, 0)

        plsc.subcore_barrier()

        for r in range(CH0 // ROUND):
            run_round(s * CH0 + r * ROUND)

        plsc.subcore_barrier()

        pltpu.sync_copy(
            acc.at[pl.ds(row0, ROWS_PER_TILE)],
            out_hbm.at[pl.ds(row0, ROWS_PER_TILE)],
        )


def _sc_agg(g, src_pad, dst_pad):
    mesh = plsc.VectorSubcoreMesh(core_axis_name="c", subcore_axis_name="s", num_cores=NC, num_subcores=NS)
    return pl.kernel(
        _sc_agg_body,
        out_type=jax.ShapeDtypeStruct((N_PAD, D), jnp.float32),
        mesh=mesh,
        interpret=_INTERPRET,
        scratch_types=[
            pltpu.VMEM((ROUND, CHUNK), jnp.int32),
            pltpu.VMEM((ROUND, CHUNK), jnp.int32),
            pltpu.VMEM((CHUNK, D), jnp.float32),
            pltpu.VMEM((CHUNK, D), jnp.float32),
            pltpu.SemaphoreType.DMA,
            pltpu.VMEM_SHARED((N_PAD, D), jnp.float32),
        ],
    )(g, src_pad, dst_pad)


BLK = 400


def _tc_pre_body(x_ref, w_ref, degp_ref, g_ref, dinv_ref):
    i = pl.program_id(0)
    degs = degp_ref[0, pl.ds(i * BLK, BLK), :] + degp_ref[1, pl.ds(i * BLK, BLK), :]
    deg = degs[:, 0:1] + 1.0
    dinv = lax.rsqrt(deg)
    h = jnp.dot(x_ref[...], w_ref[...], preferred_element_type=jnp.float32)
    g_ref[...] = h * dinv
    dinv_ref[...] = dinv


def _tc_pre(x, W1, degp):
    return pl.pallas_call(
        _tc_pre_body,
        grid=(N_NODES // BLK,),
        interpret=_INTERPRET,
        in_specs=[
            pl.BlockSpec((BLK, D), lambda i: (i, 0)),
            pl.BlockSpec((D, D), lambda i: (0, 0)),
            pl.BlockSpec((NC, N_PAD, DEGW), lambda i: (0, 0, 0)),
        ],
        out_specs=[
            pl.BlockSpec((BLK, D), lambda i: (i, 0)),
            pl.BlockSpec((BLK, 1), lambda i: (i, 0)),
        ],
        out_shape=[
            jax.ShapeDtypeStruct((N_NODES, D), jnp.float32),
            jax.ShapeDtypeStruct((N_NODES, 1), jnp.float32),
        ],
    )(x, W1, degp)


def _tc_mid_body(p_ref, g1_ref, dinv_ref, b1_ref, w2_ref, g2_ref):
    s = p_ref[...] + g1_ref[...]
    dinv = dinv_ref[...]
    h = s * dinv + b1_ref[...]
    a = jnp.maximum(h, 0.0)
    h2 = jnp.dot(a, w2_ref[...], preferred_element_type=jnp.float32)
    g2_ref[...] = h2 * dinv


def _tc_mid(p, g1, dinv, b1, W2):
    return pl.pallas_call(
        _tc_mid_body,
        grid=(N_NODES // BLK,),
        interpret=_INTERPRET,
        in_specs=[
            pl.BlockSpec((BLK, D), lambda i: (i, 0)),
            pl.BlockSpec((BLK, D), lambda i: (i, 0)),
            pl.BlockSpec((BLK, 1), lambda i: (i, 0)),
            pl.BlockSpec((1, D), lambda i: (0, 0)),
            pl.BlockSpec((D, D), lambda i: (0, 0)),
        ],
        out_specs=pl.BlockSpec((BLK, D), lambda i: (i, 0)),
        out_shape=jax.ShapeDtypeStruct((N_NODES, D), jnp.float32),
    )(p, g1, dinv, b1, W2)


def _tc_final_body(q_ref, g2_ref, dinv_ref, b2_ref, out_ref):
    s = q_ref[...] + g2_ref[...]
    z = s * dinv_ref[...] + b2_ref[...]
    m = jnp.max(z, axis=1, keepdims=True)
    e = jnp.exp(z - m)
    lse = m + jnp.log(jnp.sum(e, axis=1, keepdims=True))
    out_ref[...] = z - lse


def _tc_final(q, g2, dinv, b2):
    return pl.pallas_call(
        _tc_final_body,
        grid=(N_NODES // BLK,),
        interpret=_INTERPRET,
        in_specs=[
            pl.BlockSpec((BLK, D), lambda i: (i, 0)),
            pl.BlockSpec((BLK, D), lambda i: (i, 0)),
            pl.BlockSpec((BLK, 1), lambda i: (i, 0)),
            pl.BlockSpec((1, D), lambda i: (0, 0)),
        ],
        out_specs=pl.BlockSpec((BLK, D), lambda i: (i, 0)),
        out_shape=jax.ShapeDtypeStruct((N_NODES, D), jnp.float32),
    )(q, g2, dinv, b2)


@jax.jit
def _run(x, edge_index, W1, b1, W2, b2):
    src = edge_index[0].astype(jnp.int32)
    dst = edge_index[1].astype(jnp.int32)
    n_edges = src.shape[0]
    pad = E_PAD - n_edges
    src_p = jnp.concatenate([src, jnp.zeros((pad,), jnp.int32)]).reshape(
        TOTAL_CHUNKS, CHUNK)
    dst_p = jnp.concatenate([dst, jnp.full((pad,), N_NODES, jnp.int32)]).reshape(
        TOTAL_CHUNKS, CHUNK)

    degp = _sc_degree(dst_p)
    g1, dinv = _tc_pre(x, W1, degp)
    p = _sc_agg(g1, src_p, dst_p)
    g2 = _tc_mid(p, g1, dinv, b1.reshape(1, D), W2)
    q = _sc_agg(g2, src_p, dst_p)
    return _tc_final(q, g2, dinv, b2.reshape(1, D))


def kernel(x, edge_index, W1, b1, W2, b2):
    return _run(x, edge_index, W1, b1, W2, b2)

# --- scband reference (transcript-rebuilt; emitter-appended) ---
"""Pipeline reference for scband-gcn-53257594470567 (READ-ONLY COPY).

The authoritative reference and input builder live on the scoring server;
editing this copy changes nothing except your own understanding.
"""

import jax, jax.numpy as jnp
import numpy as np

N_NODES = 10000
N_EDGES = 320000
D_IN = 128
D_HID = 128
D_OUT = 128


def gcn_conv(x, src, dst, W, b, num_nodes):
    # Linear transform first (as in PyG GCNConv)
    h = x @ W
    # Add self loops
    loop = jnp.arange(num_nodes, dtype=src.dtype)
    src_sl = jnp.concatenate([src, loop])
    dst_sl = jnp.concatenate([dst, loop])
    # Symmetric normalization D^{-1/2} (A+I) D^{-1/2}
    ones = jnp.ones_like(dst_sl, dtype=h.dtype)
    deg = jax.ops.segment_sum(ones, dst_sl, num_segments=num_nodes)
    dinv = jnp.where(deg > 0, jax.lax.rsqrt(deg), 0.0)
    norm = dinv[src_sl] * dinv[dst_sl]
    # Gather messages, scale, scatter-add to destination nodes
    msg = h[src_sl] * norm[:, None]
    out = jax.ops.segment_sum(msg, dst_sl, num_segments=num_nodes)
    return out + b


def setup_inputs(seed: int = 0) -> dict:
    key = jax.random.key(seed)
    k1, k2, k3, k4, k5, k6 = jax.random.split(key, 6)
    x = jax.random.normal(k1, (N_NODES, D_IN), dtype=jnp.float32)
    edge_index = jax.random.randint(k2, (2, N_EDGES), 0, N_NODES, dtype=jnp.int64)
    s1 = 1.0 / np.sqrt(D_IN)
    s2 = 1.0 / np.sqrt(D_HID)
    W1 = jax.random.uniform(k3, (D_IN, D_HID), dtype=jnp.float32, minval=-s1, maxval=s1)
    b1 = jax.random.uniform(k4, (D_HID,), dtype=jnp.float32, minval=-s1, maxval=s1)
    W2 = jax.random.uniform(k5, (D_HID, D_OUT), dtype=jnp.float32, minval=-s2, maxval=s2)
    b2 = jax.random.uniform(k6, (D_OUT,), dtype=jnp.float32, minval=-s2, maxval=s2)
    return {"x": x, "edge_index": edge_index, "W1": W1, "b1": b1, "W2": W2, "b2": b2}


def reference(x, edge_index, W1, b1, W2, b2):
    src = edge_index[0]
    dst = edge_index[1]
    h = gcn_conv(x, src, dst, W1, b1, N_NODES)
    h = jax.nn.relu(h)
    # dropout p=0.5 is identity in eval mode
    h = gcn_conv(h, src, dst, W2, b2, N_NODES)
    return jax.nn.log_softmax(h, axis=1)

if __name__ == "__main__":
    import jax
    _d = setup_inputs()
    print(jax.jit(kernel)(*tuple(_d.values())))

</pallas_src>

<mosaic_0001>
#map = affine_map<(d0, d1) -> (0, 0)>
#map1 = affine_map<(d0, d1) -> (0, 0, 0)>
module attributes {stable_mosaic.version = 14 : i64} {
  func.func @_sc_degree_body(%arg0: i32, %arg1: i32, %arg2: memref<2560x128xi32, #tpu.memory_space<hbm>>, %arg3: memref<2x10240x128xf32, #tpu.memory_space<hbm>>, %arg4: memref<80x128xi32, #tpu.memory_space<vmem>>, %arg5: memref<128x128xf32, #tpu.memory_space<vmem>>, %arg6: memref<!tpu.dma_semaphore, #tpu.memory_space<semaphore_mem>>, %arg7: memref<10240x128xf32, #tpu.memory_space<vmem_shared>>) attributes {dimension_semantics = [#tpu.dimension_semantics<core_parallel>, #tpu.dimension_semantics<subcore_parallel>], iteration_bounds = array<i64: 2, 16>, scalar_prefetch = 0 : i64, scratch_operands = 4 : i64, tpu.core_type = #tpu.core_type<sc_vector_subcore>, window_params = [{transform_indices = #map}, {transform_indices = #map1}]} {
    %mul3A = arith.constant 16 : i32
    %mul3A_0 = arith.muli %arg0, %mul3A : i32
    %add3A = arith.addi %mul3A_0, %arg1 : i32
    %broadcast_in_dim3A = arith.constant 1.000000e+00 : f32
    %broadcast_in_dim3A_1 = vector.broadcast %broadcast_in_dim3A : f32 to vector<16xf32>
    %broadcast_in_dim3A_2 = arith.constant 0.000000e+00 : f32
    %broadcast_in_dim3A_3 = vector.broadcast %broadcast_in_dim3A_2 : f32 to vector<16xf32>
    %scan3A = arith.constant 0 : i32
    %scan3A_4 = arith.constant 0 : i32
    %scan3A_5 = arith.constant 1024 : i32
    %scan3A_6 = arith.addi %scan3A_4, %scan3A_5 : i32
    %scan3A_7 = arith.constant 1 : i32
    %scan3A_8 = scf.for %scan3A_43 = %scan3A_4 to %scan3A_6 step %scan3A_7 iter_args(%scan3A_44 = %scan3A) -> (i32)  : i32 {
      %jit3A = arith.constant 8 : i32
      %div3A = arith.divsi %scan3A_43, %jit3A : i32
      %sign3A = arith.constant 0 : i32
      %sign3A_45 = arith.cmpi sgt, %scan3A_43, %sign3A : i32
      %sign3A_46 = arith.extui %sign3A_45 : i1 to i32
      %sign3A_47 = arith.constant 0 : i32
      %sign3A_48 = arith.cmpi slt, %scan3A_43, %sign3A_47 : i32
      %sign3A_49 = arith.extui %sign3A_48 : i1 to i32
      %sign3A_50 = arith.subi %sign3A_46, %sign3A_49 : i32
      %sign3A_51 = arith.constant 0 : i32
      %sign3A_52 = arith.cmpi sgt, %jit3A, %sign3A_51 : i32
      %sign3A_53 = arith.extui %sign3A_52 : i1 to i32
      %sign3A_54 = arith.constant 0 : i32
      %sign3A_55 = arith.cmpi slt, %jit3A, %sign3A_54 : i32
      %sign3A_56 = arith.extui %sign3A_55 : i1 to i32
      %sign3A_57 = arith.subi %sign3A_53, %sign3A_56 : i32
      %ne3A = arith.cmpi ne, %sign3A_50, %sign3A_57 : i32
      %rem3A = arith.remsi %scan3A_43, %jit3A : i32
      %ne3A_58 = arith.constant 0 : i32
      %ne3A_59 = arith.cmpi ne, %rem3A, %ne3A_58 : i32
      %and3A = arith.andi %ne3A, %ne3A_59 : i1
      %sub3A = arith.constant 1 : i32
      %sub3A_60 = arith.subi %div3A, %sub3A : i32
      %select_n3A = arith.select %and3A, %sub3A_60, %div3A : i32
      %jit3A_61 = arith.constant 8 : i32
      %eq3A = arith.constant 0 : i32
      %eq3A_62 = arith.cmpi eq, %jit3A_61, %eq3A : i32
      %jit3A_63 = arith.constant 1 : i32
      %select_n3A_64 = arith.select %eq3A_62, %jit3A_63, %jit3A_61 : i32
      %rem3A_65 = arith.remsi %scan3A_43, %select_n3A_64 : i32
      %ne3A_66 = arith.constant 0 : i32
      %ne3A_67 = arith.cmpi ne, %rem3A_65, %ne3A_66 : i32
      %lt3A = arith.constant 0 : i32
      %lt3A_68 = arith.cmpi slt, %rem3A_65, %lt3A : i32
      %lt3A_69 = arith.constant 0 : i32
      %lt3A_70 = arith.cmpi slt, %select_n3A_64, %lt3A_69 : i32
      %ne3A_71 = arith.xori %lt3A_68, %lt3A_70 : i1
      %and3A_72 = arith.andi %ne3A_71, %ne3A_67 : i1
      %add3A_73 = arith.addi %rem3A_65, %select_n3A_64 : i32
      %select_n3A_74 = arith.select %and3A_72, %add3A_73, %rem3A_65 : i32
      %mul3A_75 = arith.constant 16 : i32
      %mul3A_76 = arith.muli %select_n3A_74, %mul3A_75 : i32
      %swap3A = arith.index_cast %select_n3A : i32 to index
      %swap3A_77 = arith.index_cast %mul3A_76 : i32 to index
      %swap3A_78 = tpu.vector_load %arg5[%swap3A, %swap3A_77] {strides = array<i32>} : memref<128x128xf32, #tpu.memory_space<vmem>>, vector<1x16xf32>,
      %swap3A_79 = vector.shape_cast %swap3A_78 : vector<1x16xf32> to vector<16xf32>
      %swap3A_80 = vector.shape_cast %broadcast_in_dim3A_3 : vector<16xf32> to vector<1x16xf32>
      tpu.vector_store %arg5[%swap3A, %swap3A_77], %swap3A_80 {strides = array<i32>} : memref<128x128xf32, #tpu.memory_space<vmem>>, vector<1x16xf32>,
      %scan3A_81 = arith.constant 0 : i32
      scf.yield %scan3A_81 : i32
    }
    %scan3A_9 = arith.constant 1024 : i32
    %mul3A_10 = arith.constant 640 : i32
    %mul3A_11 = arith.muli %arg1, %mul3A_10 : i32
    %scan3A_12 = arith.constant 0 : i32
    %scan3A_13 = arith.constant 0 : i32
    %scan3A_14 = arith.constant 5 : i32
    %scan3A_15 = arith.addi %scan3A_13, %scan3A_14 : i32
    %scan3A_16 = arith.constant 1 : i32
    %scan3A_17 = scf.for %scan3A_43 = %scan3A_13 to %scan3A_15 step %scan3A_16 iter_args(%scan3A_44 = %scan3A_12) -> (i32)  : i32 {
      %mul3A_45 = arith.constant 128 : i32
      %mul3A_46 = arith.muli %scan3A_43, %mul3A_45 : i32
      %add3A_47 = arith.addi %mul3A_11, %mul3A_46 : i32
      "tpu.region"() ({
        %run_scoped3A = tpu.sem_alloc : memref<!tpu.dma_semaphore, #tpu.memory_space<semaphore_mem>>
        %dma_start3A = arith.constant 0 : i32
        %dma_start3A_49 = tpu.memref_slice %arg7[%add3A_47, %dma_start3A] : memref<10240x128xf32, #tpu.memory_space<vmem_shared>> -> memref<128x128xf32, #tpu.memory_space<vmem_shared>>
        %dma_start3A_50 = arith.constant 0 : i32
        %dma_start3A_51 = tpu.memref_slice %arg7[%add3A_47, %dma_start3A_50] : memref<10240x128xf32, #tpu.memory_space<vmem_shared>> -> memref<128x128xf32, #tpu.memory_space<vmem_shared>>
        tpu.enqueue_dma source(%arg5 : memref<128x128xf32, #tpu.memory_space<vmem>>) target(%dma_start3A_51 : memref<128x128xf32, #tpu.memory_space<vmem_shared>>) target_semaphore(%run_scoped3A : memref<!tpu.dma_semaphore, #tpu.memory_space<semaphore_mem>>)
        %dma_wait3A = arith.constant 0 : i32
        %dma_wait3A_52 = tpu.memref_slice %arg7[%add3A_47, %dma_wait3A] : memref<10240x128xf32, #tpu.memory_space<vmem_shared>> -> memref<128x128xf32, #tpu.memory_space<vmem_shared>>
        %dma_wait3A_53 = arith.constant 0 : i32
        %dma_wait3A_54 = tpu.memref_slice %arg7[%add3A_47, %dma_wait3A_53] : memref<10240x128xf32, #tpu.memory_space<vmem_shared>> -> memref<128x128xf32, #tpu.memory_space<vmem_shared>>
        tpu.wait_dma2 semaphore(%run_scoped3A : memref<!tpu.dma_semaphore, #tpu.memory_space<semaphore_mem>>) src(%arg5 : memref<128x128xf32, #tpu.memory_space<vmem>>) dst(%dma_wait3A_54 : memref<128x128xf32, #tpu.memory_space<vmem_shared>>)
        tpu.yield
      }) : () -> ()
      %scan3A_48 = arith.constant 0 : i32
      scf.yield %scan3A_48 : i32
    }
    %scan3A_18 = arith.constant 5 : i32
    %scan3A_19 = arith.constant 0 : i32
    %scan3A_20 = arith.constant 0 : i32
    %scan3A_21 = arith.constant 1024 : i32
    %scan3A_22 = arith.addi %scan3A_20, %scan3A_21 : i32
    %scan3A_23 = arith.constant 1 : i32
    %scan3A_24 = scf.for %scan3A_43 = %scan3A_20 to %scan3A_22 step %scan3A_23 iter_args(%scan3A_44 = %scan3A_19) -> (i32)  : i32 {
      %jit3A = arith.constant 8 : i32
      %div3A = arith.divsi %scan3A_43, %jit3A : i32
      %sign3A = arith.constant 0 : i32
      %sign3A_45 = arith.cmpi sgt, %scan3A_43, %sign3A : i32
      %sign3A_46 = arith.extui %sign3A_45 : i1 to i32
      %sign3A_47 = arith.constant 0 : i32
      %sign3A_48 = arith.cmpi slt, %scan3A_43, %sign3A_47 : i32
      %sign3A_49 = arith.extui %sign3A_48 : i1 to i32
      %sign3A_50 = arith.subi %sign3A_46, %sign3A_49 : i32
      %sign3A_51 = arith.constant 0 : i32
      %sign3A_52 = arith.cmpi sgt, %jit3A, %sign3A_51 : i32
      %sign3A_53 = arith.extui %sign3A_52 : i1 to i32
      %sign3A_54 = arith.constant 0 : i32
      %sign3A_55 = arith.cmpi slt, %jit3A, %sign3A_54 : i32
      %sign3A_56 = arith.extui %sign3A_55 : i1 to i32
      %sign3A_57 = arith.subi %sign3A_53, %sign3A_56 : i32
      %ne3A = arith.cmpi ne, %sign3A_50, %sign3A_57 : i32
      %rem3A = arith.remsi %scan3A_43, %jit3A : i32
      %ne3A_58 = arith.constant 0 : i32
      %ne3A_59 = arith.cmpi ne, %rem3A, %ne3A_58 : i32
      %and3A = arith.andi %ne3A, %ne3A_59 : i1
      %sub3A = arith.constant 1 : i32
      %sub3A_60 = arith.subi %div3A, %sub3A : i32
      %select_n3A = arith.select %and3A, %sub3A_60, %div3A : i32
      %jit3A_61 = arith.constant 8 : i32
      %eq3A = arith.constant 0 : i32
      %eq3A_62 = arith.cmpi eq, %jit3A_61, %eq3A : i32
      %jit3A_63 = arith.constant 1 : i32
      %select_n3A_64 = arith.select %eq3A_62, %jit3A_63, %jit3A_61 : i32
      %rem3A_65 = arith.remsi %scan3A_43, %select_n3A_64 : i32
      %ne3A_66 = arith.constant 0 : i32
      %ne3A_67 = arith.cmpi ne, %rem3A_65, %ne3A_66 : i32
      %lt3A = arith.constant 0 : i32
      %lt3A_68 = arith.cmpi slt, %rem3A_65, %lt3A : i32
      %lt3A_69 = arith.constant 0 : i32
      %lt3A_70 = arith.cmpi slt, %select_n3A_64, %lt3A_69 : i32
      %ne3A_71 = arith.xori %lt3A_68, %lt3A_70 : i1
      %and3A_72 = arith.andi %ne3A_71, %ne3A_67 : i1
      %add3A_73 = arith.addi %rem3A_65, %select_n3A_64 : i32
      %select_n3A_74 = arith.select %and3A_72, %add3A_73, %rem3A_65 : i32
      %mul3A_75 = arith.constant 16 : i32
      %mul3A_76 = arith.muli %select_n3A_74, %mul3A_75 : i32
      %swap3A = arith.index_cast %select_n3A : i32 to index
      %swap3A_77 = arith.index_cast %mul3A_76 : i32 to index
      %swap3A_78 = tpu.vector_load %arg5[%swap3A, %swap3A_77] {strides = array<i32>} : memref<128x128xf32, #tpu.memory_space<vmem>>, vector<1x16xf32>,
      %swap3A_79 = vector.shape_cast %swap3A_78 : vector<1x16xf32> to vector<16xf32>
      %swap3A_80 = vector.shape_cast %broadcast_in_dim3A_1 : vector<16xf32> to vector<1x16xf32>
      tpu.vector_store %arg5[%swap3A, %swap3A_77], %swap3A_80 {strides = array<i32>} : memref<128x128xf32, #tpu.memory_space<vmem>>, vector<1x16xf32>,
      %scan3A_81 = arith.constant 0 : i32
      scf.yield %scan3A_81 : i32
    }
    %scan3A_25 = arith.constant 1024 : i32
    %mul3A_26 = arith.constant 80 : i32
    %mul3A_27 = arith.muli %add3A, %mul3A_26 : i32
    "tpu.region"() ({
      %run_scoped3A = tpu.sem_alloc : memref<!tpu.dma_semaphore, #tpu.memory_space<semaphore_mem>>
      %dma_start3A = arith.constant 0 : i32
      %dma_start3A_43 = tpu.memref_slice %arg2[%mul3A_27, %dma_start3A] : memref<2560x128xi32, #tpu.memory_space<hbm>> -> memref<80x128xi32, #tpu.memory_space<hbm>>
      %dma_start3A_44 = arith.constant 0 : i32
      %dma_start3A_45 = tpu.memref_slice %arg2[%mul3A_27, %dma_start3A_44] : memref<2560x128xi32, #tpu.memory_space<hbm>> -> memref<80x128xi32, #tpu.memory_space<hbm>>
      tpu.enqueue_dma source(%dma_start3A_45 : memref<80x128xi32, #tpu.memory_space<hbm>>) target(%arg4 : memref<80x128xi32, #tpu.memory_space<vmem>>) target_semaphore(%run_scoped3A : memref<!tpu.dma_semaphore, #tpu.memory_space<semaphore_mem>>)
      %dma_wait3A = arith.constant 0 : i32
      %dma_wait3A_46 = tpu.memref_slice %arg2[%mul3A_27, %dma_wait3A] : memref<2560x128xi32, #tpu.memory_space<hbm>> -> memref<80x128xi32, #tpu.memory_space<hbm>>
      %dma_wait3A_47 = arith.constant 0 : i32
      %dma_wait3A_48 = tpu.memref_slice %arg2[%mul3A_27, %dma_wait3A_47] : memref<2560x128xi32, #tpu.memory_space<hbm>> -> memref<80x128xi32, #tpu.memory_space<hbm>>
      tpu.wait_dma2 semaphore(%run_scoped3A : memref<!tpu.dma_semaphore, #tpu.memory_space<semaphore_mem>>) src(%dma_wait3A_48 : memref<80x128xi32, #tpu.memory_space<hbm>>) dst(%arg4 : memref<80x128xi32, #tpu.memory_space<vmem>>)
      tpu.yield
    }) : () -> ()
    %barrier3A = arith.constant 0 : index
    tpu.barrier barrier_id(%barrier3A)
    %scan3A_28 = arith.constant 0 : i32
    %scan3A_29 = arith.constant 0 : i32
    %scan3A_30 = arith.constant 80 : i32
    %scan3A_31 = arith.addi %scan3A_29, %scan3A_30 : i32
    %scan3A_32 = arith.constant 1 : i32
    %scan3A_33 = scf.for %scan3A_43 = %scan3A_29 to %scan3A_31 step %scan3A_32 iter_args(%scan3A_44 = %scan3A_28) -> (i32)  : i32 {
      %dma_start3A = arith.constant 0 : i32
      %dma_start3A_45 = tpu.memref_slice %arg4[%scan3A_43, %dma_start3A] : memref<80x128xi32, #tpu.memory_space<vmem>> -> memref<1x128xi32, #tpu.memory_space<vmem>>
      %dma_start3A_46 = tpu.memref_squeeze %dma_start3A_45 : memref<1x128xi32, #tpu.memory_space<vmem>> -> memref<128xi32, #tpu.memory_space<vmem>>
      %dma_start3A_47 = arith.constant 0 : i32
      %dma_start3A_48 = arith.constant 0 : i32
      %dma_start3A_49 = tpu.memref_slice %arg7[%dma_start3A_47, %dma_start3A_48] : memref<10240x128xf32, #tpu.memory_space<vmem_shared>> -> memref<10240x128xf32, #tpu.memory_space<vmem_shared>>
      tpu.enqueue_indirect_dma source(%arg5 : memref<128x128xf32, #tpu.memory_space<vmem>>) target(%dma_start3A_49 : memref<10240x128xf32, #tpu.memory_space<vmem_shared>>) offsets(%dma_start3A_46 : memref<128xi32, #tpu.memory_space<vmem>>) semaphore(%arg6 : memref<!tpu.dma_semaphore, #tpu.memory_space<semaphore_mem>>) {add = true}
      %scan3A_50 = arith.constant 0 : i32
      scf.yield %scan3A_50 : i32
    }
    %scan3A_34 = arith.constant 80 : i32
    %scan3A_35 = arith.constant 0 : i32
    %scan3A_36 = arith.constant 0 : i32
    %scan3A_37 = arith.constant 80 : i32
    %scan3A_38 = arith.addi %scan3A_36, %scan3A_37 : i32
    %scan3A_39 = arith.constant 1 : i32
    %scan3A_40 = scf.for %scan3A_43 = %scan3A_36 to %scan3A_38 step %scan3A_39 iter_args(%scan3A_44 = %scan3A_35) -> (i32)  : i32 {
      %dma_wait3A = arith.constant 0 : i32
      %dma_wait3A_45 = tpu.memref_slice %arg4[%scan3A_43, %dma_wait3A] : memref<80x128xi32, #tpu.memory_space<vmem>> -> memref<1x128xi32, #tpu.memory_space<vmem>>
      %dma_wait3A_46 = tpu.memref_squeeze %dma_wait3A_45 : memref<1x128xi32, #tpu.memory_space<vmem>> -> memref<128xi32, #tpu.memory_space<vmem>>
      %dma_wait3A_47 = arith.constant 0 : i32
      %dma_wait3A_48 = arith.constant 0 : i32
      %dma_wait3A_49 = tpu.memref_slice %arg7[%dma_wait3A_47, %dma_wait3A_48] : memref<10240x128xf32, #tpu.memory_space<vmem_shared>> -> memref<10240x128xf32, #tpu.memory_space<vmem_shared>>
      tpu.wait_indirect_dma semaphore(%arg6 : memref<!tpu.dma_semaphore, #tpu.memory_space<semaphore_mem>>) src(%arg5 : memref<128x128xf32, #tpu.memory_space<vmem>>) dst(%dma_wait3A_49 : memref<10240x128xf32, #tpu.memory_space<vmem_shared>>)
      %scan3A_50 = arith.constant 0 : i32
      scf.yield %scan3A_50 : i32
    }
    %scan3A_41 = arith.constant 80 : i32
    %barrier3A_42 = arith.constant 0 : index
    tpu.barrier barrier_id(%barrier3A_42)
    "tpu.region"() ({
      %run_scoped3A = tpu.sem_alloc : memref<!tpu.dma_semaphore, #tpu.memory_space<semaphore_mem>>
      %dma_start3A = arith.constant 0 : i32
      %dma_start3A_43 = tpu.memref_slice %arg3[%arg0, %mul3A_11, %dma_start3A] : memref<2x10240x128xf32, #tpu.memory_space<hbm>> -> memref<1x640x128xf32, #tpu.memory_space<hbm>>
      %dma_start3A_44 = tpu.memref_squeeze %dma_start3A_43 : memref<1x640x128xf32, #tpu.memory_space<hbm>> -> memref<640x128xf32, #tpu.memory_space<hbm>>
      %dma_start3A_45 = arith.constant 0 : i32
      %dma_start3A_46 = tpu.memref_slice %arg7[%mul3A_11, %dma_start3A_45] : memref<10240x128xf32, #tpu.memory_space<vmem_shared>> -> memref<640x128xf32, #tpu.memory_space<vmem_shared>>
      tpu.enqueue_dma source(%dma_start3A_46 : memref<640x128xf32, #tpu.memory_space<vmem_shared>>) target(%dma_start3A_44 : memref<640x128xf32, #tpu.memory_space<hbm>>) target_semaphore(%run_scoped3A : memref<!tpu.dma_semaphore, #tpu.memory_space<semaphore_mem>>)
      %dma_wait3A = arith.constant 0 : i32
      %dma_wait3A_47 = tpu.memref_slice %arg3[%arg0, %mul3A_11, %dma_wait3A] : memref<2x10240x128xf32, #tpu.memory_space<hbm>> -> memref<1x640x128xf32, #tpu.memory_space<hbm>>
      %dma_wait3A_48 = tpu.memref_squeeze %dma_wait3A_47 : memref<1x640x128xf32, #tpu.memory_space<hbm>> -> memref<640x128xf32, #tpu.memory_space<hbm>>
      %dma_wait3A_49 = arith.constant 0 : i32
      %dma_wait3A_50 = tpu.memref_slice %arg7[%mul3A_11, %dma_wait3A_49] : memref<10240x128xf32, #tpu.memory_space<vmem_shared>> -> memref<640x128xf32, #tpu.memory_space<vmem_shared>>
      tpu.wait_dma2 semaphore(%run_scoped3A : memref<!tpu.dma_semaphore, #tpu.memory_space<semaphore_mem>>) src(%dma_wait3A_50 : memref<640x128xf32, #tpu.memory_space<vmem_shared>>) dst(%dma_wait3A_48 : memref<640x128xf32, #tpu.memory_space<hbm>>)
      tpu.yield
    }) : () -> ()
    return
  }
}

#map = affine_map<(d0, d1) -> (0, 0)>
module attributes {stable_mosaic.version = 14 : i64} {
  func.func @_sc_agg_body(%arg0: i32, %arg1: i32, %arg2: memref<10000x128xf32, #tpu.memory_space<hbm>>, %arg3: memref<2560x128xi32, #tpu.memory_space<hbm>>, %arg4: memref<2560x128xi32, #tpu.memory_space<hbm>>, %arg5: memref<10240x128xf32, #tpu.memory_space<hbm>>, %arg6: memref<40x128xi32, #tpu.memory_space<vmem>>, %arg7: memref<40x128xi32, #tpu.memory_space<vmem>>, %arg8: memref<128x128xf32, #tpu.memory_space<vmem>>, %arg9: memref<128x128xf32, #tpu.memory_space<vmem>>, %arg10: memref<!tpu.dma_semaphore, #tpu.memory_space<semaphore_mem>>, %arg11: memref<10240x128xf32, #tpu.memory_space<vmem_shared>>) attributes {dimension_semantics = [#tpu.dimension_semantics<core_parallel>, #tpu.dimension_semantics<subcore_parallel>], iteration_bounds = array<i64: 2, 16>, scalar_prefetch = 0 : i64, scratch_operands = 6 : i64, tpu.core_type = #tpu.core_type<sc_vector_subcore>, window_params = [{transform_indices = #map}, {transform_indices = #map}, {transform_indices = #map}, {transform_indices = #map}]} {
    %broadcast_in_dim3A = arith.constant 0.000000e+00 : f32
    %broadcast_in_dim3A_0 = vector.broadcast %broadcast_in_dim3A : f32 to vector<16xf32>
    %mul3A = arith.constant 640 : i32
    %mul3A_1 = arith.muli %arg1, %mul3A : i32
    %eq3A = arith.constant 0 : i32
    %eq3A_2 = arith.cmpi eq, %arg0, %eq3A : i32
    %convert_element_type3A = arith.extui %eq3A_2 : i1 to i32
    %cond3A = arith.constant 0 : i32
    %cond3A_3 = arith.cmpi ne, %convert_element_type3A, %cond3A : i32
    scf.if %cond3A_3 {
      %scan3A = arith.constant 0 : i32
      %scan3A_4 = arith.constant 0 : i32
      %scan3A_5 = arith.constant 1024 : i32
      %scan3A_6 = arith.addi %scan3A_4, %scan3A_5 : i32
      %scan3A_7 = arith.constant 1 : i32
      %scan3A_8 = scf.for %scan3A_88 = %scan3A_4 to %scan3A_6 step %scan3A_7 iter_args(%scan3A_89 = %scan3A) -> (i32)  : i32 {
        %jit3A = arith.constant 8 : i32
        %div3A = arith.divsi %scan3A_88, %jit3A : i32
        %sign3A = arith.constant 0 : i32
        %sign3A_90 = arith.cmpi sgt, %scan3A_88, %sign3A : i32
        %sign3A_91 = arith.extui %sign3A_90 : i1 to i32
        %sign3A_92 = arith.constant 0 : i32
        %sign3A_93 = arith.cmpi slt, %scan3A_88, %sign3A_92 : i32
        %sign3A_94 = arith.extui %sign3A_93 : i1 to i32
        %sign3A_95 = arith.subi %sign3A_91, %sign3A_94 : i32
        %sign3A_96 = arith.constant 0 : i32
        %sign3A_97 = arith.cmpi sgt, %jit3A, %sign3A_96 : i32
        %sign3A_98 = arith.extui %sign3A_97 : i1 to i32
        %sign3A_99 = arith.constant 0 : i32
        %sign3A_100 = arith.cmpi slt, %jit3A, %sign3A_99 : i32
        %sign3A_101 = arith.extui %sign3A_100 : i1 to i32
        %sign3A_102 = arith.subi %sign3A_98, %sign3A_101 : i32
        %ne3A = arith.cmpi ne, %sign3A_95, %sign3A_102 : i32
        %rem3A = arith.remsi %scan3A_88, %jit3A : i32
        %ne3A_103 = arith.constant 0 : i32
        %ne3A_104 = arith.cmpi ne, %rem3A, %ne3A_103 : i32
        %and3A = arith.andi %ne3A, %ne3A_104 : i1
        %sub3A = arith.constant 1 : i32
        %sub3A_105 = arith.subi %div3A, %sub3A : i32
        %select_n3A = arith.select %and3A, %sub3A_105, %div3A : i32
        %jit3A_106 = arith.constant 8 : i32
        %eq3A_107 = arith.constant 0 : i32
        %eq3A_108 = arith.cmpi eq, %jit3A_106, %eq3A_107 : i32
        %jit3A_109 = arith.constant 1 : i32
        %select_n3A_110 = arith.select %eq3A_108, %jit3A_109, %jit3A_106 : i32
        %rem3A_111 = arith.remsi %scan3A_88, %select_n3A_110 : i32
        %ne3A_112 = arith.constant 0 : i32
        %ne3A_113 = arith.cmpi ne, %rem3A_111, %ne3A_112 : i32
        %lt3A = arith.constant 0 : i32
        %lt3A_114 = arith.cmpi slt, %rem3A_111, %lt3A : i32
        %lt3A_115 = arith.constant 0 : i32
        %lt3A_116 = arith.cmpi slt, %select_n3A_110, %lt3A_115 : i32
        %ne3A_117 = arith.xori %lt3A_114, %lt3A_116 : i1
        %and3A_118 = arith.andi %ne3A_117, %ne3A_113 : i1
        %add3A_119 = arith.addi %rem3A_111, %select_n3A_110 : i32
        %select_n3A_120 = arith.select %and3A_118, %add3A_119, %rem3A_111 : i32
        %mul3A_121 = arith.constant 16 : i32
        %mul3A_122 = arith.muli %select_n3A_120, %mul3A_121 : i32
        %swap3A = arith.index_cast %select_n3A : i32 to index
        %swap3A_123 = arith.index_cast %mul3A_122 : i32 to index
        %swap3A_124 = tpu.vector_load %arg8[%swap3A, %swap3A_123] {strides = array<i32>} : memref<128x128xf32, #tpu.memory_space<vmem>>, vector<1x16xf32>,
        %swap3A_125 = vector.shape_cast %swap3A_124 : vector<1x16xf32> to vector<16xf32>
        %swap3A_126 = vector.shape_cast %broadcast_in_dim3A_0 : vector<16xf32> to vector<1x16xf32>
        tpu.vector_store %arg8[%swap3A, %swap3A_123], %swap3A_126 {strides = array<i32>} : memref<128x128xf32, #tpu.memory_space<vmem>>, vector<1x16xf32>,
        %scan3A_127 = arith.constant 0 : i32
        scf.yield %scan3A_127 : i32
      }
      %scan3A_9 = arith.constant 1024 : i32
      %scan3A_10 = arith.constant 0 : i32
      %scan3A_11 = arith.constant 0 : i32
      %scan3A_12 = arith.constant 5 : i32
      %scan3A_13 = arith.addi %scan3A_11, %scan3A_12 : i32
      %scan3A_14 = arith.constant 1 : i32
      %scan3A_15 = scf.for %scan3A_88 = %scan3A_11 to %scan3A_13 step %scan3A_14 iter_args(%scan3A_89 = %scan3A_10) -> (i32)  : i32 {
        %mul3A_90 = arith.constant 128 : i32
        %mul3A_91 = arith.muli %scan3A_88, %mul3A_90 : i32
        %add3A_92 = arith.addi %mul3A_1, %mul3A_91 : i32
        "tpu.region"() ({
          %run_scoped3A = tpu.sem_alloc : memref<!tpu.dma_semaphore, #tpu.memory_space<semaphore_mem>>
          %dma_start3A_94 = arith.constant 0 : i32
          %dma_start3A_95 = tpu.memref_slice %arg11[%add3A_92, %dma_start3A_94] : memref<10240x128xf32, #tpu.memory_space<vmem_shared>> -> memref<128x128xf32, #tpu.memory_space<vmem_shared>>
          %dma_start3A_96 = arith.constant 0 : i32
          %dma_start3A_97 = tpu.memref_slice %arg11[%add3A_92, %dma_start3A_96] : memref<10240x128xf32, #tpu.memory_space<vmem_shared>> -> memref<128x128xf32, #tpu.memory_space<vmem_shared>>
          tpu.enqueue_dma source(%arg8 : memref<128x128xf32, #tpu.memory_space<vmem>>) target(%dma_start3A_97 : memref<128x128xf32, #tpu.memory_space<vmem_shared>>) target_semaphore(%run_scoped3A : memref<!tpu.dma_semaphore, #tpu.memory_space<semaphore_mem>>)
          %dma_wait3A = arith.constant 0 : i32
          %dma_wait3A_98 = tpu.memref_slice %arg11[%add3A_92, %dma_wait3A] : memref<10240x128xf32, #tpu.memory_space<vmem_shared>> -> memref<128x128xf32, #tpu.memory_space<vmem_shared>>
          %dma_wait3A_99 = arith.constant 0 : i32
          %dma_wait3A_100 = tpu.memref_slice %arg11[%add3A_92, %dma_wait3A_99] : memref<10240x128xf32, #tpu.memory_space<vmem_shared>> -> memref<128x128xf32, #tpu.memory_space<vmem_shared>>
          tpu.wait_dma2 semaphore(%run_scoped3A : memref<!tpu.dma_semaphore, #tpu.memory_space<semaphore_mem>>) src(%arg8 : memref<128x128xf32, #tpu.memory_space<vmem>>) dst(%dma_wait3A_100 : memref<128x128xf32, #tpu.memory_space<vmem_shared>>)
          tpu.yield
        }) : () -> ()
        %scan3A_93 = arith.constant 0 : i32
        scf.yield %scan3A_93 : i32
      }
      %scan3A_16 = arith.constant 5 : i32
      %barrier3A = arith.constant 0 : index
      tpu.barrier barrier_id(%barrier3A)
      %mul3A_17 = arith.constant 160 : i32
      %mul3A_18 = arith.muli %arg1, %mul3A_17 : i32
      %add3A = arith.constant 0 : i32
      %add3A_19 = arith.addi %mul3A_18, %add3A : i32
      "tpu.region"() ({
        %run_scoped3A = tpu.sem_alloc : memref<!tpu.dma_semaphore, #tpu.memory_space<semaphore_mem>>
        %dma_start3A_88 = arith.constant 0 : i32
        %dma_start3A_89 = tpu.memref_slice %arg3[%add3A_19, %dma_start3A_88] : memref<2560x128xi32, #tpu.memory_space<hbm>> -> memref<40x128xi32, #tpu.memory_space<hbm>>
        %dma_start3A_90 = arith.constant 0 : i32
        %dma_start3A_91 = tpu.memref_slice %arg3[%add3A_19, %dma_start3A_90] : memref<2560x128xi32, #tpu.memory_space<hbm>> -> memref<40x128xi32, #tpu.memory_space<hbm>>
        tpu.enqueue_dma source(%dma_start3A_91 : memref<40x128xi32, #tpu.memory_space<hbm>>) target(%arg6 : memref<40x128xi32, #tpu.memory_space<vmem>>) target_semaphore(%run_scoped3A : memref<!tpu.dma_semaphore, #tpu.memory_space<semaphore_mem>>)
        %dma_wait3A = arith.constant 0 : i32
        %dma_wait3A_92 = tpu.memref_slice %arg3[%add3A_19, %dma_wait3A] : memref<2560x128xi32, #tpu.memory_space<hbm>> -> memref<40x128xi32, #tpu.memory_space<hbm>>
        %dma_wait3A_93 = arith.constant 0 : i32
        %dma_wait3A_94 = tpu.memref_slice %arg3[%add3A_19, %dma_wait3A_93] : memref<2560x128xi32, #tpu.memory_space<hbm>> -> memref<40x128xi32, #tpu.memory_space<hbm>>
        tpu.wait_dma2 semaphore(%run_scoped3A : memref<!tpu.dma_semaphore, #tpu.memory_space<semaphore_mem>>) src(%dma_wait3A_94 : memref<40x128xi32, #tpu.memory_space<hbm>>) dst(%arg6 : memref<40x128xi32, #tpu.memory_space<vmem>>)
        tpu.yield
      }) : () -> ()
      "tpu.region"() ({
        %run_scoped3A = tpu.sem_alloc : memref<!tpu.dma_semaphore, #tpu.memory_space<semaphore_mem>>
        %dma_start3A_88 = arith.constant 0 : i32
        %dma_start3A_89 = tpu.memref_slice %arg4[%add3A_19, %dma_start3A_88] : memref<2560x128xi32, #tpu.memory_space<hbm>> -> memref<40x128xi32, #tpu.memory_space<hbm>>
        %dma_start3A_90 = arith.constant 0 : i32
        %dma_start3A_91 = tpu.memref_slice %arg4[%add3A_19, %dma_start3A_90] : memref<2560x128xi32, #tpu.memory_space<hbm>> -> memref<40x128xi32, #tpu.memory_space<hbm>>
        tpu.enqueue_dma source(%dma_start3A_91 : memref<40x128xi32, #tpu.memory_space<hbm>>) target(%arg7 : memref<40x128xi32, #tpu.memory_space<vmem>>) target_semaphore(%run_scoped3A : memref<!tpu.dma_semaphore, #tpu.memory_space<semaphore_mem>>)
        %dma_wait3A = arith.constant 0 : i32
        %dma_wait3A_92 = tpu.memref_slice %arg4[%add3A_19, %dma_wait3A] : memref<2560x128xi32, #tpu.memory_space<hbm>> -> memref<40x128xi32, #tpu.memory_space<hbm>>
        %dma_wait3A_93 = arith.constant 0 : i32
        %dma_wait3A_94 = tpu.memref_slice %arg4[%add3A_19, %dma_wait3A_93] : memref<2560x128xi32, #tpu.memory_space<hbm>> -> memref<40x128xi32, #tpu.memory_space<hbm>>
        tpu.wait_dma2 semaphore(%run_scoped3A : memref<!tpu.dma_semaphore, #tpu.memory_space<semaphore_mem>>) src(%dma_wait3A_94 : memref<40x128xi32, #tpu.memory_space<hbm>>) dst(%arg7 : memref<40x128xi32, #tpu.memory_space<vmem>>)
        tpu.yield
      }) : () -> ()
      %dma_start3A = arith.constant 0 : i32
      %dma_start3A_20 = arith.constant 0 : i32
      %dma_start3A_21 = tpu.memref_slice %arg6[%dma_start3A, %dma_start3A_20] : memref<40x128xi32, #tpu.memory_space<vmem>> -> memref<1x128xi32, #tpu.memory_space<vmem>>
      %dma_start3A_22 = tpu.memref_squeeze %dma_start3A_21 : memref<1x128xi32, #tpu.memory_space<vmem>> -> memref<128xi32, #tpu.memory_space<vmem>>
      %dma_start3A_23 = arith.constant 0 : i32
      %dma_start3A_24 = arith.constant 0 : i32
      %dma_start3A_25 = tpu.memref_slice %arg2[%dma_start3A_23, %dma_start3A_24] : memref<10000x128xf32, #tpu.memory_space<hbm>> -> memref<10000x128xf32, #tpu.memory_space<hbm>>
      tpu.enqueue_indirect_dma source(%dma_start3A_25 : memref<10000x128xf32, #tpu.memory_space<hbm>>) target(%arg8 : memref<128x128xf32, #tpu.memory_space<vmem>>) offsets(%dma_start3A_22 : memref<128xi32, #tpu.memory_space<vmem>>) semaphore(%arg10 : memref<!tpu.dma_semaphore, #tpu.memory_space<semaphore_mem>>)
      %scan3A_26 = arith.constant 0 : i32
      %scan3A_27 = arith.constant 0 : i32
      %scan3A_28 = arith.constant 20 : i32
      %scan3A_29 = arith.addi %scan3A_27, %scan3A_28 : i32
      %scan3A_30 = arith.constant 1 : i32
      %scan3A_31 = scf.for %scan3A_88 = %scan3A_27 to %scan3A_29 step %scan3A_30 iter_args(%scan3A_89 = %scan3A_26) -> (i32)  : i32 {
        %mul3A_90 = arith.constant 2 : i32
        %mul3A_91 = arith.muli %mul3A_90, %scan3A_88 : i32
        %add3A_92 = arith.constant 1 : i32
        %add3A_93 = arith.addi %mul3A_91, %add3A_92 : i32
        %dma_start3A_94 = arith.constant 0 : i32
        %dma_start3A_95 = tpu.memref_slice %arg6[%add3A_93, %dma_start3A_94] : memref<40x128xi32, #tpu.memory_space<vmem>> -> memref<1x128xi32, #tpu.memory_space<vmem>>
        %dma_start3A_96 = tpu.memref_squeeze %dma_start3A_95 : memref<1x128xi32, #tpu.memory_space<vmem>> -> memref<128xi32, #tpu.memory_space<vmem>>
        %dma_start3A_97 = arith.constant 0 : i32
        %dma_start3A_98 = arith.constant 0 : i32
        %dma_start3A_99 = tpu.memref_slice %arg2[%dma_start3A_97, %dma_start3A_98] : memref<10000x128xf32, #tpu.memory_space<hbm>> -> memref<10000x128xf32, #tpu.memory_space<hbm>>
        tpu.enqueue_indirect_dma source(%dma_start3A_99 : memref<10000x128xf32, #tpu.memory_space<hbm>>) target(%arg9 : memref<128x128xf32, #tpu.memory_space<vmem>>) offsets(%dma_start3A_96 : memref<128xi32, #tpu.memory_space<vmem>>) semaphore(%arg10 : memref<!tpu.dma_semaphore, #tpu.memory_space<semaphore_mem>>)
        %dma_wait3A = arith.constant 0 : i32
        %dma_wait3A_100 = tpu.memref_slice %arg6[%mul3A_91, %dma_wait3A] : memref<40x128xi32, #tpu.memory_space<vmem>> -> memref<1x128xi32, #tpu.memory_space<vmem>>
        %dma_wait3A_101 = tpu.memref_squeeze %dma_wait3A_100 : memref<1x128xi32, #tpu.memory_space<vmem>> -> memref<128xi32, #tpu.memory_space<vmem>>
        %dma_wait3A_102 = arith.constant 0 : i32
        %dma_wait3A_103 = arith.constant 0 : i32
        %dma_wait3A_104 = tpu.memref_slice %arg2[%dma_wait3A_102, %dma_wait3A_103] : memref<10000x128xf32, #tpu.memory_space<hbm>> -> memref<10000x128xf32, #tpu.memory_space<hbm>>
        tpu.wait_indirect_dma semaphore(%arg10 : memref<!tpu.dma_semaphore, #tpu.memory_space<semaphore_mem>>) src(%dma_wait3A_104 : memref<10000x128xf32, #tpu.memory_space<hbm>>) dst(%arg8 : memref<128x128xf32, #tpu.memory_space<vmem>>)
        "tpu.region"() ({
          %run_scoped3A = tpu.sem_alloc : memref<!tpu.dma_semaphore, #tpu.memory_space<semaphore_mem>>
          %dma_start3A_120 = arith.constant 0 : i32
          %dma_start3A_121 = tpu.memref_slice %arg7[%mul3A_91, %dma_start3A_120] : memref<40x128xi32, #tpu.memory_space<vmem>> -> memref<1x128xi32, #tpu.memory_space<vmem>>
          %dma_start3A_122 = tpu.memref_squeeze %dma_start3A_121 : memref<1x128xi32, #tpu.memory_space<vmem>> -> memref<128xi32, #tpu.memory_space<vmem>>
          %dma_start3A_123 = arith.constant 0 : i32
          %dma_start3A_124 = arith.constant 0 : i32
          %dma_start3A_125 = tpu.memref_slice %arg11[%dma_start3A_123, %dma_start3A_124] : memref<10240x128xf32, #tpu.memory_space<vmem_shared>> -> memref<10240x128xf32, #tpu.memory_space<vmem_shared>>
          tpu.enqueue_indirect_dma source(%arg8 : memref<128x128xf32, #tpu.memory_space<vmem>>) target(%dma_start3A_125 : memref<10240x128xf32, #tpu.memory_space<vmem_shared>>) offsets(%dma_start3A_122 : memref<128xi32, #tpu.memory_space<vmem>>) semaphore(%run_scoped3A : memref<!tpu.dma_semaphore, #tpu.memory_space<semaphore_mem>>) {add = true}
          %dma_wait3A_126 = arith.constant 0 : i32
          %dma_wait3A_127 = tpu.memref_slice %arg7[%mul3A_91, %dma_wait3A_126] : memref<40x128xi32, #tpu.memory_space<vmem>> -> memref<1x128xi32, #tpu.memory_space<vmem>>
          %dma_wait3A_128 = tpu.memref_squeeze %dma_wait3A_127 : memref<1x128xi32, #tpu.memory_space<vmem>> -> memref<128xi32, #tpu.memory_space<vmem>>
          %dma_wait3A_129 = arith.constant 0 : i32
          %dma_wait3A_130 = arith.constant 0 : i32
          %dma_wait3A_131 = tpu.memref_slice %arg11[%dma_wait3A_129, %dma_wait3A_130] : memref<10240x128xf32, #tpu.memory_space<vmem_shared>> -> memref<10240x128xf32, #tpu.memory_space<vmem_shared>>
          tpu.wait_indirect_dma semaphore(%run_scoped3A : memref<!tpu.dma_semaphore, #tpu.memory_space<semaphore_mem>>) src(%arg8 : memref<128x128xf32, #tpu.memory_space<vmem>>) dst(%dma_wait3A_131 : memref<10240x128xf32, #tpu.memory_space<vmem_shared>>)
          tpu.yield
        }) : () -> ()
        %lt3A = arith.constant 19 : i32
        %lt3A_105 = arith.cmpi slt, %scan3A_88, %lt3A : i32
        %convert_element_type3A_106 = arith.extui %lt3A_105 : i1 to i32
        %cond3A_107 = arith.constant 0 : i32
        %cond3A_108 = arith.cmpi ne, %convert_element_type3A_106, %cond3A_107 : i32
        scf.if %cond3A_108 {
          %add3A_120 = arith.constant 2 : i32
          %add3A_121 = arith.addi %mul3A_91, %add3A_120 : i32
          %dma_start3A_122 = arith.constant 0 : i32
          %dma_start3A_123 = tpu.memref_slice %arg6[%add3A_121, %dma_start3A_122] : memref<40x128xi32, #tpu.memory_space<vmem>> -> memref<1x128xi32, #tpu.memory_space<vmem>>
          %dma_start3A_124 = tpu.memref_squeeze %dma_start3A_123 : memref<1x128xi32, #tpu.memory_space<vmem>> -> memref<128xi32, #tpu.memory_space<vmem>>
          %dma_start3A_125 = arith.constant 0 : i32
          %dma_start3A_126 = arith.constant 0 : i32
          %dma_start3A_127 = tpu.memref_slice %arg2[%dma_start3A_125, %dma_start3A_126] : memref<10000x128xf32, #tpu.memory_space<hbm>> -> memref<10000x128xf32, #tpu.memory_space<hbm>>
          tpu.enqueue_indirect_dma source(%dma_start3A_127 : memref<10000x128xf32, #tpu.memory_space<hbm>>) target(%arg8 : memref<128x128xf32, #tpu.memory_space<vmem>>) offsets(%dma_start3A_124 : memref<128xi32, #tpu.memory_space<vmem>>) semaphore(%arg10 : memref<!tpu.dma_semaphore, #tpu.memory_space<semaphore_mem>>)
        } else {
        }
        %add3A_109 = arith.constant 1 : i32
        %add3A_110 = arith.addi %mul3A_91, %add3A_109 : i32
        %dma_wait3A_111 = arith.constant 0 : i32
        %dma_wait3A_112 = tpu.memref_slice %arg6[%add3A_110, %dma_wait3A_111] : memref<40x128xi32, #tpu.memory_space<vmem>> -> memref<1x128xi32, #tpu.memory_space<vmem>>
        %dma_wait3A_113 = tpu.memref_squeeze %dma_wait3A_112 : memref<1x128xi32, #tpu.memory_space<vmem>> -> memref<128xi32, #tpu.memory_space<vmem>>
        %dma_wait3A_114 = arith.constant 0 : i32
        %dma_wait3A_115 = arith.constant 0 : i32
        %dma_wait3A_116 = tpu.memref_slice %arg2[%dma_wait3A_114, %dma_wait3A_115] : memref<10000x128xf32, #tpu.memory_space<hbm>> -> memref<10000x128xf32, #tpu.memory_space<hbm>>
        tpu.wait_indirect_dma semaphore(%arg10 : memref<!tpu.dma_semaphore, #tpu.memory_space<semaphore_mem>>) src(%dma_wait3A_116 : memref<10000x128xf32, #tpu.memory_space<hbm>>) dst(%arg9 : memref<128x128xf32, #tpu.memory_space<vmem>>)
        %add3A_117 = arith.constant 1 : i32
        %add3A_118 = arith.addi %mul3A_91, %add3A_117 : i32
        "tpu.region"() ({
          %run_scoped3A = tpu.sem_alloc : memref<!tpu.dma_semaphore, #tpu.memory_space<semaphore_mem>>
          %dma_start3A_120 = arith.constant 0 : i32
          %dma_start3A_121 = tpu.memref_slice %arg7[%add3A_118, %dma_start3A_120] : memref<40x128xi32, #tpu.memory_space<vmem>> -> memref<1x128xi32, #tpu.memory_space<vmem>>
          %dma_start3A_122 = tpu.memref_squeeze %dma_start3A_121 : memref<1x128xi32, #tpu.memory_space<vmem>> -> memref<128xi32, #tpu.memory_space<vmem>>
          %dma_start3A_123 = arith.constant 0 : i32
          %dma_start3A_124 = arith.constant 0 : i32
          %dma_start3A_125 = tpu.memref_slice %arg11[%dma_start3A_123, %dma_start3A_124] : memref<10240x128xf32, #tpu.memory_space<vmem_shared>> -> memref<10240x128xf32, #tpu.memory_space<vmem_shared>>
          tpu.enqueue_indirect_dma source(%arg9 : memref<128x128xf32, #tpu.memory_space<vmem>>) target(%dma_start3A_125 : memref<10240x128xf32, #tpu.memory_space<vmem_shared>>) offsets(%dma_start3A_122 : memref<128xi32, #tpu.memory_space<vmem>>) semaphore(%run_scoped3A : memref<!tpu.dma_semaphore, #tpu.memory_space<semaphore_mem>>) {add = true}
          %dma_wait3A_126 = arith.constant 0 : i32
          %dma_wait3A_127 = tpu.memref_slice %arg7[%add3A_118, %dma_wait3A_126] : memref<40x128xi32, #tpu.memory_space<vmem>> -> memref<1x128xi32, #tpu.memory_space<vmem>>
          %dma_wait3A_128 = tpu.memref_squeeze %dma_wait3A_127 : memref<1x128xi32, #tpu.memory_space<vmem>> -> memref<128xi32, #tpu.memory_space<vmem>>
          %dma_wait3A_129 = arith.constant 0 : i32
          %dma_wait3A_130 = arith.constant 0 : i32
          %dma_wait3A_131 = tpu.memref_slice %arg11[%dma_wait3A_129, %dma_wait3A_130] : memref<10240x128xf32, #tpu.memory_space<vmem_shared>> -> memref<10240x128xf32, #tpu.memory_space<vmem_shared>>
          tpu.wait_indirect_dma semaphore(%run_scoped3A : memref<!tpu.dma_semaphore, #tpu.memory_space<semaphore_mem>>) src(%arg9 : memref<128x128xf32, #tpu.memory_space<vmem>>) dst(%dma_wait3A_131 : memref<10240x128xf32, #tpu.memory_space<vmem_shared>>)
          tpu.yield
        }) : () -> ()
        %scan3A_119 = arith.constant 0 : i32
        scf.yield %scan3A_119 : i32
      }
      %scan3A_32 = arith.constant 20 : i32
      %mul3A_33 = arith.constant 160 : i32
      %mul3A_34 = arith.muli %arg1, %mul3A_33 : i32
      %add3A_35 = arith.constant 40 : i32
      %add3A_36 = arith.addi %mul3A_34, %add3A_35 : i32
      "tpu.region"() ({
        %run_scoped3A = tpu.sem_alloc : memref<!tpu.dma_semaphore, #tpu.memory_space<semaphore_mem>>
        %dma_start3A_88 = arith.constant 0 : i32
        %dma_start3A_89 = tpu.memref_slice %arg3[%add3A_36, %dma_start3A_88] : memref<2560x128xi32, #tpu.memory_space<hbm>> -> memref<40x128xi32, #tpu.memory_space<hbm>>
        %dma_start3A_90 = arith.constant 0 : i32
        %dma_start3A_91 = tpu.memref_slice %arg3[%add3A_36, %dma_start3A_90] : memref<2560x128xi32, #tpu.memory_space<hbm>> -> memref<40x128xi32, #tpu.memory_space<hbm>>
        tpu.enqueue_dma source(%dma_start3A_91 : memref<40x128xi32, #tpu.memory_space<hbm>>) target(%arg6 : memref<40x128xi32, #tpu.memory_space<vmem>>) target_semaphore(%run_scoped3A : memref<!tpu.dma_semaphore, #tpu.memory_space<semaphore_mem>>)
        %dma_wait3A = arith.constant 0 : i32
        %dma_wait3A_92 = tpu.memref_slice %arg3[%add3A_36, %dma_wait3A] : memref<2560x128xi32, #tpu.memory_space<hbm>> -> memref<40x128xi32, #tpu.memory_space<hbm>>
        %dma_wait3A_93 = arith.constant 0 : i32
        %dma_wait3A_94 = tpu.memref_slice %arg3[%add3A_36, %dma_wait3A_93] : memref<2560x128xi32, #tpu.memory_space<hbm>> -> memref<40x128xi32, #tpu.memory_space<hbm>>
        tpu.wait_dma2 semaphore(%run_scoped3A : memref<!tpu.dma_semaphore, #tpu.memory_space<semaphore_mem>>) src(%dma_wait3A_94 : memref<40x128xi32, #tpu.memory_space<hbm>>) dst(%arg6 : memref<40x128xi32, #tpu.memory_space<vmem>>)
        tpu.yield
      }) : () -> ()
      "tpu.region"() ({
        %run_scoped3A = tpu.sem_alloc : memref<!tpu.dma_semaphore, #tpu.memory_space<semaphore_mem>>
        %dma_start3A_88 = arith.constant 0 : i32
        %dma_start3A_89 = tpu.memref_slice %arg4[%add3A_36, %dma_start3A_88] : memref<2560x128xi32, #tpu.memory_space<hbm>> -> memref<40x128xi32, #tpu.memory_space<hbm>>
        %dma_start3A_90 = arith.constant 0 : i32
        %dma_start3A_91 = tpu.memref_slice %arg4[%add3A_36, %dma_start3A_90] : memref<2560x128xi32, #tpu.memory_space<hbm>> -> memref<40x128xi32, #tpu.memory_space<hbm>>
        tpu.enqueue_dma source(%dma_start3A_91 : memref<40x128xi32, #tpu.memory_space<hbm>>) target(%arg7 : memref<40x128xi32, #tpu.memory_space<vmem>>) target_semaphore(%run_scoped3A : memref<!tpu.dma_semaphore, #tpu.memory_space<semaphore_mem>>)
        %dma_wait3A = arith.constant 0 : i32
        %dma_wait3A_92 = tpu.memref_slice %arg4[%add3A_36, %dma_wait3A] : memref<2560x128xi32, #tpu.memory_space<hbm>> -> memref<40x128xi32, #tpu.memory_space<hbm>>
        %dma_wait3A_93 = arith.constant 0 : i32
        %dma_wait3A_94 = tpu.memref_slice %arg4[%add3A_36, %dma_wait3A_93] : memref<2560x128xi32, #tpu.memory_space<hbm>> -> memref<40x128xi32, #tpu.memory_space<hbm>>
        tpu.wait_dma2 semaphore(%run_scoped3A : memref<!tpu.dma_semaphore, #tpu.memory_space<semaphore_mem>>) src(%dma_wait3A_94 : memref<40x128xi32, #tpu.memory_space<hbm>>) dst(%arg7 : memref<40x128xi32, #tpu.memory_space<vmem>>)
        tpu.yield
      }) : () -> ()
      %dma_start3A_37 = arith.constant 0 : i32
      %dma_start3A_38 = arith.constant 0 : i32
      %dma_start3A_39 = tpu.memref_slice %arg6[%dma_start3A_37, %dma_start3A_38] : memref<40x128xi32, #tpu.memory_space<vmem>> -> memref<1x128xi32, #tpu.memory_space<vmem>>
      %dma_start3A_40 = tpu.memref_squeeze %dma_start3A_39 : memref<1x128xi32, #tpu.memory_space<vmem>> -> memref<128xi32, #tpu.memory_space<vmem>>
      %dma_start3A_41 = arith.constant 0 : i32
      %dma_start3A_42 = arith.constant 0 : i32
      %dma_start3A_43 = tpu.memref_slice %arg2[%dma_start3A_41, %dma_start3A_42] : memref<10000x128xf32, #tpu.memory_space<hbm>> -> memref<10000x128xf32, #tpu.memory_space<hbm>>
      tpu.enqueue_indirect_dma source(%dma_start3A_43 : memref<10000x128xf32, #tpu.memory_space<hbm>>) target(%arg8 : memref<128x128xf32, #tpu.memory_space<vmem>>) offsets(%dma_start3A_40 : memref<128xi32, #tpu.memory_space<vmem>>) semaphore(%arg10 : memref<!tpu.dma_semaphore, #tpu.memory_space<semaphore_mem>>)
      %scan3A_44 = arith.constant 0 : i32
      %scan3A_45 = arith.constant 0 : i32
      %scan3A_46 = arith.constant 20 : i32
      %scan3A_47 = arith.addi %scan3A_45, %scan3A_46 : i32
      %scan3A_48 = arith.constant 1 : i32
      %scan3A_49 = scf.for %scan3A_88 = %scan3A_45 to %scan3A_47 step %scan3A_48 iter_args(%scan3A_89 = %scan3A_44) -> (i32)  : i32 {
        %mul3A_90 = arith.constant 2 : i32
        %mul3A_91 = arith.muli %mul3A_90, %scan3A_88 : i32
        %add3A_92 = arith.constant 1 : i32
        %add3A_93 = arith.addi %mul3A_91, %add3A_92 : i32
        %dma_start3A_94 = arith.constant 0 : i32
        %dma_start3A_95 = tpu.memref_slice %arg6[%add3A_93, %dma_start3A_94] : memref<40x128xi32, #tpu.memory_space<vmem>> -> memref<1x128xi32, #tpu.memory_space<vmem>>
        %dma_start3A_96 = tpu.memref_squeeze %dma_start3A_95 : memref<1x128xi32, #tpu.memory_space<vmem>> -> memref<128xi32, #tpu.memory_space<vmem>>
        %dma_start3A_97 = arith.constant 0 : i32
        %dma_start3A_98 = arith.constant 0 : i32
        %dma_start3A_99 = tpu.memref_slice %arg2[%dma_start3A_97, %dma_start3A_98] : memref<10000x128xf32, #tpu.memory_space<hbm>> -> memref<10000x128xf32, #tpu.memory_space<hbm>>
        tpu.enqueue_indirect_dma source(%dma_start3A_99 : memref<10000x128xf32, #tpu.memory_space<hbm>>) target(%arg9 : memref<128x128xf32, #tpu.memory_space<vmem>>) offsets(%dma_start3A_96 : memref<128xi32, #tpu.memory_space<vmem>>) semaphore(%arg10 : memref<!tpu.dma_semaphore, #tpu.memory_space<semaphore_mem>>)
        %dma_wait3A = arith.constant 0 : i32
        %dma_wait3A_100 = tpu.memref_slice %arg6[%mul3A_91, %dma_wait3A] : memref<40x128xi32, #tpu.memory_space<vmem>> -> memref<1x128xi32, #tpu.memory_space<vmem>>
        %dma_wait3A_101 = tpu.memref_squeeze %dma_wait3A_100 : memref<1x128xi32, #tpu.memory_space<vmem>> -> memref<128xi32, #tpu.memory_space<vmem>>
        %dma_wait3A_102 = arith.constant 0 : i32
        %dma_wait3A_103 = arith.constant 0 : i32
        %dma_wait3A_104 = tpu.memref_slice %arg2[%dma_wait3A_102, %dma_wait3A_103] : memref<10000x128xf32, #tpu.memory_space<hbm>> -> memref<10000x128xf32, #tpu.memory_space<hbm>>
        tpu.wait_indirect_dma semaphore(%arg10 : memref<!tpu.dma_semaphore, #tpu.memory_space<semaphore_mem>>) src(%dma_wait3A_104 : memref<10000x128xf32, #tpu.memory_space<hbm>>) dst(%arg8 : memref<128x128xf32, #tpu.memory_space<vmem>>)
        "tpu.region"() ({
          %run_scoped3A = tpu.sem_alloc : memref<!tpu.dma_semaphore, #tpu.memory_space<semaphore_mem>>
          %dma_start3A_120 = arith.constant 0 : i32
          %dma_start3A_121 = tpu.memref_slice %arg7[%mul3A_91, %dma_start3A_120] : memref<40x128xi32, #tpu.memory_space<vmem>> -> memref<1x128xi32, #tpu.memory_space<vmem>>
          %dma_start3A_122 = tpu.memref_squeeze %dma_start3A_121 : memref<1x128xi32, #tpu.memory_space<vmem>> -> memref<128xi32, #tpu.memory_space<vmem>>
          %dma_start3A_123 = arith.constant 0 : i32
          %dma_start3A_124 = arith.constant 0 : i32
          %dma_start3A_125 = tpu.memref_slice %arg11[%dma_start3A_123, %dma_start3A_124] : memref<10240x128xf32, #tpu.memory_space<vmem_shared>> -> memref<10240x128xf32, #tpu.memory_space<vmem_shared>>
          tpu.enqueue_indirect_dma source(%arg8 : memref<128x128xf32, #tpu.memory_space<vmem>>) target(%dma_start3A_125 : memref<10240x128xf32, #tpu.memory_space<vmem_shared>>) offsets(%dma_start3A_122 : memref<128xi32, #tpu.memory_space<vmem>>) semaphore(%run_scoped3A : memref<!tpu.dma_semaphore, #tpu.memory_space<semaphore_mem>>) {add = true}
          %dma_wait3A_126 = arith.constant 0 : i32
          %dma_wait3A_127 = tpu.memref_slice %arg7[%mul3A_91, %dma_wait3A_126] : memref<40x128xi32, #tpu.memory_space<vmem>> -> memref<1x128xi32, #tpu.memory_space<vmem>>
          %dma_wait3A_128 = tpu.memref_squeeze %dma_wait3A_127 : memref<1x128xi32, #tpu.memory_space<vmem>> -> memref<128xi32, #tpu.memory_space<vmem>>
          %dma_wait3A_129 = arith.constant 0 : i32
          %dma_wait3A_130 = arith.constant 0 : i32
          %dma_wait3A_131 = tpu.memref_slice %arg11[%dma_wait3A_129, %dma_wait3A_130] : memref<10240x128xf32, #tpu.memory_space<vmem_shared>> -> memref<10240x128xf32, #tpu.memory_space<vmem_shared>>
          tpu.wait_indirect_dma semaphore(%run_scoped3A : memref<!tpu.dma_semaphore, #tpu.memory_space<semaphore_mem>>) src(%arg8 : memref<128x128xf32, #tpu.memory_space<vmem>>) dst(%dma_wait3A_131 : memref<10240x128xf32, #tpu.memory_space<vmem_shared>>)
          tpu.yield
        }) : () -> ()
        %lt3A = arith.constant 19 : i32
        %lt3A_105 = arith.cmpi slt, %scan3A_88, %lt3A : i32
        %convert_element_type3A_106 = arith.extui %lt3A_105 : i1 to i32
        %cond3A_107 = arith.constant 0 : i32
        %cond3A_108 = arith.cmpi ne, %convert_element_type3A_106, %cond3A_107 : i32
        scf.if %cond3A_108 {
          %add3A_120 = arith.constant 2 : i32
          %add3A_121 = arith.addi %mul3A_91, %add3A_120 : i32
          %dma_start3A_122 = arith.constant 0 : i32
          %dma_start3A_123 = tpu.memref_slice %arg6[%add3A_121, %dma_start3A_122] : memref<40x128xi32, #tpu.memory_space<vmem>> -> memref<1x128xi32, #tpu.memory_space<vmem>>
          %dma_start3A_124 = tpu.memref_squeeze %dma_start3A_123 : memref<1x128xi32, #tpu.memory_space<vmem>> -> memref<128xi32, #tpu.memory_space<vmem>>
          %dma_start3A_125 = arith.constant 0 : i32
          %dma_start3A_126 = arith.constant 0 : i32
          %dma_start3A_127 = tpu.memref_slice %arg2[%dma_start3A_125, %dma_start3A_126] : memref<10000x128xf32, #tpu.memory_space<hbm>> -> memref<10000x128xf32, #tpu.memory_space<hbm>>
          tpu.enqueue_indirect_dma source(%dma_start3A_127 : memref<10000x128xf32, #tpu.memory_space<hbm>>) target(%arg8 : memref<128x128xf32, #tpu.memory_space<vmem>>) offsets(%dma_start3A_124 : memref<128xi32, #tpu.memory_space<vmem>>) semaphore(%arg10 : memref<!tpu.dma_semaphore, #tpu.memory_space<semaphore_mem>>)
        } else {
        }
        %add3A_109 = arith.constant 1 : i32
        %add3A_110 = arith.addi %mul3A_91, %add3A_109 : i32
        %dma_wait3A_111 = arith.constant 0 : i32
        %dma_wait3A_112 = tpu.memref_slice %arg6[%add3A_110, %dma_wait3A_111] : memref<40x128xi32, #tpu.memory_space<vmem>> -> memref<1x128xi32, #tpu.memory_space<vmem>>
        %dma_wait3A_113 = tpu.memref_squeeze %dma_wait3A_112 : memref<1x128xi32, #tpu.memory_space<vmem>> -> memref<128xi32, #tpu.memory_space<vmem>>
        %dma_wait3A_114 = arith.constant 0 : i32
        %dma_wait3A_115 = arith.constant 0 : i32
        %dma_wait3A_116 = tpu.memref_slice %arg2[%dma_wait3A_114, %dma_wait3A_115] : memref<10000x128xf32, #tpu.memory_space<hbm>> -> memref<10000x128xf32, #tpu.memory_space<hbm>>
        tpu.wait_indirect_dma semaphore(%arg10 : memref<!tpu.dma_semaphore, #tpu.memory_space<semaphore_mem>>) src(%dma_wait3A_116 : memref<10000x128xf32, #tpu.memory_space<hbm>>) dst(%arg9 : memref<128x128xf32, #tpu.memory_space<vmem>>)
        %add3A_117 = arith.constant 1 : i32
        %add3A_118 = arith.addi %mul3A_91, %add3A_117 : i32
        "tpu.region"() ({
          %run_scoped3A = tpu.sem_alloc : memref<!tpu.dma_semaphore, #tpu.memory_space<semaphore_mem>>
          %dma_start3A_120 = arith.constant 0 : i32
          %dma_start3A_121 = tpu.memref_slice %arg7[%add3A_118, %dma_start3A_120] : memref<40x128xi32, #tpu.memory_space<vmem>> -> memref<1x128xi32, #tpu.memory_space<vmem>>
          %dma_start3A_122 = tpu.memref_squeeze %dma_start3A_121 : memref<1x128xi32, #tpu.memory_space<vmem>> -> memref<128xi32, #tpu.memory_space<vmem>>
          %dma_start3A_123 = arith.constant 0 : i32
          %dma_start3A_124 = arith.constant 0 : i32
          %dma_start3A_125 = tpu.memref_slice %arg11[%dma_start3A_123, %dma_start3A_124] : memref<10240x128xf32, #tpu.memory_space<vmem_shared>> -> memref<10240x128xf32, #tpu.memory_space<vmem_shared>>
          tpu.enqueue_indirect_dma source(%arg9 : memref<128x128xf32, #tpu.memory_space<vmem>>) target(%dma_start3A_125 : memref<10240x128xf32, #tpu.memory_space<vmem_shared>>) offsets(%dma_start3A_122 : memref<128xi32, #tpu.memory_space<vmem>>) semaphore(%run_scoped3A : memref<!tpu.dma_semaphore, #tpu.memory_space<semaphore_mem>>) {add = true}
          %dma_wait3A_126 = arith.constant 0 : i32
          %dma_wait3A_127 = tpu.memref_slice %arg7[%add3A_118, %dma_wait3A_126] : memref<40x128xi32, #tpu.memory_space<vmem>> -> memref<1x128xi32, #tpu.memory_space<vmem>>
          %dma_wait3A_128 = tpu.memref_squeeze %dma_wait3A_127 : memref<1x128xi32, #tpu.memory_space<vmem>> -> memref<128xi32, #tpu.memory_space<vmem>>
          %dma_wait3A_129 = arith.constant 0 : i32
          %dma_wait3A_130 = arith.constant 0 : i32
          %dma_wait3A_131 = tpu.memref_slice %arg11[%dma_wait3A_129, %dma_wait3A_130] : memref<10240x128xf32, #tpu.memory_space<vmem_shared>> -> memref<10240x128xf32, #tpu.memory_space<vmem_shared>>
          tpu.wait_indirect_dma semaphore(%run_scoped3A : memref<!tpu.dma_semaphore, #tpu.memory_space<semaphore_mem>>) src(%arg9 : memref<128x128xf32, #tpu.memory_space<vmem>>) dst(%dma_wait3A_131 : memref<10240x128xf32, #tpu.memory_space<vmem_shared>>)
          tpu.yield
        }) : () -> ()
        %scan3A_119 = arith.constant 0 : i32
        scf.yield %scan3A_119 : i32
      }
      %scan3A_50 = arith.constant 20 : i32
      %mul3A_51 = arith.constant 160 : i32
      %mul3A_52 = arith.muli %arg1, %mul3A_51 : i32
      %add3A_53 = arith.constant 80 : i32
      %add3A_54 = arith.addi %mul3A_52, %add3A_53 : i32
      "tpu.region"() ({
        %run_scoped3A = tpu.sem_alloc : memref<!tpu.dma_semaphore, #tpu.memory_space<semaphore_mem>>
        %dma_start3A_88 = arith.constant 0 : i32
        %dma_start3A_89 = tpu.memref_slice %arg3[%add3A_54, %dma_start3A_88] : memref<2560x128xi32, #tpu.memory_space<hbm>> -> memref<40x128xi32, #tpu.memory_space<hbm>>
        %dma_start3A_90 = arith.constant 0 : i32
        %dma_start3A_91 = tpu.memref_slice %arg3[%add3A_54, %dma_start3A_90] : memref<2560x128xi32, #tpu.memory_space<hbm>> -> memref<40x128xi32, #tpu.memory_space<hbm>>
        tpu.enqueue_dma source(%dma_start3A_91 : memref<40x128xi32, #tpu.memory_space<hbm>>) target(%arg6 : memref<40x128xi32, #tpu.memory_space<vmem>>) target_semaphore(%run_scoped3A : memref<!tpu.dma_semaphore, #tpu.memory_space<semaphore_mem>>)
        %dma_wait3A = arith.constant 0 : i32
        %dma_wait3A_92 = tpu.memref_slice %arg3[%add3A_54, %dma_wait3A] : memref<2560x128xi32, #tpu.memory_space<hbm>> -> memref<40x128xi32, #tpu.memory_space<hbm>>
        %dma_wait3A_93 = arith.constant 0 : i32
        %dma_wait3A_94 = tpu.memref_slice %arg3[%add3A_54, %dma_wait3A_93] : memref<2560x128xi32, #tpu.memory_space<hbm>> -> memref<40x128xi32, #tpu.memory_space<hbm>>
        tpu.wait_dma2 semaphore(%run_scoped3A : memref<!tpu.dma_semaphore, #tpu.memory_space<semaphore_mem>>) src(%dma_wait3A_94 : memref<40x128xi32, #tpu.memory_space<hbm>>) dst(%arg6 : memref<40x128xi32, #tpu.memory_space<vmem>>)
        tpu.yield
      }) : () -> ()
      "tpu.region"() ({
        %run_scoped3A = tpu.sem_alloc : memref<!tpu.dma_semaphore, #tpu.memory_space<semaphore_mem>>
        %dma_start3A_88 = arith.constant 0 : i32
        %dma_start3A_89 = tpu.memref_slice %arg4[%add3A_54, %dma_start3A_88] : memref<2560x128xi32, #tpu.memory_space<hbm>> -> memref<40x128xi32, #tpu.memory_space<hbm>>
        %dma_start3A_90 = arith.constant 0 : i32
        %dma_start3A_91 = tpu.memref_slice %arg4[%add3A_54, %dma_start3A_90] : memref<2560x128xi32, #tpu.memory_space<hbm>> -> memref<40x128xi32, #tpu.memory_space<hbm>>
        tpu.enqueue_dma source(%dma_start3A_91 : memref<40x128xi32, #tpu.memory_space<hbm>>) target(%arg7 : memref<40x128xi32, #tpu.memory_space<vmem>>) target_semaphore(%run_scoped3A : memref<!tpu.dma_semaphore, #tpu.memory_space<semaphore_mem>>)
        %dma_wait3A = arith.constant 0 : i32
        %dma_wait3A_92 = tpu.memref_slice %arg4[%add3A_54, %dma_wait3A] : memref<2560x128xi32, #tpu.memory_space<hbm>> -> memref<40x128xi32, #tpu.memory_space<hbm>>
        %dma_wait3A_93 = arith.constant 0 : i32
        %dma_wait3A_94 = tpu.memref_slice %arg4[%add3A_54, %dma_wait3A_93] : memref<2560x128xi32, #tpu.memory_space<hbm>> -> memref<40x128xi32, #tpu.memory_space<hbm>>
        tpu.wait_dma2 semaphore(%run_scoped3A : memref<!tpu.dma_semaphore, #tpu.memory_space<semaphore_mem>>) src(%dma_wait3A_94 : memref<40x128xi32, #tpu.memory_space<hbm>>) dst(%arg7 : memref<40x128xi32, #tpu.memory_space<vmem>>)
        tpu.yield
      }) : () -> ()
      %dma_start3A_55 = arith.constant 0 : i32
      %dma_start3A_56 = arith.constant 0 : i32
      %dma_start3A_57 = tpu.memref_slice %arg6[%dma_start3A_55, %dma_start3A_56] : memref<40x128xi32, #tpu.memory_space<vmem>> -> memref<1x128xi32, #tpu.memory_space<vmem>>
      %dma_start3A_58 = tpu.memref_squeeze %dma_start3A_57 : memref<1x128xi32, #tpu.memory_space<vmem>> -> memref<128xi32, #tpu.memory_space<vmem>>
      %dma_start3A_59 = arith.constant 0 : i32
      %dma_start3A_60 = arith.constant 0 : i32
      %dma_start3A_61 = tpu.memref_slice %arg2[%dma_start3A_59, %dma_start3A_60] : memref<10000x128xf32, #tpu.memory_space<hbm>> -> memref<10000x128xf32, #tpu.memory_space<hbm>>
      tpu.enqueue_indirect_dma source(%dma_start3A_61 : memref<10000x128xf32, #tpu.memory_space<hbm>>) target(%arg8 : memref<128x128xf32, #tpu.memory_space<vmem>>) offsets(%dma_start3A_58 : memref<128xi32, #tpu.memory_space<vmem>>) semaphore(%arg10 : memref<!tpu.dma_semaphore, #tpu.memory_space<semaphore_mem>>)
      %scan3A_62 = arith.constant 0 : i32
      %scan3A_63 = arith.constant 0 : i32
      %scan3A_64 = arith.constant 20 : i32
      %scan3A_65 = arith.addi %scan3A_63, %scan3A_64 : i32
      %scan3A_66 = arith.constant 1 : i32
      %scan3A_67 = scf.for %scan3A_88 = %scan3A_63 to %scan3A_65 step %scan3A_66 iter_args(%scan3A_89 = %scan3A_62) -> (i32)  : i32 {
        %mul3A_90 = arith.constant 2 : i32
        %mul3A_91 = arith.muli %mul3A_90, %scan3A_88 : i32
        %add3A_92 = arith.constant 1 : i32
        %add3A_93 = arith.addi %mul3A_91, %add3A_92 : i32
        %dma_start3A_94 = arith.constant 0 : i32
        %dma_start3A_95 = tpu.memref_slice %arg6[%add3A_93, %dma_start3A_94] : memref<40x128xi32, #tpu.memory_space<vmem>> -> memref<1x128xi32, #tpu.memory_space<vmem>>
        %dma_start3A_96 = tpu.memref_squeeze %dma_start3A_95 : memref<1x128xi32, #tpu.memory_space<vmem>> -> memref<128xi32, #tpu.memory_space<vmem>>
        %dma_start3A_97 = arith.constant 0 : i32
        %dma_start3A_98 = arith.constant 0 : i32
        %dma_start3A_99 = tpu.memref_slice %arg2[%dma_start3A_97, %dma_start3A_98] : memref<10000x128xf32, #tpu.memory_space<hbm>> -> memref<10000x128xf32, #tpu.memory_space<hbm>>
        tpu.enqueue_indirect_dma source(%dma_start3A_99 : memref<10000x128xf32, #tpu.memory_space<hbm>>) target(%arg9 : memref<128x128xf32, #tpu.memory_space<vmem>>) offsets(%dma_start3A_96 : memref<128xi32, #tpu.memory_space<vmem>>) semaphore(%arg10 : memref<!tpu.dma_semaphore, #tpu.memory_space<semaphore_mem>>)
        %dma_wait3A = arith.constant 0 : i32
        %dma_wait3A_100 = tpu.memref_slice %arg6[%mul3A_91, %dma_wait3A] : memref<40x128xi32, #tpu.memory_space<vmem>> -> memref<1x128xi32, #tpu.memory_space<vmem>>
        %dma_wait3A_101 = tpu.memref_squeeze %dma_wait3A_100 : memref<1x128xi32, #tpu.memory_space<vmem>> -> memref<128xi32, #tpu.memory_space<vmem>>
        %dma_wait3A_102 = arith.constant 0 : i32
        %dma_wait3A_103 = arith.constant 0 : i32
        %dma_wait3A_104 = tpu.memref_slice %arg2[%dma_wait3A_102, %dma_wait3A_103] : memref<10000x128xf32, #tpu.memory_space<hbm>> -> memref<10000x128xf32, #tpu.memory_space<hbm>>
        tpu.wait_indirect_dma semaphore(%arg10 : memref<!tpu.dma_semaphore, #tpu.memory_space<semaphore_mem>>) src(%dma_wait3A_104 : memref<10000x128xf32, #tpu.memory_space<hbm>>) dst(%arg8 : memref<128x128xf32, #tpu.memory_space<vmem>>)
        "tpu.region"() ({
          %run_scoped3A = tpu.sem_alloc : memref<!tpu.dma_semaphore, #tpu.memory_space<semaphore_mem>>
          %dma_start3A_120 = arith.constant 0 : i32
          %dma_start3A_121 = tpu.memref_slice %arg7[%mul3A_91, %dma_start3A_120] : memref<40x128xi32, #tpu.memory_space<vmem>> -> memref<1x128xi32, #tpu.memory_space<vmem>>
          %dma_start3A_122 = tpu.memref_squeeze %dma_start3A_121 : memref<1x128xi32, #tpu.memory_space<vmem>> -> memref<128xi32, #tpu.memory_space<vmem>>
          %dma_start3A_123 = arith.constant 0 : i32
          %dma_start3A_124 = arith.constant 0 : i32
          %dma_start3A_125 = tpu.memref_slice %arg11[%dma_start3A_123, %dma_start3A_124] : memref<10240x128xf32, #tpu.memory_space<vmem_shared>> -> memref<10240x128xf32, #tpu.memory_space<vmem_shared>>
          tpu.enqueue_indirect_dma source(%arg8 : memref<128x128xf32, #tpu.memory_space<vmem>>) target(%dma_start3A_125 : memref<10240x128xf32, #tpu.memory_space<vmem_shared>>) offsets(%dma_start3A_122 : memref<128xi32, #tpu.memory_space<vmem>>) semaphore(%run_scoped3A : memref<!tpu.dma_semaphore, #tpu.memory_space<semaphore_mem>>) {add = true}
          %dma_wait3A_126 = arith.constant 0 : i32
          %dma_wait3A_127 = tpu.memref_slice %arg7[%mul3A_91, %dma_wait3A_126] : memref<40x128xi32, #tpu.memory_space<vmem>> -> memref<1x128xi32, #tpu.memory_space<vmem>>
          %dma_wait3A_128 = tpu.memref_squeeze %dma_wait3A_127 : memref<1x128xi32, #tpu.memory_space<vmem>> -> memref<128xi32, #tpu.memory_space<vmem>>
          %dma_wait3A_129 = arith.constant 0 : i32
          %dma_wait3A_130 = arith.constant 0 : i32
          %dma_wait3A_131 = tpu.memref_slice %arg11[%dma_wait3A_129, %dma_wait3A_130] : memref<10240x128xf32, #tpu.memory_space<vmem_shared>> -> memref<10240x128xf32, #tpu.memory_space<vmem_shared>>
          tpu.wait_indirect_dma semaphore(%run_scoped3A : memref<!tpu.dma_semaphore, #tpu.memory_space<semaphore_mem>>) src(%arg8 : memref<128x128xf32, #tpu.memory_space<vmem>>) dst(%dma_wait3A_131 : memref<10240x128xf32, #tpu.memory_space<vmem_shared>>)
          tpu.yield
        }) : () -> ()
        %lt3A = arith.constant 19 : i32
        %lt3A_105 = arith.cmpi slt, %scan3A_88, %lt3A : i32
        %convert_element_type3A_106 = arith.extui %lt3A_105 : i1 to i32
        %cond3A_107 = arith.constant 0 : i32
        %cond3A_108 = arith.cmpi ne, %convert_element_type3A_106, %cond3A_107 : i32
        scf.if %cond3A_108 {
          %add3A_120 = arith.constant 2 : i32
          %add3A_121 = arith.addi %mul3A_91, %add3A_120 : i32
          %dma_start3A_122 = arith.constant 0 : i32
          %dma_start3A_123 = tpu.memref_slice %arg6[%add3A_121, %dma_start3A_122] : memref<40x128xi32, #tpu.memory_space<vmem>> -> memref<1x128xi32, #tpu.memory_space<vmem>>
          %dma_start3A_124 = tpu.memref_squeeze %dma_start3A_123 : memref<1x128xi32, #tpu.memory_space<vmem>> -> memref<128xi32, #tpu.memory_space<vmem>>
          %dma_start3A_125 = arith.constant 0 : i32
          %dma_start3A_126 = arith.constant 0 : i32
          %dma_start3A_127 = tpu.memref_slice %arg2[%dma_start3A_125, %dma_start3A_126] : memref<10000x128xf32, #tpu.memory_space<hbm>> -> memref<10000x128xf32, #tpu.memory_space<hbm>>
          tpu.enqueue_indirect_dma source(%dma_start3A_127 : memref<10000x128xf32, #tpu.memory_space<hbm>>) target(%arg8 : memref<128x128xf32, #tpu.memory_space<vmem>>) offsets(%dma_start3A_124 : memref<128xi32, #tpu.memory_space<vmem>>) semaphore(%arg10 : memref<!tpu.dma_semaphore, #tpu.memory_space<semaphore_mem>>)
        } else {
        }
        %add3A_109 = arith.constant 1 : i32
        %add3A_110 = arith.addi %mul3A_91, %add3A_109 : i32
        %dma_wait3A_111 = arith.constant 0 : i32
        %dma_wait3A_112 = tpu.memref_slice %arg6[%add3A_110, %dma_wait3A_111] : memref<40x128xi32, #tpu.memory_space<vmem>> -> memref<1x128xi32, #tpu.memory_space<vmem>>
        %dma_wait3A_113 = tpu.memref_squeeze %dma_wait3A_112 : memref<1x128xi32, #tpu.memory_space<vmem>> -> memref<128xi32, #tpu.memory_space<vmem>>
        %dma_wait3A_114 = arith.constant 0 : i32
        %dma_wait3A_115 = arith.constant 0 : i32
        %dma_wait3A_116 = tpu.memref_slice %arg2[%dma_wait3A_114, %dma_wait3A_115] : memref<10000x128xf32, #tpu.memory_space<hbm>> -> memref<10000x128xf32, #tpu.memory_space<hbm>>
        tpu.wait_indirect_dma semaphore(%arg10 : memref<!tpu.dma_semaphore, #tpu.memory_space<semaphore_mem>>) src(%dma_wait3A_116 : memref<10000x128xf32, #tpu.memory_space<hbm>>) dst(%arg9 : memref<128x128xf32, #tpu.memory_space<vmem>>)
        %add3A_117 = arith.constant 1 : i32
        %add3A_118 = arith.addi %mul3A_91, %add3A_117 : i32
        "tpu.region"() ({
          %run_scoped3A = tpu.sem_alloc : memref<!tpu.dma_semaphore, #tpu.memory_space<semaphore_mem>>
          %dma_start3A_120 = arith.constant 0 : i32
          %dma_start3A_121 = tpu.memref_slice %arg7[%add3A_118, %dma_start3A_120] : memref<40x128xi32, #tpu.memory_space<vmem>> -> memref<1x128xi32, #tpu.memory_space<vmem>>
          %dma_start3A_122 = tpu.memref_squeeze %dma_start3A_121 : memref<1x128xi32, #tpu.memory_space<vmem>> -> memref<128xi32, #tpu.memory_space<vmem>>
          %dma_start3A_123 = arith.constant 0 : i32
          %dma_start3A_124 = arith.constant 0 : i32
          %dma_start3A_125 = tpu.memref_slice %arg11[%dma_start3A_123, %dma_start3A_124] : memref<10240x128xf32, #tpu.memory_space<vmem_shared>> -> memref<10240x128xf32, #tpu.memory_space<vmem_shared>>
          tpu.enqueue_indirect_dma source(%arg9 : memref<128x128xf32, #tpu.memory_space<vmem>>) target(%dma_start3A_125 : memref<10240x128xf32, #tpu.memory_space<vmem_shared>>) offsets(%dma_start3A_122 : memref<128xi32, #tpu.memory_space<vmem>>) semaphore(%run_scoped3A : memref<!tpu.dma_semaphore, #tpu.memory_space<semaphore_mem>>) {add = true}
          %dma_wait3A_126 = arith.constant 0 : i32
          %dma_wait3A_127 = tpu.memref_slice %arg7[%add3A_118, %dma_wait3A_126] : memref<40x128xi32, #tpu.memory_space<vmem>> -> memref<1x128xi32, #tpu.memory_space<vmem>>
          %dma_wait3A_128 = tpu.memref_squeeze %dma_wait3A_127 : memref<1x128xi32, #tpu.memory_space<vmem>> -> memref<128xi32, #tpu.memory_space<vmem>>
          %dma_wait3A_129 = arith.constant 0 : i32
          %dma_wait3A_130 = arith.constant 0 : i32
          %dma_wait3A_131 = tpu.memref_slice %arg11[%dma_wait3A_129, %dma_wait3A_130] : memref<10240x128xf32, #tpu.memory_space<vmem_shared>> -> memref<10240x128xf32, #tpu.memory_space<vmem_shared>>
          tpu.wait_indirect_dma semaphore(%run_scoped3A : memref<!tpu.dma_semaphore, #tpu.memory_space<semaphore_mem>>) src(%arg9 : memref<128x128xf32, #tpu.memory_space<vmem>>) dst(%dma_wait3A_131 : memref<10240x128xf32, #tpu.memory_space<vmem_shared>>)
          tpu.yield
        }) : () -> ()
        %scan3A_119 = arith.constant 0 : i32
        scf.yield %scan3A_119 : i32
      }
      %scan3A_68 = arith.constant 20 : i32
      %mul3A_69 = arith.constant 160 : i32
      %mul3A_70 = arith.muli %arg1, %mul3A_69 : i32
      %add3A_71 = arith.constant 120 : i32
      %add3A_72 = arith.addi %mul3A_70, %add3A_71 : i32
      "tpu.region"() ({
        %run_scoped3A = tpu.sem_alloc : memref<!tpu.dma_semaphore, #tpu.memory_space<semaphore_mem>>
        %dma_start3A_88 = arith.constant 0 : i32
        %dma_start3A_89 = tpu.memref_slice %arg3[%add3A_72, %dma_start3A_88] : memref<2560x128xi32, #tpu.memory_space<hbm>> -> memref<40x128xi32, #tpu.memory_space<hbm>>
        %dma_start3A_90 = arith.constant 0 : i32
        %dma_start3A_91 = tpu.memref_slice %arg3[%add3A_72, %dma_start3A_90] : memref<2560x128xi32, #tpu.memory_space<hbm>> -> memref<40x128xi32, #tpu.memory_space<hbm>>
        tpu.enqueue_dma source(%dma_start3A_91 : memref<40x128xi32, #tpu.memory_space<hbm>>) target(%arg6 : memref<40x128xi32, #tpu.memory_space<vmem>>) target_semaphore(%run_scoped3A : memref<!tpu.dma_semaphore, #tpu.memory_space<semaphore_mem>>)
        %dma_wait3A = arith.constant 0 : i32
        %dma_wait3A_92 = tpu.memref_slice %arg3[%add3A_72, %dma_wait3A] : memref<2560x128xi32, #tpu.memory_space<hbm>> -> memref<40x128xi32, #tpu.memory_space<hbm>>
        %dma_wait3A_93 = arith.constant 0 : i32
        %dma_wait3A_94 = tpu.memref_slice %arg3[%add3A_72, %dma_wait3A_93] : memref<2560x128xi32, #tpu.memory_space<hbm>> -> memref<40x128xi32, #tpu.memory_space<hbm>>
        tpu.wait_dma2 semaphore(%run_scoped3A : memref<!tpu.dma_semaphore, #tpu.memory_space<semaphore_mem>>) src(%dma_wait3A_94 : memref<40x128xi32, #tpu.memory_space<hbm>>) dst(%arg6 : memref<40x128xi32, #tpu.memory_space<vmem>>)
        tpu.yield
      }) : () -> ()
      "tpu.region"() ({
        %run_scoped3A = tpu.sem_alloc : memref<!tpu.dma_semaphore, #tpu.memory_space<semaphore_mem>>
        %dma_start3A_88 = arith.constant 0 : i32
        %dma_start3A_89 = tpu.memref_slice %arg4[%add3A_72, %dma_start3A_88] : memref<2560x128xi32, #tpu.memory_space<hbm>> -> memref<40x128xi32, #tpu.memory_space<hbm>>
        %dma_start3A_90 = arith.constant 0 : i32
        %dma_start3A_91 = tpu.memref_slice %arg4[%add3A_72, %dma_start3A_90] : memref<2560x128xi32, #tpu.memory_space<hbm>> -> memref<40x128xi32, #tpu.memory_space<hbm>>
        tpu.enqueue_dma source(%dma_start3A_91 : memref<40x128xi32, #tpu.memory_space<hbm>>) target(%arg7 : memref<40x128xi32, #tpu.memory_space<vmem>>) target_semaphore(%run_scoped3A : memref<!tpu.dma_semaphore, #tpu.memory_space<semaphore_mem>>)
        %dma_wait3A = arith.constant 0 : i32
        %dma_wait3A_92 = tpu.memref_slice %arg4[%add3A_72, %dma_wait3A] : memref<2560x128xi32, #tpu.memory_space<hbm>> -> memref<40x128xi32, #tpu.memory_space<hbm>>
        %dma_wait3A_93 = arith.constant 0 : i32
        %dma_wait3A_94 = tpu.memref_slice %arg4[%add3A_72, %dma_wait3A_93] : memref<2560x128xi32, #tpu.memory_space<hbm>> -> memref<40x128xi32, #tpu.memory_space<hbm>>
        tpu.wait_dma2 semaphore(%run_scoped3A : memref<!tpu.dma_semaphore, #tpu.memory_space<semaphore_mem>>) src(%dma_wait3A_94 : memref<40x128xi32, #tpu.memory_space<hbm>>) dst(%arg7 : memref<40x128xi32, #tpu.memory_space<vmem>>)
        tpu.yield
      }) : () -> ()
      %dma_start3A_73 = arith.constant 0 : i32
      %dma_start3A_74 = arith.constant 0 : i32
      %dma_start3A_75 = tpu.memref_slice %arg6[%dma_start3A_73, %dma_start3A_74] : memref<40x128xi32, #tpu.memory_space<vmem>> -> memref<1x128xi32, #tpu.memory_space<vmem>>
      %dma_start3A_76 = tpu.memref_squeeze %dma_start3A_75 : memref<1x128xi32, #tpu.memory_space<vmem>> -> memref<128xi32, #tpu.memory_space<vmem>>
      %dma_start3A_77 = arith.constant 0 : i32
      %dma_start3A_78 = arith.constant 0 : i32
      %dma_start3A_79 = tpu.memref_slice %arg2[%dma_start3A_77, %dma_start3A_78] : memref<10000x128xf32, #tpu.memory_space<hbm>> -> memref<10000x128xf32, #tpu.memory_space<hbm>>
      tpu.enqueue_indirect_dma source(%dma_start3A_79 : memref<10000x128xf32, #tpu.memory_space<hbm>>) target(%arg8 : memref<128x128xf32, #tpu.memory_space<vmem>>) offsets(%dma_start3A_76 : memref<128xi32, #tpu.memory_space<vmem>>) semaphore(%arg10 : memref<!tpu.dma_semaphore, #tpu.memory_space<semaphore_mem>>)
      %scan3A_80 = arith.constant 0 : i32
      %scan3A_81 = arith.constant 0 : i32
      %scan3A_82 = arith.constant 20 : i32
      %scan3A_83 = arith.addi %scan3A_81, %scan3A_82 : i32
      %scan3A_84 = arith.constant 1 : i32
      %scan3A_85 = scf.for %scan3A_88 = %scan3A_81 to %scan3A_83 step %scan3A_84 iter_args(%scan3A_89 = %scan3A_80) -> (i32)  : i32 {
        %mul3A_90 = arith.constant 2 : i32
        %mul3A_91 = arith.muli %mul3A_90, %scan3A_88 : i32
        %add3A_92 = arith.constant 1 : i32
        %add3A_93 = arith.addi %mul3A_91, %add3A_92 : i32
        %dma_start3A_94 = arith.constant 0 : i32
        %dma_start3A_95 = tpu.memref_slice %arg6[%add3A_93, %dma_start3A_94] : memref<40x128xi32, #tpu.memory_space<vmem>> -> memref<1x128xi32, #tpu.memory_space<vmem>>
        %dma_start3A_96 = tpu.memref_squeeze %dma_start3A_95 : memref<1x128xi32, #tpu.memory_space<vmem>> -> memref<128xi32, #tpu.memory_space<vmem>>
        %dma_start3A_97 = arith.constant 0 : i32
        %dma_start3A_98 = arith.constant 0 : i32
        %dma_start3A_99 = tpu.memref_slice %arg2[%dma_start3A_97, %dma_start3A_98] : memref<10000x128xf32, #tpu.memory_space<hbm>> -> memref<10000x128xf32, #tpu.memory_space<hbm>>
        tpu.enqueue_indirect_dma source(%dma_start3A_99 : memref<10000x128xf32, #tpu.memory_space<hbm>>) target(%arg9 : memref<128x128xf32, #tpu.memory_space<vmem>>) offsets(%dma_start3A_96 : memref<128xi32, #tpu.memory_space<vmem>>) semaphore(%arg10 : memref<!tpu.dma_semaphore, #tpu.memory_space<semaphore_mem>>)
        %dma_wait3A = arith.constant 0 : i32
        %dma_wait3A_100 = tpu.memref_slice %arg6[%mul3A_91, %dma_wait3A] : memref<40x128xi32, #tpu.memory_space<vmem>> -> memref<1x128xi32, #tpu.memory_space<vmem>>
        %dma_wait3A_101 = tpu.memref_squeeze %dma_wait3A_100 : memref<1x128xi32, #tpu.memory_space<vmem>> -> memref<128xi32, #tpu.memory_space<vmem>>
        %dma_wait3A_102 = arith.constant 0 : i32
        %dma_wait3A_103 = arith.constant 0 : i32
        %dma_wait3A_104 = tpu.memref_slice %arg2[%dma_wait3A_102, %dma_wait3A_103] : memref<10000x128xf32, #tpu.memory_space<hbm>> -> memref<10000x128xf32, #tpu.memory_space<hbm>>
        tpu.wait_indirect_dma semaphore(%arg10 : memref<!tpu.dma_semaphore, #tpu.memory_space<semaphore_mem>>) src(%dma_wait3A_104 : memref<10000x128xf32, #tpu.memory_space<hbm>>) dst(%arg8 : memref<128x128xf32, #tpu.memory_space<vmem>>)
        "tpu.region"() ({
          %run_scoped3A = tpu.sem_alloc : memref<!tpu.dma_semaphore, #tpu.memory_space<semaphore_mem>>
          %dma_start3A_120 = arith.constant 0 : i32
          %dma_start3A_121 = tpu.memref_slice %arg7[%mul3A_91, %dma_start3A_120] : memref<40x128xi32, #tpu.memory_space<vmem>> -> memref<1x128xi32, #tpu.memory_space<vmem>>
          %dma_start3A_122 = tpu.memref_squeeze %dma_start3A_121 : memref<1x128xi32, #tpu.memory_space<vmem>> -> memref<128xi32, #tpu.memory_space<vmem>>
          %dma_start3A_123 = arith.constant 0 : i32
          %dma_start3A_124 = arith.constant 0 : i32
          %dma_start3A_125 = tpu.memref_slice %arg11[%dma_start3A_123, %dma_start3A_124] : memref<10240x128xf32, #tpu.memory_space<vmem_shared>> -> memref<10240x128xf32, #tpu.memory_space<vmem_shared>>
          tpu.enqueue_indirect_dma source(%arg8 : memref<128x128xf32, #tpu.memory_space<vmem>>) target(%dma_start3A_125 : memref<10240x128xf32, #tpu.memory_space<vmem_shared>>) offsets(%dma_start3A_122 : memref<128xi32, #tpu.memory_space<vmem>>) semaphore(%run_scoped3A : memref<!tpu.dma_semaphore, #tpu.memory_space<semaphore_mem>>) {add = true}
          %dma_wait3A_126 = arith.constant 0 : i32
          %dma_wait3A_127 = tpu.memref_slice %arg7[%mul3A_91, %dma_wait3A_126] : memref<40x128xi32, #tpu.memory_space<vmem>> -> memref<1x128xi32, #tpu.memory_space<vmem>>
          %dma_wait3A_128 = tpu.memref_squeeze %dma_wait3A_127 : memref<1x128xi32, #tpu.memory_space<vmem>> -> memref<128xi32, #tpu.memory_space<vmem>>
          %dma_wait3A_129 = arith.constant 0 : i32
          %dma_wait3A_130 = arith.constant 0 : i32
          %dma_wait3A_131 = tpu.memref_slice %arg11[%dma_wait3A_129, %dma_wait3A_130] : memref<10240x128xf32, #tpu.memory_space<vmem_shared>> -> memref<10240x128xf32, #tpu.memory_space<vmem_shared>>
          tpu.wait_indirect_dma semaphore(%run_scoped3A : memref<!tpu.dma_semaphore, #tpu.memory_space<semaphore_mem>>) src(%arg8 : memref<128x128xf32, #tpu.memory_space<vmem>>) dst(%dma_wait3A_131 : memref<10240x128xf32, #tpu.memory_space<vmem_shared>>)
          tpu.yield
        }) : () -> ()
        %lt3A = arith.constant 19 : i32
        %lt3A_105 = arith.cmpi slt, %scan3A_88, %lt3A : i32
        %convert_element_type3A_106 = arith.extui %lt3A_105 : i1 to i32
        %cond3A_107 = arith.constant 0 : i32
        %cond3A_108 = arith.cmpi ne, %convert_element_type3A_106, %cond3A_107 : i32
        scf.if %cond3A_108 {
          %add3A_120 = arith.constant 2 : i32
          %add3A_121 = arith.addi %mul3A_91, %add3A_120 : i32
          %dma_start3A_122 = arith.constant 0 : i32
          %dma_start3A_123 = tpu.memref_slice %arg6[%add3A_121, %dma_start3A_122] : memref<40x128xi32, #tpu.memory_space<vmem>> -> memref<1x128xi32, #tpu.memory_space<vmem>>
          %dma_start3A_124 = tpu.memref_squeeze %dma_start3A_123 : memref<1x128xi32, #tpu.memory_space<vmem>> -> memref<128xi32, #tpu.memory_space<vmem>>
          %dma_start3A_125 = arith.constant 0 : i32
          %dma_start3A_126 = arith.constant 0 : i32
          %dma_start3A_127 = tpu.memref_slice %arg2[%dma_start3A_125, %dma_start3A_126] : memref<10000x128xf32, #tpu.memory_space<hbm>> -> memref<10000x128xf32, #tpu.memory_space<hbm>>
          tpu.enqueue_indirect_dma source(%dma_start3A_127 : memref<10000x128xf32, #tpu.memory_space<hbm>>) target(%arg8 : memref<128x128xf32, #tpu.memory_space<vmem>>) offsets(%dma_start3A_124 : memref<128xi32, #tpu.memory_space<vmem>>) semaphore(%arg10 : memref<!tpu.dma_semaphore, #tpu.memory_space<semaphore_mem>>)
        } else {
        }
        %add3A_109 = arith.constant 1 : i32
        %add3A_110 = arith.addi %mul3A_91, %add3A_109 : i32
        %dma_wait3A_111 = arith.constant 0 : i32
        %dma_wait3A_112 = tpu.memref_slice %arg6[%add3A_110, %dma_wait3A_111] : memref<40x128xi32, #tpu.memory_space<vmem>> -> memref<1x128xi32, #tpu.memory_space<vmem>>
        %dma_wait3A_113 = tpu.memref_squeeze %dma_wait3A_112 : memref<1x128xi32, #tpu.memory_space<vmem>> -> memref<128xi32, #tpu.memory_space<vmem>>
        %dma_wait3A_114 = arith.constant 0 : i32
        %dma_wait3A_115 = arith.constant 0 : i32
        %dma_wait3A_116 = tpu.memref_slice %arg2[%dma_wait3A_114, %dma_wait3A_115] : memref<10000x128xf32, #tpu.memory_space<hbm>> -> memref<10000x128xf32, #tpu.memory_space<hbm>>
        tpu.wait_indirect_dma semaphore(%arg10 : memref<!tpu.dma_semaphore, #tpu.memory_space<semaphore_mem>>) src(%dma_wait3A_116 : memref<10000x128xf32, #tpu.memory_space<hbm>>) dst(%arg9 : memref<128x128xf32, #tpu.memory_space<vmem>>)
        %add3A_117 = arith.constant 1 : i32
        %add3A_118 = arith.addi %mul3A_91, %add3A_117 : i32
        "tpu.region"() ({
          %run_scoped3A = tpu.sem_alloc : memref<!tpu.dma_semaphore, #tpu.memory_space<semaphore_mem>>
          %dma_start3A_120 = arith.constant 0 : i32
          %dma_start3A_121 = tpu.memref_slice %arg7[%add3A_118, %dma_start3A_120] : memref<40x128xi32, #tpu.memory_space<vmem>> -> memref<1x128xi32, #tpu.memory_space<vmem>>
          %dma_start3A_122 = tpu.memref_squeeze %dma_start3A_121 : memref<1x128xi32, #tpu.memory_space<vmem>> -> memref<128xi32, #tpu.memory_space<vmem>>
          %dma_start3A_123 = arith.constant 0 : i32
          %dma_start3A_124 = arith.constant 0 : i32
          %dma_start3A_125 = tpu.memref_slice %arg11[%dma_start3A_123, %dma_start3A_124] : memref<10240x128xf32, #tpu.memory_space<vmem_shared>> -> memref<10240x128xf32, #tpu.memory_space<vmem_shared>>
          tpu.enqueue_indirect_dma source(%arg9 : memref<128x128xf32, #tpu.memory_space<vmem>>) target(%dma_start3A_125 : memref<10240x128xf32, #tpu.memory_space<vmem_shared>>) offsets(%dma_start3A_122 : memref<128xi32, #tpu.memory_space<vmem>>) semaphore(%run_scoped3A : memref<!tpu.dma_semaphore, #tpu.memory_space<semaphore_mem>>) {add = true}
          %dma_wait3A_126 = arith.constant 0 : i32
          %dma_wait3A_127 = tpu.memref_slice %arg7[%add3A_118, %dma_wait3A_126] : memref<40x128xi32, #tpu.memory_space<vmem>> -> memref<1x128xi32, #tpu.memory_space<vmem>>
          %dma_wait3A_128 = tpu.memref_squeeze %dma_wait3A_127 : memref<1x128xi32, #tpu.memory_space<vmem>> -> memref<128xi32, #tpu.memory_space<vmem>>
          %dma_wait3A_129 = arith.constant 0 : i32
          %dma_wait3A_130 = arith.constant 0 : i32
          %dma_wait3A_131 = tpu.memref_slice %arg11[%dma_wait3A_129, %dma_wait3A_130] : memref<10240x128xf32, #tpu.memory_space<vmem_shared>> -> memref<10240x128xf32, #tpu.memory_space<vmem_shared>>
          tpu.wait_indirect_dma semaphore(%run_scoped3A : memref<!tpu.dma_semaphore, #tpu.memory_space<semaphore_mem>>) src(%arg9 : memref<128x128xf32, #tpu.memory_space<vmem>>) dst(%dma_wait3A_131 : memref<10240x128xf32, #tpu.memory_space<vmem_shared>>)
          tpu.yield
        }) : () -> ()
        %scan3A_119 = arith.constant 0 : i32
        scf.yield %scan3A_119 : i32
      }
      %scan3A_86 = arith.constant 20 : i32
      %barrier3A_87 = arith.constant 0 : index
      tpu.barrier barrier_id(%barrier3A_87)
      "tpu.region"() ({
        %run_scoped3A = tpu.sem_alloc : memref<!tpu.dma_semaphore, #tpu.memory_space<semaphore_mem>>
        %dma_start3A_88 = arith.constant 0 : i32
        %dma_start3A_89 = tpu.memref_slice %arg5[%mul3A_1, %dma_start3A_88] : memref<10240x128xf32, #tpu.memory_space<hbm>> -> memref<640x128xf32, #tpu.memory_space<hbm>>
        %dma_start3A_90 = arith.constant 0 : i32
        %dma_start3A_91 = tpu.memref_slice %arg11[%mul3A_1, %dma_start3A_90] : memref<10240x128xf32, #tpu.memory_space<vmem_shared>> -> memref<640x128xf32, #tpu.memory_space<vmem_shared>>
        tpu.enqueue_dma source(%dma_start3A_91 : memref<640x128xf32, #tpu.memory_space<vmem_shared>>) target(%dma_start3A_89 : memref<640x128xf32, #tpu.memory_space<hbm>>) target_semaphore(%run_scoped3A : memref<!tpu.dma_semaphore, #tpu.memory_space<semaphore_mem>>)
        %dma_wait3A = arith.constant 0 : i32
        %dma_wait3A_92 = tpu.memref_slice %arg5[%mul3A_1, %dma_wait3A] : memref<10240x128xf32, #tpu.memory_space<hbm>> -> memref<640x128xf32, #tpu.memory_space<hbm>>
        %dma_wait3A_93 = arith.constant 0 : i32
        %dma_wait3A_94 = tpu.memref_slice %arg11[%mul3A_1, %dma_wait3A_93] : memref<10240x128xf32, #tpu.memory_space<vmem_shared>> -> memref<640x128xf32, #tpu.memory_space<vmem_shared>>
        tpu.wait_dma2 semaphore(%run_scoped3A : memref<!tpu.dma_semaphore, #tpu.memory_space<semaphore_mem>>) src(%dma_wait3A_94 : memref<640x128xf32, #tpu.memory_space<vmem_shared>>) dst(%dma_wait3A_92 : memref<640x128xf32, #tpu.memory_space<hbm>>)
        tpu.yield
      }) : () -> ()
    } else {
    }
    return
  }
}

#map = affine_map<(d0, d1) -> (0, 0)>
module attributes {stable_mosaic.version = 14 : i64} {
  func.func @_sc_agg_body(%arg0: i32, %arg1: i32, %arg2: memref<10000x128xf32, #tpu.memory_space<hbm>>, %arg3: memref<2560x128xi32, #tpu.memory_space<hbm>>, %arg4: memref<2560x128xi32, #tpu.memory_space<hbm>>, %arg5: memref<10240x128xf32, #tpu.memory_space<hbm>>, %arg6: memref<40x128xi32, #tpu.memory_space<vmem>>, %arg7: memref<40x128xi32, #tpu.memory_space<vmem>>, %arg8: memref<128x128xf32, #tpu.memory_space<vmem>>, %arg9: memref<128x128xf32, #tpu.memory_space<vmem>>, %arg10: memref<!tpu.dma_semaphore, #tpu.memory_space<semaphore_mem>>, %arg11: memref<10240x128xf32, #tpu.memory_space<vmem_shared>>) attributes {dimension_semantics = [#tpu.dimension_semantics<core_parallel>, #tpu.dimension_semantics<subcore_parallel>], iteration_bounds = array<i64: 2, 16>, scalar_prefetch = 0 : i64, scratch_operands = 6 : i64, tpu.core_type = #tpu.core_type<sc_vector_subcore>, window_params = [{transform_indices = #map}, {transform_indices = #map}, {transform_indices = #map}, {transform_indices = #map}]} {
    %broadcast_in_dim3A = arith.constant 0.000000e+00 : f32
    %broadcast_in_dim3A_0 = vector.broadcast %broadcast_in_dim3A : f32 to vector<16xf32>
    %mul3A = arith.constant 640 : i32
    %mul3A_1 = arith.muli %arg1, %mul3A : i32
    %eq3A = arith.constant 0 : i32
    %eq3A_2 = arith.cmpi eq, %arg0, %eq3A : i32
    %convert_element_type3A = arith.extui %eq3A_2 : i1 to i32
    %cond3A = arith.constant 0 : i32
    %cond3A_3 = arith.cmpi ne, %convert_element_type3A, %cond3A : i32
    scf.if %cond3A_3 {
      %scan3A = arith.constant 0 : i32
      %scan3A_4 = arith.constant 0 : i32
      %scan3A_5 = arith.constant 1024 : i32
      %scan3A_6 = arith.addi %scan3A_4, %scan3A_5 : i32
      %scan3A_7 = arith.constant 1 : i32
      %scan3A_8 = scf.for %scan3A_88 = %scan3A_4 to %scan3A_6 step %scan3A_7 iter_args(%scan3A_89 = %scan3A) -> (i32)  : i32 {
        %jit3A = arith.constant 8 : i32
        %div3A = arith.divsi %scan3A_88, %jit3A : i32
        %sign3A = arith.constant 0 : i32
        %sign3A_90 = arith.cmpi sgt, %scan3A_88, %sign3A : i32
        %sign3A_91 = arith.extui %sign3A_90 : i1 to i32
        %sign3A_92 = arith.constant 0 : i32
        %sign3A_93 = arith.cmpi slt, %scan3A_88, %sign3A_92 : i32
        %sign3A_94 = arith.extui %sign3A_93 : i1 to i32
        %sign3A_95 = arith.subi %sign3A_91, %sign3A_94 : i32
        %sign3A_96 = arith.constant 0 : i32
        %sign3A_97 = arith.cmpi sgt, %jit3A, %sign3A_96 : i32
        %sign3A_98 = arith.extui %sign3A_97 : i1 to i32
        %sign3A_99 = arith.constant 0 : i32
        %sign3A_100 = arith.cmpi slt, %jit3A, %sign3A_99 : i32
        %sign3A_101 = arith.extui %sign3A_100 : i1 to i32
        %sign3A_102 = arith.subi %sign3A_98, %sign3A_101 : i32
        %ne3A = arith.cmpi ne, %sign3A_95, %sign3A_102 : i32
        %rem3A = arith.remsi %scan3A_88, %jit3A : i32
        %ne3A_103 = arith.constant 0 : i32
        %ne3A_104 = arith.cmpi ne, %rem3A, %ne3A_103 : i32
        %and3A = arith.andi %ne3A, %ne3A_104 : i1
        %sub3A = arith.constant 1 : i32
        %sub3A_105 = arith.subi %div3A, %sub3A : i32
        %select_n3A = arith.select %and3A, %sub3A_105, %div3A : i32
        %jit3A_106 = arith.constant 8 : i32
        %eq3A_107 = arith.constant 0 : i32
        %eq3A_108 = arith.cmpi eq, %jit3A_106, %eq3A_107 : i32
        %jit3A_109 = arith.constant 1 : i32
        %select_n3A_110 = arith.select %eq3A_108, %jit3A_109, %jit3A_106 : i32
        %rem3A_111 = arith.remsi %scan3A_88, %select_n3A_110 : i32
        %ne3A_112 = arith.constant 0 : i32
        %ne3A_113 = arith.cmpi ne, %rem3A_111, %ne3A_112 : i32
        %lt3A = arith.constant 0 : i32
        %lt3A_114 = arith.cmpi slt, %rem3A_111, %lt3A : i32
        %lt3A_115 = arith.constant 0 : i32
        %lt3A_116 = arith.cmpi slt, %select_n3A_110, %lt3A_115 : i32
        %ne3A_117 = arith.xori %lt3A_114, %lt3A_116 : i1
        %and3A_118 = arith.andi %ne3A_117, %ne3A_113 : i1
        %add3A_119 = arith.addi %rem3A_111, %select_n3A_110 : i32
        %select_n3A_120 = arith.select %and3A_118, %add3A_119, %rem3A_111 : i32
        %mul3A_121 = arith.constant 16 : i32
        %mul3A_122 = arith.muli %select_n3A_120, %mul3A_121 : i32
        %swap3A = arith.index_cast %select_n3A : i32 to index
        %swap3A_123 = arith.index_cast %mul3A_122 : i32 to index
        %swap3A_124 = tpu.vector_load %arg8[%swap3A, %swap3A_123] {strides = array<i32>} : memref<128x128xf32, #tpu.memory_space<vmem>>, vector<1x16xf32>,
        %swap3A_125 = vector.shape_cast %swap3A_124 : vector<1x16xf32> to vector<16xf32>
        %swap3A_126 = vector.shape_cast %broadcast_in_dim3A_0 : vector<16xf32> to vector<1x16xf32>
        tpu.vector_store %arg8[%swap3A, %swap3A_123], %swap3A_126 {strides = array<i32>} : memref<128x128xf32, #tpu.memory_space<vmem>>, vector<1x16xf32>,
        %scan3A_127 = arith.constant 0 : i32
        scf.yield %scan3A_127 : i32
      }
      %scan3A_9 = arith.constant 1024 : i32
      %scan3A_10 = arith.constant 0 : i32
      %scan3A_11 = arith.constant 0 : i32
      %scan3A_12 = arith.constant 5 : i32
      %scan3A_13 = arith.addi %scan3A_11, %scan3A_12 : i32
      %scan3A_14 = arith.constant 1 : i32
      %scan3A_15 = scf.for %scan3A_88 = %scan3A_11 to %scan3A_13 step %scan3A_14 iter_args(%scan3A_89 = %scan3A_10) -> (i32)  : i32 {
        %mul3A_90 = arith.constant 128 : i32
        %mul3A_91 = arith.muli %scan3A_88, %mul3A_90 : i32
        %add3A_92 = arith.addi %mul3A_1, %mul3A_91 : i32
        "tpu.region"() ({
          %run_scoped3A = tpu.sem_alloc : memref<!tpu.dma_semaphore, #tpu.memory_space<semaphore_mem>>
          %dma_start3A_94 = arith.constant 0 : i32
          %dma_start3A_95 = tpu.memref_slice %arg11[%add3A_92, %dma_start3A_94] : memref<10240x128xf32, #tpu.memory_space<vmem_shared>> -> memref<128x128xf32, #tpu.memory_space<vmem_shared>>
          %dma_start3A_96 = arith.constant 0 : i32
          %dma_start3A_97 = tpu.memref_slice %arg11[%add3A_92, %dma_start3A_96] : memref<10240x128xf32, #tpu.memory_space<vmem_shared>> -> memref<128x128xf32, #tpu.memory_space<vmem_shared>>
          tpu.enqueue_dma source(%arg8 : memref<128x128xf32, #tpu.memory_space<vmem>>) target(%dma_start3A_97 : memref<128x128xf32, #tpu.memory_space<vmem_shared>>) target_semaphore(%run_scoped3A : memref<!tpu.dma_semaphore, #tpu.memory_space<semaphore_mem>>)
          %dma_wait3A = arith.constant 0 : i32
          %dma_wait3A_98 = tpu.memref_slice %arg11[%add3A_92, %dma_wait3A] : memref<10240x128xf32, #tpu.memory_space<vmem_shared>> -> memref<128x128xf32, #tpu.memory_space<vmem_shared>>
          %dma_wait3A_99 = arith.constant 0 : i32
          %dma_wait3A_100 = tpu.memref_slice %arg11[%add3A_92, %dma_wait3A_99] : memref<10240x128xf32, #tpu.memory_space<vmem_shared>> -> memref<128x128xf32, #tpu.memory_space<vmem_shared>>
          tpu.wait_dma2 semaphore(%run_scoped3A : memref<!tpu.dma_semaphore, #tpu.memory_space<semaphore_mem>>) src(%arg8 : memref<128x128xf32, #tpu.memory_space<vmem>>) dst(%dma_wait3A_100 : memref<128x128xf32, #tpu.memory_space<vmem_shared>>)
          tpu.yield
        }) : () -> ()
        %scan3A_93 = arith.constant 0 : i32
        scf.yield %scan3A_93 : i32
      }
      %scan3A_16 = arith.constant 5 : i32
      %barrier3A = arith.constant 0 : index
      tpu.barrier barrier_id(%barrier3A)
      %mul3A_17 = arith.constant 160 : i32
      %mul3A_18 = arith.muli %arg1, %mul3A_17 : i32
      %add3A = arith.constant 0 : i32
      %add3A_19 = arith.addi %mul3A_18, %add3A : i32
      "tpu.region"() ({
        %run_scoped3A = tpu.sem_alloc : memref<!tpu.dma_semaphore, #tpu.memory_space<semaphore_mem>>
        %dma_start3A_88 = arith.constant 0 : i32
        %dma_start3A_89 = tpu.memref_slice %arg3[%add3A_19, %dma_start3A_88] : memref<2560x128xi32, #tpu.memory_space<hbm>> -> memref<40x128xi32, #tpu.memory_space<hbm>>
        %dma_start3A_90 = arith.constant 0 : i32
        %dma_start3A_91 = tpu.memref_slice %arg3[%add3A_19, %dma_start3A_90] : memref<2560x128xi32, #tpu.memory_space<hbm>> -> memref<40x128xi32, #tpu.memory_space<hbm>>
        tpu.enqueue_dma source(%dma_start3A_91 : memref<40x128xi32, #tpu.memory_space<hbm>>) target(%arg6 : memref<40x128xi32, #tpu.memory_space<vmem>>) target_semaphore(%run_scoped3A : memref<!tpu.dma_semaphore, #tpu.memory_space<semaphore_mem>>)
        %dma_wait3A = arith.constant 0 : i32
        %dma_wait3A_92 = tpu.memref_slice %arg3[%add3A_19, %dma_wait3A] : memref<2560x128xi32, #tpu.memory_space<hbm>> -> memref<40x128xi32, #tpu.memory_space<hbm>>
        %dma_wait3A_93 = arith.constant 0 : i32
        %dma_wait3A_94 = tpu.memref_slice %arg3[%add3A_19, %dma_wait3A_93] : memref<2560x128xi32, #tpu.memory_space<hbm>> -> memref<40x128xi32, #tpu.memory_space<hbm>>
        tpu.wait_dma2 semaphore(%run_scoped3A : memref<!tpu.dma_semaphore, #tpu.memory_space<semaphore_mem>>) src(%dma_wait3A_94 : memref<40x128xi32, #tpu.memory_space<hbm>>) dst(%arg6 : memref<40x128xi32, #tpu.memory_space<vmem>>)
        tpu.yield
      }) : () -> ()
      "tpu.region"() ({
        %run_scoped3A = tpu.sem_alloc : memref<!tpu.dma_semaphore, #tpu.memory_space<semaphore_mem>>
        %dma_start3A_88 = arith.constant 0 : i32
        %dma_start3A_89 = tpu.memref_slice %arg4[%add3A_19, %dma_start3A_88] : memref<2560x128xi32, #tpu.memory_space<hbm>> -> memref<40x128xi32, #tpu.memory_space<hbm>>
        %dma_start3A_90 = arith.constant 0 : i32
        %dma_start3A_91 = tpu.memref_slice %arg4[%add3A_19, %dma_start3A_90] : memref<2560x128xi32, #tpu.memory_space<hbm>> -> memref<40x128xi32, #tpu.memory_space<hbm>>
        tpu.enqueue_dma source(%dma_start3A_91 : memref<40x128xi32, #tpu.memory_space<hbm>>) target(%arg7 : memref<40x128xi32, #tpu.memory_space<vmem>>) target_semaphore(%run_scoped3A : memref<!tpu.dma_semaphore, #tpu.memory_space<semaphore_mem>>)
        %dma_wait3A = arith.constant 0 : i32
        %dma_wait3A_92 = tpu.memref_slice %arg4[%add3A_19, %dma_wait3A] : memref<2560x128xi32, #tpu.memory_space<hbm>> -> memref<40x128xi32, #tpu.memory_space<hbm>>
        %dma_wait3A_93 = arith.constant 0 : i32
        %dma_wait3A_94 = tpu.memref_slice %arg4[%add3A_19, %dma_wait3A_93] : memref<2560x128xi32, #tpu.memory_space<hbm>> -> memref<40x128xi32, #tpu.memory_space<hbm>>
        tpu.wait_dma2 semaphore(%run_scoped3A : memref<!tpu.dma_semaphore, #tpu.memory_space<semaphore_mem>>) src(%dma_wait3A_94 : memref<40x128xi32, #tpu.memory_space<hbm>>) dst(%arg7 : memref<40x128xi32, #tpu.memory_space<vmem>>)
        tpu.yield
      }) : () -> ()
      %dma_start3A = arith.constant 0 : i32
      %dma_start3A_20 = arith.constant 0 : i32
      %dma_start3A_21 = tpu.memref_slice %arg6[%dma_start3A, %dma_start3A_20] : memref<40x128xi32, #tpu.memory_space<vmem>> -> memref<1x128xi32, #tpu.memory_space<vmem>>
      %dma_start3A_22 = tpu.memref_squeeze %dma_start3A_21 : memref<1x128xi32, #tpu.memory_space<vmem>> -> memref<128xi32, #tpu.memory_space<vmem>>
      %dma_start3A_23 = arith.constant 0 : i32
      %dma_start3A_24 = arith.constant 0 : i32
      %dma_start3A_25 = tpu.memref_slice %arg2[%dma_start3A_23, %dma_start3A_24] : memref<10000x128xf32, #tpu.memory_space<hbm>> -> memref<10000x128xf32, #tpu.memory_space<hbm>>
      tpu.enqueue_indirect_dma source(%dma_start3A_25 : memref<10000x128xf32, #tpu.memory_space<hbm>>) target(%arg8 : memref<128x128xf32, #tpu.memory_space<vmem>>) offsets(%dma_start3A_22 : memref<128xi32, #tpu.memory_space<vmem>>) semaphore(%arg10 : memref<!tpu.dma_semaphore, #tpu.memory_space<semaphore_mem>>)
      %scan3A_26 = arith.constant 0 : i32
      %scan3A_27 = arith.constant 0 : i32
      %scan3A_28 = arith.constant 20 : i32
      %scan3A_29 = arith.addi %scan3A_27, %scan3A_28 : i32
      %scan3A_30 = arith.constant 1 : i32
      %scan3A_31 = scf.for %scan3A_88 = %scan3A_27 to %scan3A_29 step %scan3A_30 iter_args(%scan3A_89 = %scan3A_26) -> (i32)  : i32 {
        %mul3A_90 = arith.constant 2 : i32
        %mul3A_91 = arith.muli %mul3A_90, %scan3A_88 : i32
        %add3A_92 = arith.constant 1 : i32
        %add3A_93 = arith.addi %mul3A_91, %add3A_92 : i32
        %dma_start3A_94 = arith.constant 0 : i32
        %dma_start3A_95 = tpu.memref_slice %arg6[%add3A_93, %dma_start3A_94] : memref<40x128xi32, #tpu.memory_space<vmem>> -> memref<1x128xi32, #tpu.memory_space<vmem>>
        %dma_start3A_96 = tpu.memref_squeeze %dma_start3A_95 : memref<1x128xi32, #tpu.memory_space<vmem>> -> memref<128xi32, #tpu.memory_space<vmem>>
        %dma_start3A_97 = arith.constant 0 : i32
        %dma_start3A_98 = arith.constant 0 : i32
        %dma_start3A_99 = tpu.memref_slice %arg2[%dma_start3A_97, %dma_start3A_98] : memref<10000x128xf32, #tpu.memory_space<hbm>> -> memref<10000x128xf32, #tpu.memory_space<hbm>>
        tpu.enqueue_indirect_dma source(%dma_start3A_99 : memref<10000x128xf32, #tpu.memory_space<hbm>>) target(%arg9 : memref<128x128xf32, #tpu.memory_space<vmem>>) offsets(%dma_start3A_96 : memref<128xi32, #tpu.memory_space<vmem>>) semaphore(%arg10 : memref<!tpu.dma_semaphore, #tpu.memory_space<semaphore_mem>>)
        %dma_wait3A = arith.constant 0 : i32
        %dma_wait3A_100 = tpu.memref_slice %arg6[%mul3A_91, %dma_wait3A] : memref<40x128xi32, #tpu.memory_space<vmem>> -> memref<1x128xi32, #tpu.memory_space<vmem>>
        %dma_wait3A_101 = tpu.memref_squeeze %dma_wait3A_100 : memref<1x128xi32, #tpu.memory_space<vmem>> -> memref<128xi32, #tpu.memory_space<vmem>>
        %dma_wait3A_102 = arith.constant 0 : i32
        %dma_wait3A_103 = arith.constant 0 : i32
        %dma_wait3A_104 = tpu.memref_slice %arg2[%dma_wait3A_102, %dma_wait3A_103] : memref<10000x128xf32, #tpu.memory_space<hbm>> -> memref<10000x128xf32, #tpu.memory_space<hbm>>
        tpu.wait_indirect_dma semaphore(%arg10 : memref<!tpu.dma_semaphore, #tpu.memory_space<semaphore_mem>>) src(%dma_wait3A_104 : memref<10000x128xf32, #tpu.memory_space<hbm>>) dst(%arg8 : memref<128x128xf32, #tpu.memory_space<vmem>>)
        "tpu.region"() ({
          %run_scoped3A = tpu.sem_alloc : memref<!tpu.dma_semaphore, #tpu.memory_space<semaphore_mem>>
          %dma_start3A_120 = arith.constant 0 : i32
          %dma_start3A_121 = tpu.memref_slice %arg7[%mul3A_91, %dma_start3A_120] : memref<40x128xi32, #tpu.memory_space<vmem>> -> memref<1x128xi32, #tpu.memory_space<vmem>>
          %dma_start3A_122 = tpu.memref_squeeze %dma_start3A_121 : memref<1x128xi32, #tpu.memory_space<vmem>> -> memref<128xi32, #tpu.memory_space<vmem>>
          %dma_start3A_123 = arith.constant 0 : i32
          %dma_start3A_124 = arith.constant 0 : i32
          %dma_start3A_125 = tpu.memref_slice %arg11[%dma_start3A_123, %dma_start3A_124] : memref<10240x128xf32, #tpu.memory_space<vmem_shared>> -> memref<10240x128xf32, #tpu.memory_space<vmem_shared>>
          tpu.enqueue_indirect_dma source(%arg8 : memref<128x128xf32, #tpu.memory_space<vmem>>) target(%dma_start3A_125 : memref<10240x128xf32, #tpu.memory_space<vmem_shared>>) offsets(%dma_start3A_122 : memref<128xi32, #tpu.memory_space<vmem>>) semaphore(%run_scoped3A : memref<!tpu.dma_semaphore, #tpu.memory_space<semaphore_mem>>) {add = true}
          %dma_wait3A_126 = arith.constant 0 : i32
          %dma_wait3A_127 = tpu.memref_slice %arg7[%mul3A_91, %dma_wait3A_126] : memref<40x128xi32, #tpu.memory_space<vmem>> -> memref<1x128xi32, #tpu.memory_space<vmem>>
          %dma_wait3A_128 = tpu.memref_squeeze %dma_wait3A_127 : memref<1x128xi32, #tpu.memory_space<vmem>> -> memref<128xi32, #tpu.memory_space<vmem>>
          %dma_wait3A_129 = arith.constant 0 : i32
          %dma_wait3A_130 = arith.constant 0 : i32
          %dma_wait3A_131 = tpu.memref_slice %arg11[%dma_wait3A_129, %dma_wait3A_130] : memref<10240x128xf32, #tpu.memory_space<vmem_shared>> -> memref<10240x128xf32, #tpu.memory_space<vmem_shared>>
          tpu.wait_indirect_dma semaphore(%run_scoped3A : memref<!tpu.dma_semaphore, #tpu.memory_space<semaphore_mem>>) src(%arg8 : memref<128x128xf32, #tpu.memory_space<vmem>>) dst(%dma_wait3A_131 : memref<10240x128xf32, #tpu.memory_space<vmem_shared>>)
          tpu.yield
        }) : () -> ()
        %lt3A = arith.constant 19 : i32
        %lt3A_105 = arith.cmpi slt, %scan3A_88, %lt3A : i32
        %convert_element_type3A_106 = arith.extui %lt3A_105 : i1 to i32
        %cond3A_107 = arith.constant 0 : i32
        %cond3A_108 = arith.cmpi ne, %convert_element_type3A_106, %cond3A_107 : i32
        scf.if %cond3A_108 {
          %add3A_120 = arith.constant 2 : i32
          %add3A_121 = arith.addi %mul3A_91, %add3A_120 : i32
          %dma_start3A_122 = arith.constant 0 : i32
          %dma_start3A_123 = tpu.memref_slice %arg6[%add3A_121, %dma_start3A_122] : memref<40x128xi32, #tpu.memory_space<vmem>> -> memref<1x128xi32, #tpu.memory_space<vmem>>
          %dma_start3A_124 = tpu.memref_squeeze %dma_start3A_123 : memref<1x128xi32, #tpu.memory_space<vmem>> -> memref<128xi32, #tpu.memory_space<vmem>>
          %dma_start3A_125 = arith.constant 0 : i32
          %dma_start3A_126 = arith.constant 0 : i32
          %dma_start3A_127 = tpu.memref_slice %arg2[%dma_start3A_125, %dma_start3A_126] : memref<10000x128xf32, #tpu.memory_space<hbm>> -> memref<10000x128xf32, #tpu.memory_space<hbm>>
          tpu.enqueue_indirect_dma source(%dma_start3A_127 : memref<10000x128xf32, #tpu.memory_space<hbm>>) target(%arg8 : memref<128x128xf32, #tpu.memory_space<vmem>>) offsets(%dma_start3A_124 : memref<128xi32, #tpu.memory_space<vmem>>) semaphore(%arg10 : memref<!tpu.dma_semaphore, #tpu.memory_space<semaphore_mem>>)
        } else {
        }
        %add3A_109 = arith.constant 1 : i32
        %add3A_110 = arith.addi %mul3A_91, %add3A_109 : i32
        %dma_wait3A_111 = arith.constant 0 : i32
        %dma_wait3A_112 = tpu.memref_slice %arg6[%add3A_110, %dma_wait3A_111] : memref<40x128xi32, #tpu.memory_space<vmem>> -> memref<1x128xi32, #tpu.memory_space<vmem>>
        %dma_wait3A_113 = tpu.memref_squeeze %dma_wait3A_112 : memref<1x128xi32, #tpu.memory_space<vmem>> -> memref<128xi32, #tpu.memory_space<vmem>>
        %dma_wait3A_114 = arith.constant 0 : i32
        %dma_wait3A_115 = arith.constant 0 : i32
        %dma_wait3A_116 = tpu.memref_slice %arg2[%dma_wait3A_114, %dma_wait3A_115] : memref<10000x128xf32, #tpu.memory_space<hbm>> -> memref<10000x128xf32, #tpu.memory_space<hbm>>
        tpu.wait_indirect_dma semaphore(%arg10 : memref<!tpu.dma_semaphore, #tpu.memory_space<semaphore_mem>>) src(%dma_wait3A_116 : memref<10000x128xf32, #tpu.memory_space<hbm>>) dst(%arg9 : memref<128x128xf32, #tpu.memory_space<vmem>>)
        %add3A_117 = arith.constant 1 : i32
        %add3A_118 = arith.addi %mul3A_91, %add3A_117 : i32
        "tpu.region"() ({
          %run_scoped3A = tpu.sem_alloc : memref<!tpu.dma_semaphore, #tpu.memory_space<semaphore_mem>>
          %dma_start3A_120 = arith.constant 0 : i32
          %dma_start3A_121 = tpu.memref_slice %arg7[%add3A_118, %dma_start3A_120] : memref<40x128xi32, #tpu.memory_space<vmem>> -> memref<1x128xi32, #tpu.memory_space<vmem>>
          %dma_start3A_122 = tpu.memref_squeeze %dma_start3A_121 : memref<1x128xi32, #tpu.memory_space<vmem>> -> memref<128xi32, #tpu.memory_space<vmem>>
          %dma_start3A_123 = arith.constant 0 : i32
          %dma_start3A_124 = arith.constant 0 : i32
          %dma_start3A_125 = tpu.memref_slice %arg11[%dma_start3A_123, %dma_start3A_124] : memref<10240x128xf32, #tpu.memory_space<vmem_shared>> -> memref<10240x128xf32, #tpu.memory_space<vmem_shared>>
          tpu.enqueue_indirect_dma source(%arg9 : memref<128x128xf32, #tpu.memory_space<vmem>>) target(%dma_start3A_125 : memref<10240x128xf32, #tpu.memory_space<vmem_shared>>) offsets(%dma_start3A_122 : memref<128xi32, #tpu.memory_space<vmem>>) semaphore(%run_scoped3A : memref<!tpu.dma_semaphore, #tpu.memory_space<semaphore_mem>>) {add = true}
          %dma_wait3A_126 = arith.constant 0 : i32
          %dma_wait3A_127 = tpu.memref_slice %arg7[%add3A_118, %dma_wait3A_126] : memref<40x128xi32, #tpu.memory_space<vmem>> -> memref<1x128xi32, #tpu.memory_space<vmem>>
          %dma_wait3A_128 = tpu.memref_squeeze %dma_wait3A_127 : memref<1x128xi32, #tpu.memory_space<vmem>> -> memref<128xi32, #tpu.memory_space<vmem>>
          %dma_wait3A_129 = arith.constant 0 : i32
          %dma_wait3A_130 = arith.constant 0 : i32
          %dma_wait3A_131 = tpu.memref_slice %arg11[%dma_wait3A_129, %dma_wait3A_130] : memref<10240x128xf32, #tpu.memory_space<vmem_shared>> -> memref<10240x128xf32, #tpu.memory_space<vmem_shared>>
          tpu.wait_indirect_dma semaphore(%run_scoped3A : memref<!tpu.dma_semaphore, #tpu.memory_space<semaphore_mem>>) src(%arg9 : memref<128x128xf32, #tpu.memory_space<vmem>>) dst(%dma_wait3A_131 : memref<10240x128xf32, #tpu.memory_space<vmem_shared>>)
          tpu.yield
        }) : () -> ()
        %scan3A_119 = arith.constant 0 : i32
        scf.yield %scan3A_119 : i32
      }
      %scan3A_32 = arith.constant 20 : i32
      %mul3A_33 = arith.constant 160 : i32
      %mul3A_34 = arith.muli %arg1, %mul3A_33 : i32
      %add3A_35 = arith.constant 40 : i32
      %add3A_36 = arith.addi %mul3A_34, %add3A_35 : i32
      "tpu.region"() ({
        %run_scoped3A = tpu.sem_alloc : memref<!tpu.dma_semaphore, #tpu.memory_space<semaphore_mem>>
        %dma_start3A_88 = arith.constant 0 : i32
        %dma_start3A_89 = tpu.memref_slice %arg3[%add3A_36, %dma_start3A_88] : memref<2560x128xi32, #tpu.memory_space<hbm>> -> memref<40x128xi32, #tpu.memory_space<hbm>>
        %dma_start3A_90 = arith.constant 0 : i32
        %dma_start3A_91 = tpu.memref_slice %arg3[%add3A_36, %dma_start3A_90] : memref<2560x128xi32, #tpu.memory_space<hbm>> -> memref<40x128xi32, #tpu.memory_space<hbm>>
        tpu.enqueue_dma source(%dma_start3A_91 : memref<40x128xi32, #tpu.memory_space<hbm>>) target(%arg6 : memref<40x128xi32, #tpu.memory_space<vmem>>) target_semaphore(%run_scoped3A : memref<!tpu.dma_semaphore, #tpu.memory_space<semaphore_mem>>)
        %dma_wait3A = arith.constant 0 : i32
        %dma_wait3A_92 = tpu.memref_slice %arg3[%add3A_36, %dma_wait3A] : memref<2560x128xi32, #tpu.memory_space<hbm>> -> memref<40x128xi32, #tpu.memory_space<hbm>>
        %dma_wait3A_93 = arith.constant 0 : i32
        %dma_wait3A_94 = tpu.memref_slice %arg3[%add3A_36, %dma_wait3A_93] : memref<2560x128xi32, #tpu.memory_space<hbm>> -> memref<40x128xi32, #tpu.memory_space<hbm>>
        tpu.wait_dma2 semaphore(%run_scoped3A : memref<!tpu.dma_semaphore, #tpu.memory_space<semaphore_mem>>) src(%dma_wait3A_94 : memref<40x128xi32, #tpu.memory_space<hbm>>) dst(%arg6 : memref<40x128xi32, #tpu.memory_space<vmem>>)
        tpu.yield
      }) : () -> ()
      "tpu.region"() ({
        %run_scoped3A = tpu.sem_alloc : memref<!tpu.dma_semaphore, #tpu.memory_space<semaphore_mem>>
        %dma_start3A_88 = arith.constant 0 : i32
        %dma_start3A_89 = tpu.memref_slice %arg4[%add3A_36, %dma_start3A_88] : memref<2560x128xi32, #tpu.memory_space<hbm>> -> memref<40x128xi32, #tpu.memory_space<hbm>>
        %dma_start3A_90 = arith.constant 0 : i32
        %dma_start3A_91 = tpu.memref_slice %arg4[%add3A_36, %dma_start3A_90] : memref<2560x128xi32, #tpu.memory_space<hbm>> -> memref<40x128xi32, #tpu.memory_space<hbm>>
        tpu.enqueue_dma source(%dma_start3A_91 : memref<40x128xi32, #tpu.memory_space<hbm>>) target(%arg7 : memref<40x128xi32, #tpu.memory_space<vmem>>) target_semaphore(%run_scoped3A : memref<!tpu.dma_semaphore, #tpu.memory_space<semaphore_mem>>)
        %dma_wait3A = arith.constant 0 : i32
        %dma_wait3A_92 = tpu.memref_slice %arg4[%add3A_36, %dma_wait3A] : memref<2560x128xi32, #tpu.memory_space<hbm>> -> memref<40x128xi32, #tpu.memory_space<hbm>>
        %dma_wait3A_93 = arith.constant 0 : i32
        %dma_wait3A_94 = tpu.memref_slice %arg4[%add3A_36, %dma_wait3A_93] : memref<2560x128xi32, #tpu.memory_space<hbm>> -> memref<40x128xi32, #tpu.memory_space<hbm>>
        tpu.wait_dma2 semaphore(%run_scoped3A : memref<!tpu.dma_semaphore, #tpu.memory_space<semaphore_mem>>) src(%dma_wait3A_94 : memref<40x128xi32, #tpu.memory_space<hbm>>) dst(%arg7 : memref<40x128xi32, #tpu.memory_space<vmem>>)
        tpu.yield
      }) : () -> ()
      %dma_start3A_37 = arith.constant 0 : i32
      %dma_start3A_38 = arith.constant 0 : i32
      %dma_start3A_39 = tpu.memref_slice %arg6[%dma_start3A_37, %dma_start3A_38] : memref<40x128xi32, #tpu.memory_space<vmem>> -> memref<1x128xi32, #tpu.memory_space<vmem>>
      %dma_start3A_40 = tpu.memref_squeeze %dma_start3A_39 : memref<1x128xi32, #tpu.memory_space<vmem>> -> memref<128xi32, #tpu.memory_space<vmem>>
      %dma_start3A_41 = arith.constant 0 : i32
      %dma_start3A_42 = arith.constant 0 : i32
      %dma_start3A_43 = tpu.memref_slice %arg2[%dma_start3A_41, %dma_start3A_42] : memref<10000x128xf32, #tpu.memory_space<hbm>> -> memref<10000x128xf32, #tpu.memory_space<hbm>>
      tpu.enqueue_indirect_dma source(%dma_start3A_43 : memref<10000x128xf32, #tpu.memory_space<hbm>>) target(%arg8 : memref<128x128xf32, #tpu.memory_space<vmem>>) offsets(%dma_start3A_40 : memref<128xi32, #tpu.memory_space<vmem>>) semaphore(%arg10 : memref<!tpu.dma_semaphore, #tpu.memory_space<semaphore_mem>>)
      %scan3A_44 = arith.constant 0 : i32
      %scan3A_45 = arith.constant 0 : i32
      %scan3A_46 = arith.constant 20 : i32
      %scan3A_47 = arith.addi %scan3A_45, %scan3A_46 : i32
      %scan3A_48 = arith.constant 1 : i32
      %scan3A_49 = scf.for %scan3A_88 = %scan3A_45 to %scan3A_47 step %scan3A_48 iter_args(%scan3A_89 = %scan3A_44) -> (i32)  : i32 {
        %mul3A_90 = arith.constant 2 : i32
        %mul3A_91 = arith.muli %mul3A_90, %scan3A_88 : i32
        %add3A_92 = arith.constant 1 : i32
        %add3A_93 = arith.addi %mul3A_91, %add3A_92 : i32
        %dma_start3A_94 = arith.constant 0 : i32
        %dma_start3A_95 = tpu.memref_slice %arg6[%add3A_93, %dma_start3A_94] : memref<40x128xi32, #tpu.memory_space<vmem>> -> memref<1x128xi32, #tpu.memory_space<vmem>>
        %dma_start3A_96 = tpu.memref_squeeze %dma_start3A_95 : memref<1x128xi32, #tpu.memory_space<vmem>> -> memref<128xi32, #tpu.memory_space<vmem>>
        %dma_start3A_97 = arith.constant 0 : i32
        %dma_start3A_98 = arith.constant 0 : i32
        %dma_start3A_99 = tpu.memref_slice %arg2[%dma_start3A_97, %dma_start3A_98] : memref<10000x128xf32, #tpu.memory_space<hbm>> -> memref<10000x128xf32, #tpu.memory_space<hbm>>
        tpu.enqueue_indirect_dma source(%dma_start3A_99 : memref<10000x128xf32, #tpu.memory_space<hbm>>) target(%arg9 : memref<128x128xf32, #tpu.memory_space<vmem>>) offsets(%dma_start3A_96 : memref<128xi32, #tpu.memory_space<vmem>>) semaphore(%arg10 : memref<!tpu.dma_semaphore, #tpu.memory_space<semaphore_mem>>)
        %dma_wait3A = arith.constant 0 : i32
        %dma_wait3A_100 = tpu.memref_slice %arg6[%mul3A_91, %dma_wait3A] : memref<40x128xi32, #tpu.memory_space<vmem>> -> memref<1x128xi32, #tpu.memory_space<vmem>>
        %dma_wait3A_101 = tpu.memref_squeeze %dma_wait3A_100 : memref<1x128xi32, #tpu.memory_space<vmem>> -> memref<128xi32, #tpu.memory_space<vmem>>
        %dma_wait3A_102 = arith.constant 0 : i32
        %dma_wait3A_103 = arith.constant 0 : i32
        %dma_wait3A_104 = tpu.memref_slice %arg2[%dma_wait3A_102, %dma_wait3A_103] : memref<10000x128xf32, #tpu.memory_space<hbm>> -> memref<10000x128xf32, #tpu.memory_space<hbm>>
        tpu.wait_indirect_dma semaphore(%arg10 : memref<!tpu.dma_semaphore, #tpu.memory_space<semaphore_mem>>) src(%dma_wait3A_104 : memref<10000x128xf32, #tpu.memory_space<hbm>>) dst(%arg8 : memref<128x128xf32, #tpu.memory_space<vmem>>)
        "tpu.region"() ({
          %run_scoped3A = tpu.sem_alloc : memref<!tpu.dma_semaphore, #tpu.memory_space<semaphore_mem>>
          %dma_start3A_120 = arith.constant 0 : i32
          %dma_start3A_121 = tpu.memref_slice %arg7[%mul3A_91, %dma_start3A_120] : memref<40x128xi32, #tpu.memory_space<vmem>> -> memref<1x128xi32, #tpu.memory_space<vmem>>
          %dma_start3A_122 = tpu.memref_squeeze %dma_start3A_121 : memref<1x128xi32, #tpu.memory_space<vmem>> -> memref<128xi32, #tpu.memory_space<vmem>>
          %dma_start3A_123 = arith.constant 0 : i32
          %dma_start3A_124 = arith.constant 0 : i32
          %dma_start3A_125 = tpu.memref_slice %arg11[%dma_start3A_123, %dma_start3A_124] : memref<10240x128xf32, #tpu.memory_space<vmem_shared>> -> memref<10240x128xf32, #tpu.memory_space<vmem_shared>>
          tpu.enqueue_indirect_dma source(%arg8 : memref<128x128xf32, #tpu.memory_space<vmem>>) target(%dma_start3A_125 : memref<10240x128xf32, #tpu.memory_space<vmem_shared>>) offsets(%dma_start3A_122 : memref<128xi32, #tpu.memory_space<vmem>>) semaphore(%run_scoped3A : memref<!tpu.dma_semaphore, #tpu.memory_space<semaphore_mem>>) {add = true}
          %dma_wait3A_126 = arith.constant 0 : i32
          %dma_wait3A_127 = tpu.memref_slice %arg7[%mul3A_91, %dma_wait3A_126] : memref<40x128xi32, #tpu.memory_space<vmem>> -> memref<1x128xi32, #tpu.memory_space<vmem>>
          %dma_wait3A_128 = tpu.memref_squeeze %dma_wait3A_127 : memref<1x128xi32, #tpu.memory_space<vmem>> -> memref<128xi32, #tpu.memory_space<vmem>>
          %dma_wait3A_129 = arith.constant 0 : i32
          %dma_wait3A_130 = arith.constant 0 : i32
          %dma_wait3A_131 = tpu.memref_slice %arg11[%dma_wait3A_129, %dma_wait3A_130] : memref<10240x128xf32, #tpu.memory_space<vmem_shared>> -> memref<10240x128xf32, #tpu.memory_space<vmem_shared>>
          tpu.wait_indirect_dma semaphore(%run_scoped3A : memref<!tpu.dma_semaphore, #tpu.memory_space<semaphore_mem>>) src(%arg8 : memref<128x128xf32, #tpu.memory_space<vmem>>) dst(%dma_wait3A_131 : memref<10240x128xf32, #tpu.memory_space<vmem_shared>>)
          tpu.yield
        }) : () -> ()
        %lt3A = arith.constant 19 : i32
        %lt3A_105 = arith.cmpi slt, %scan3A_88, %lt3A : i32
        %convert_element_type3A_106 = arith.extui %lt3A_105 : i1 to i32
        %cond3A_107 = arith.constant 0 : i32
        %cond3A_108 = arith.cmpi ne, %convert_element_type3A_106, %cond3A_107 : i32
        scf.if %cond3A_108 {
          %add3A_120 = arith.constant 2 : i32
          %add3A_121 = arith.addi %mul3A_91, %add3A_120 : i32
          %dma_start3A_122 = arith.constant 0 : i32
          %dma_start3A_123 = tpu.memref_slice %arg6[%add3A_121, %dma_start3A_122] : memref<40x128xi32, #tpu.memory_space<vmem>> -> memref<1x128xi32, #tpu.memory_space<vmem>>
          %dma_start3A_124 = tpu.memref_squeeze %dma_start3A_123 : memref<1x128xi32, #tpu.memory_space<vmem>> -> memref<128xi32, #tpu.memory_space<vmem>>
          %dma_start3A_125 = arith.constant 0 : i32
          %dma_start3A_126 = arith.constant 0 : i32
          %dma_start3A_127 = tpu.memref_slice %arg2[%dma_start3A_125, %dma_start3A_126] : memref<10000x128xf32, #tpu.memory_space<hbm>> -> memref<10000x128xf32, #tpu.memory_space<hbm>>
          tpu.enqueue_indirect_dma source(%dma_start3A_127 : memref<10000x128xf32, #tpu.memory_space<hbm>>) target(%arg8 : memref<128x128xf32, #tpu.memory_space<vmem>>) offsets(%dma_start3A_124 : memref<128xi32, #tpu.memory_space<vmem>>) semaphore(%arg10 : memref<!tpu.dma_semaphore, #tpu.memory_space<semaphore_mem>>)
        } else {
        }
        %add3A_109 = arith.constant 1 : i32
        %add3A_110 = arith.addi %mul3A_91, %add3A_109 : i32
        %dma_wait3A_111 = arith.constant 0 : i32
        %dma_wait3A_112 = tpu.memref_slice %arg6[%add3A_110, %dma_wait3A_111] : memref<40x128xi32, #tpu.memory_space<vmem>> -> memref<1x128xi32, #tpu.memory_space<vmem>>
        %dma_wait3A_113 = tpu.memref_squeeze %dma_wait3A_112 : memref<1x128xi32, #tpu.memory_space<vmem>> -> memref<128xi32, #tpu.memory_space<vmem>>
        %dma_wait3A_114 = arith.constant 0 : i32
        %dma_wait3A_115 = arith.constant 0 : i32
        %dma_wait3A_116 = tpu.memref_slice %arg2[%dma_wait3A_114, %dma_wait3A_115] : memref<10000x128xf32, #tpu.memory_space<hbm>> -> memref<10000x128xf32, #tpu.memory_space<hbm>>
        tpu.wait_indirect_dma semaphore(%arg10 : memref<!tpu.dma_semaphore, #tpu.memory_space<semaphore_mem>>) src(%dma_wait3A_116 : memref<10000x128xf32, #tpu.memory_space<hbm>>) dst(%arg9 : memref<128x128xf32, #tpu.memory_space<vmem>>)
        %add3A_117 = arith.constant 1 : i32
        %add3A_118 = arith.addi %mul3A_91, %add3A_117 : i32
        "tpu.region"() ({
          %run_scoped3A = tpu.sem_alloc : memref<!tpu.dma_semaphore, #tpu.memory_space<semaphore_mem>>
          %dma_start3A_120 = arith.constant 0 : i32
          %dma_start3A_121 = tpu.memref_slice %arg7[%add3A_118, %dma_start3A_120] : memref<40x128xi32, #tpu.memory_space<vmem>> -> memref<1x128xi32, #tpu.memory_space<vmem>>
          %dma_start3A_122 = tpu.memref_squeeze %dma_start3A_121 : memref<1x128xi32, #tpu.memory_space<vmem>> -> memref<128xi32, #tpu.memory_space<vmem>>
          %dma_start3A_123 = arith.constant 0 : i32
          %dma_start3A_124 = arith.constant 0 : i32
          %dma_start3A_125 = tpu.memref_slice %arg11[%dma_start3A_123, %dma_start3A_124] : memref<10240x128xf32, #tpu.memory_space<vmem_shared>> -> memref<10240x128xf32, #tpu.memory_space<vmem_shared>>
          tpu.enqueue_indirect_dma source(%arg9 : memref<128x128xf32, #tpu.memory_space<vmem>>) target(%dma_start3A_125 : memref<10240x128xf32, #tpu.memory_space<vmem_shared>>) offsets(%dma_start3A_122 : memref<128xi32, #tpu.memory_space<vmem>>) semaphore(%run_scoped3A : memref<!tpu.dma_semaphore, #tpu.memory_space<semaphore_mem>>) {add = true}
          %dma_wait3A_126 = arith.constant 0 : i32
          %dma_wait3A_127 = tpu.memref_slice %arg7[%add3A_118, %dma_wait3A_126] : memref<40x128xi32, #tpu.memory_space<vmem>> -> memref<1x128xi32, #tpu.memory_space<vmem>>
          %dma_wait3A_128 = tpu.memref_squeeze %dma_wait3A_127 : memref<1x128xi32, #tpu.memory_space<vmem>> -> memref<128xi32, #tpu.memory_space<vmem>>
          %dma_wait3A_129 = arith.constant 0 : i32
          %dma_wait3A_130 = arith.constant 0 : i32
          %dma_wait3A_131 = tpu.memref_slice %arg11[%dma_wait3A_129, %dma_wait3A_130] : memref<10240x128xf32, #tpu.memory_space<vmem_shared>> -> memref<10240x128xf32, #tpu.memory_space<vmem_shared>>
          tpu.wait_indirect_dma semaphore(%run_scoped3A : memref<!tpu.dma_semaphore, #tpu.memory_space<semaphore_mem>>) src(%arg9 : memref<128x128xf32, #tpu.memory_space<vmem>>) dst(%dma_wait3A_131 : memref<10240x128xf32, #tpu.memory_space<vmem_shared>>)
          tpu.yield
        }) : () -> ()
        %scan3A_119 = arith.constant 0 : i32
        scf.yield %scan3A_119 : i32
      }
      %scan3A_50 = arith.constant 20 : i32
      %mul3A_51 = arith.constant 160 : i32
      %mul3A_52 = arith.muli %arg1, %mul3A_51 : i32
      %add3A_53 = arith.constant 80 : i32
      %add3A_54 = arith.addi %mul3A_52, %add3A_53 : i32
      "tpu.region"() ({
        %run_scoped3A = tpu.sem_alloc : memref<!tpu.dma_semaphore, #tpu.memory_space<semaphore_mem>>
        %dma_start3A_88 = arith.constant 0 : i32
        %dma_start3A_89 = tpu.memref_slice %arg3[%add3A_54, %dma_start3A_88] : memref<2560x128xi32, #tpu.memory_space<hbm>> -> memref<40x128xi32, #tpu.memory_space<hbm>>
        %dma_start3A_90 = arith.constant 0 : i32
        %dma_start3A_91 = tpu.memref_slice %arg3[%add3A_54, %dma_start3A_90] : memref<2560x128xi32, #tpu.memory_space<hbm>> -> memref<40x128xi32, #tpu.memory_space<hbm>>
        tpu.enqueue_dma source(%dma_start3A_91 : memref<40x128xi32, #tpu.memory_space<hbm>>) target(%arg6 : memref<40x128xi32, #tpu.memory_space<vmem>>) target_semaphore(%run_scoped3A : memref<!tpu.dma_semaphore, #tpu.memory_space<semaphore_mem>>)
        %dma_wait3A = arith.constant 0 : i32
        %dma_wait3A_92 = tpu.memref_slice %arg3[%add3A_54, %dma_wait3A] : memref<2560x128xi32, #tpu.memory_space<hbm>> -> memref<40x128xi32, #tpu.memory_space<hbm>>
        %dma_wait3A_93 = arith.constant 0 : i32
        %dma_wait3A_94 = tpu.memref_slice %arg3[%add3A_54, %dma_wait3A_93] : memref<2560x128xi32, #tpu.memory_space<hbm>> -> memref<40x128xi32, #tpu.memory_space<hbm>>
        tpu.wait_dma2 semaphore(%run_scoped3A : memref<!tpu.dma_semaphore, #tpu.memory_space<semaphore_mem>>) src(%dma_wait3A_94 : memref<40x128xi32, #tpu.memory_space<hbm>>) dst(%arg6 : memref<40x128xi32, #tpu.memory_space<vmem>>)
        tpu.yield
      }) : () -> ()
      "tpu.region"() ({
        %run_scoped3A = tpu.sem_alloc : memref<!tpu.dma_semaphore, #tpu.memory_space<semaphore_mem>>
        %dma_start3A_88 = arith.constant 0 : i32
        %dma_start3A_89 = tpu.memref_slice %arg4[%add3A_54, %dma_start3A_88] : memref<2560x128xi32, #tpu.memory_space<hbm>> -> memref<40x128xi32, #tpu.memory_space<hbm>>
        %dma_start3A_90 = arith.constant 0 : i32
        %dma_start3A_91 = tpu.memref_slice %arg4[%add3A_54, %dma_start3A_90] : memref<2560x128xi32, #tpu.memory_space<hbm>> -> memref<40x128xi32, #tpu.memory_space<hbm>>
        tpu.enqueue_dma source(%dma_start3A_91 : memref<40x128xi32, #tpu.memory_space<hbm>>) target(%arg7 : memref<40x128xi32, #tpu.memory_space<vmem>>) target_semaphore(%run_scoped3A : memref<!tpu.dma_semaphore, #tpu.memory_space<semaphore_mem>>)
        %dma_wait3A = arith.constant 0 : i32
        %dma_wait3A_92 = tpu.memref_slice %arg4[%add3A_54, %dma_wait3A] : memref<2560x128xi32, #tpu.memory_space<hbm>> -> memref<40x128xi32, #tpu.memory_space<hbm>>
        %dma_wait3A_93 = arith.constant 0 : i32
        %dma_wait3A_94 = tpu.memref_slice %arg4[%add3A_54, %dma_wait3A_93] : memref<2560x128xi32, #tpu.memory_space<hbm>> -> memref<40x128xi32, #tpu.memory_space<hbm>>
        tpu.wait_dma2 semaphore(%run_scoped3A : memref<!tpu.dma_semaphore, #tpu.memory_space<semaphore_mem>>) src(%dma_wait3A_94 : memref<40x128xi32, #tpu.memory_space<hbm>>) dst(%arg7 : memref<40x128xi32, #tpu.memory_space<vmem>>)
        tpu.yield
      }) : () -> ()
      %dma_start3A_55 = arith.constant 0 : i32
      %dma_start3A_56 = arith.constant 0 : i32
      %dma_start3A_57 = tpu.memref_slice %arg6[%dma_start3A_55, %dma_start3A_56] : memref<40x128xi32, #tpu.memory_space<vmem>> -> memref<1x128xi32, #tpu.memory_space<vmem>>
      %dma_start3A_58 = tpu.memref_squeeze %dma_start3A_57 : memref<1x128xi32, #tpu.memory_space<vmem>> -> memref<128xi32, #tpu.memory_space<vmem>>
      %dma_start3A_59 = arith.constant 0 : i32
      %dma_start3A_60 = arith.constant 0 : i32
      %dma_start3A_61 = tpu.memref_slice %arg2[%dma_start3A_59, %dma_start3A_60] : memref<10000x128xf32, #tpu.memory_space<hbm>> -> memref<10000x128xf32, #tpu.memory_space<hbm>>
      tpu.enqueue_indirect_dma source(%dma_start3A_61 : memref<10000x128xf32, #tpu.memory_space<hbm>>) target(%arg8 : memref<128x128xf32, #tpu.memory_space<vmem>>) offsets(%dma_start3A_58 : memref<128xi32, #tpu.memory_space<vmem>>) semaphore(%arg10 : memref<!tpu.dma_semaphore, #tpu.memory_space<semaphore_mem>>)
      %scan3A_62 = arith.constant 0 : i32
      %scan3A_63 = arith.constant 0 : i32
      %scan3A_64 = arith.constant 20 : i32
      %scan3A_65 = arith.addi %scan3A_63, %scan3A_64 : i32
      %scan3A_66 = arith.constant 1 : i32
      %scan3A_67 = scf.for %scan3A_88 = %scan3A_63 to %scan3A_65 step %scan3A_66 iter_args(%scan3A_89 = %scan3A_62) -> (i32)  : i32 {
        %mul3A_90 = arith.constant 2 : i32
        %mul3A_91 = arith.muli %mul3A_90, %scan3A_88 : i32
        %add3A_92 = arith.constant 1 : i32
        %add3A_93 = arith.addi %mul3A_91, %add3A_92 : i32
        %dma_start3A_94 = arith.constant 0 : i32
        %dma_start3A_95 = tpu.memref_slice %arg6[%add3A_93, %dma_start3A_94] : memref<40x128xi32, #tpu.memory_space<vmem>> -> memref<1x128xi32, #tpu.memory_space<vmem>>
        %dma_start3A_96 = tpu.memref_squeeze %dma_start3A_95 : memref<1x128xi32, #tpu.memory_space<vmem>> -> memref<128xi32, #tpu.memory_space<vmem>>
        %dma_start3A_97 = arith.constant 0 : i32
        %dma_start3A_98 = arith.constant 0 : i32
        %dma_start3A_99 = tpu.memref_slice %arg2[%dma_start3A_97, %dma_start3A_98] : memref<10000x128xf32, #tpu.memory_space<hbm>> -> memref<10000x128xf32, #tpu.memory_space<hbm>>
        tpu.enqueue_indirect_dma source(%dma_start3A_99 : memref<10000x128xf32, #tpu.memory_space<hbm>>) target(%arg9 : memref<128x128xf32, #tpu.memory_space<vmem>>) offsets(%dma_start3A_96 : memref<128xi32, #tpu.memory_space<vmem>>) semaphore(%arg10 : memref<!tpu.dma_semaphore, #tpu.memory_space<semaphore_mem>>)
        %dma_wait3A = arith.constant 0 : i32
        %dma_wait3A_100 = tpu.memref_slice %arg6[%mul3A_91, %dma_wait3A] : memref<40x128xi32, #tpu.memory_space<vmem>> -> memref<1x128xi32, #tpu.memory_space<vmem>>
        %dma_wait3A_101 = tpu.memref_squeeze %dma_wait3A_100 : memref<1x128xi32, #tpu.memory_space<vmem>> -> memref<128xi32, #tpu.memory_space<vmem>>
        %dma_wait3A_102 = arith.constant 0 : i32
        %dma_wait3A_103 = arith.constant 0 : i32
        %dma_wait3A_104 = tpu.memref_slice %arg2[%dma_wait3A_102, %dma_wait3A_103] : memref<10000x128xf32, #tpu.memory_space<hbm>> -> memref<10000x128xf32, #tpu.memory_space<hbm>>
        tpu.wait_indirect_dma semaphore(%arg10 : memref<!tpu.dma_semaphore, #tpu.memory_space<semaphore_mem>>) src(%dma_wait3A_104 : memref<10000x128xf32, #tpu.memory_space<hbm>>) dst(%arg8 : memref<128x128xf32, #tpu.memory_space<vmem>>)
        "tpu.region"() ({
          %run_scoped3A = tpu.sem_alloc : memref<!tpu.dma_semaphore, #tpu.memory_space<semaphore_mem>>
          %dma_start3A_120 = arith.constant 0 : i32
          %dma_start3A_121 = tpu.memref_slice %arg7[%mul3A_91, %dma_start3A_120] : memref<40x128xi32, #tpu.memory_space<vmem>> -> memref<1x128xi32, #tpu.memory_space<vmem>>
          %dma_start3A_122 = tpu.memref_squeeze %dma_start3A_121 : memref<1x128xi32, #tpu.memory_space<vmem>> -> memref<128xi32, #tpu.memory_space<vmem>>
          %dma_start3A_123 = arith.constant 0 : i32
          %dma_start3A_124 = arith.constant 0 : i32
          %dma_start3A_125 = tpu.memref_slice %arg11[%dma_start3A_123, %dma_start3A_124] : memref<10240x128xf32, #tpu.memory_space<vmem_shared>> -> memref<10240x128xf32, #tpu.memory_space<vmem_shared>>
          tpu.enqueue_indirect_dma source(%arg8 : memref<128x128xf32, #tpu.memory_space<vmem>>) target(%dma_start3A_125 : memref<10240x128xf32, #tpu.memory_space<vmem_shared>>) offsets(%dma_start3A_122 : memref<128xi32, #tpu.memory_space<vmem>>) semaphore(%run_scoped3A : memref<!tpu.dma_semaphore, #tpu.memory_space<semaphore_mem>>) {add = true}
          %dma_wait3A_126 = arith.constant 0 : i32
          %dma_wait3A_127 = tpu.memref_slice %arg7[%mul3A_91, %dma_wait3A_126] : memref<40x128xi32, #tpu.memory_space<vmem>> -> memref<1x128xi32, #tpu.memory_space<vmem>>
          %dma_wait3A_128 = tpu.memref_squeeze %dma_wait3A_127 : memref<1x128xi32, #tpu.memory_space<vmem>> -> memref<128xi32, #tpu.memory_space<vmem>>
          %dma_wait3A_129 = arith.constant 0 : i32
          %dma_wait3A_130 = arith.constant 0 : i32
          %dma_wait3A_131 = tpu.memref_slice %arg11[%dma_wait3A_129, %dma_wait3A_130] : memref<10240x128xf32, #tpu.memory_space<vmem_shared>> -> memref<10240x128xf32, #tpu.memory_space<vmem_shared>>
          tpu.wait_indirect_dma semaphore(%run_scoped3A : memref<!tpu.dma_semaphore, #tpu.memory_space<semaphore_mem>>) src(%arg8 : memref<128x128xf32, #tpu.memory_space<vmem>>) dst(%dma_wait3A_131 : memref<10240x128xf32, #tpu.memory_space<vmem_shared>>)
          tpu.yield
        }) : () -> ()
        %lt3A = arith.constant 19 : i32
        %lt3A_105 = arith.cmpi slt, %scan3A_88, %lt3A : i32
        %convert_element_type3A_106 = arith.extui %lt3A_105 : i1 to i32
        %cond3A_107 = arith.constant 0 : i32
        %cond3A_108 = arith.cmpi ne, %convert_element_type3A_106, %cond3A_107 : i32
        scf.if %cond3A_108 {
          %add3A_120 = arith.constant 2 : i32
          %add3A_121 = arith.addi %mul3A_91, %add3A_120 : i32
          %dma_start3A_122 = arith.constant 0 : i32
          %dma_start3A_123 = tpu.memref_slice %arg6[%add3A_121, %dma_start3A_122] : memref<40x128xi32, #tpu.memory_space<vmem>> -> memref<1x128xi32, #tpu.memory_space<vmem>>
          %dma_start3A_124 = tpu.memref_squeeze %dma_start3A_123 : memref<1x128xi32, #tpu.memory_space<vmem>> -> memref<128xi32, #tpu.memory_space<vmem>>
          %dma_start3A_125 = arith.constant 0 : i32
          %dma_start3A_126 = arith.constant 0 : i32
          %dma_start3A_127 = tpu.memref_slice %arg2[%dma_start3A_125, %dma_start3A_126] : memref<10000x128xf32, #tpu.memory_space<hbm>> -> memref<10000x128xf32, #tpu.memory_space<hbm>>
          tpu.enqueue_indirect_dma source(%dma_start3A_127 : memref<10000x128xf32, #tpu.memory_space<hbm>>) target(%arg8 : memref<128x128xf32, #tpu.memory_space<vmem>>) offsets(%dma_start3A_124 : memref<128xi32, #tpu.memory_space<vmem>>) semaphore(%arg10 : memref<!tpu.dma_semaphore, #tpu.memory_space<semaphore_mem>>)
        } else {
        }
        %add3A_109 = arith.constant 1 : i32
        %add3A_110 = arith.addi %mul3A_91, %add3A_109 : i32
        %dma_wait3A_111 = arith.constant 0 : i32
        %dma_wait3A_112 = tpu.memref_slice %arg6[%add3A_110, %dma_wait3A_111] : memref<40x128xi32, #tpu.memory_space<vmem>> -> memref<1x128xi32, #tpu.memory_space<vmem>>
        %dma_wait3A_113 = tpu.memref_squeeze %dma_wait3A_112 : memref<1x128xi32, #tpu.memory_space<vmem>> -> memref<128xi32, #tpu.memory_space<vmem>>
        %dma_wait3A_114 = arith.constant 0 : i32
        %dma_wait3A_115 = arith.constant 0 : i32
        %dma_wait3A_116 = tpu.memref_slice %arg2[%dma_wait3A_114, %dma_wait3A_115] : memref<10000x128xf32, #tpu.memory_space<hbm>> -> memref<10000x128xf32, #tpu.memory_space<hbm>>
        tpu.wait_indirect_dma semaphore(%arg10 : memref<!tpu.dma_semaphore, #tpu.memory_space<semaphore_mem>>) src(%dma_wait3A_116 : memref<10000x128xf32, #tpu.memory_space<hbm>>) dst(%arg9 : memref<128x128xf32, #tpu.memory_space<vmem>>)
        %add3A_117 = arith.constant 1 : i32
        %add3A_118 = arith.addi %mul3A_91, %add3A_117 : i32
        "tpu.region"() ({
          %run_scoped3A = tpu.sem_alloc : memref<!tpu.dma_semaphore, #tpu.memory_space<semaphore_mem>>
          %dma_start3A_120 = arith.constant 0 : i32
          %dma_start3A_121 = tpu.memref_slice %arg7[%add3A_118, %dma_start3A_120] : memref<40x128xi32, #tpu.memory_space<vmem>> -> memref<1x128xi32, #tpu.memory_space<vmem>>
          %dma_start3A_122 = tpu.memref_squeeze %dma_start3A_121 : memref<1x128xi32, #tpu.memory_space<vmem>> -> memref<128xi32, #tpu.memory_space<vmem>>
          %dma_start3A_123 = arith.constant 0 : i32
          %dma_start3A_124 = arith.constant 0 : i32
          %dma_start3A_125 = tpu.memref_slice %arg11[%dma_start3A_123, %dma_start3A_124] : memref<10240x128xf32, #tpu.memory_space<vmem_shared>> -> memref<10240x128xf32, #tpu.memory_space<vmem_shared>>
          tpu.enqueue_indirect_dma source(%arg9 : memref<128x128xf32, #tpu.memory_space<vmem>>) target(%dma_start3A_125 : memref<10240x128xf32, #tpu.memory_space<vmem_shared>>) offsets(%dma_start3A_122 : memref<128xi32, #tpu.memory_space<vmem>>) semaphore(%run_scoped3A : memref<!tpu.dma_semaphore, #tpu.memory_space<semaphore_mem>>) {add = true}
          %dma_wait3A_126 = arith.constant 0 : i32
          %dma_wait3A_127 = tpu.memref_slice %arg7[%add3A_118, %dma_wait3A_126] : memref<40x128xi32, #tpu.memory_space<vmem>> -> memref<1x128xi32, #tpu.memory_space<vmem>>
          %dma_wait3A_128 = tpu.memref_squeeze %dma_wait3A_127 : memref<1x128xi32, #tpu.memory_space<vmem>> -> memref<128xi32, #tpu.memory_space<vmem>>
          %dma_wait3A_129 = arith.constant 0 : i32
          %dma_wait3A_130 = arith.constant 0 : i32
          %dma_wait3A_131 = tpu.memref_slice %arg11[%dma_wait3A_129, %dma_wait3A_130] : memref<10240x128xf32, #tpu.memory_space<vmem_shared>> -> memref<10240x128xf32, #tpu.memory_space<vmem_shared>>
          tpu.wait_indirect_dma semaphore(%run_scoped3A : memref<!tpu.dma_semaphore, #tpu.memory_space<semaphore_mem>>) src(%arg9 : memref<128x128xf32, #tpu.memory_space<vmem>>) dst(%dma_wait3A_131 : memref<10240x128xf32, #tpu.memory_space<vmem_shared>>)
          tpu.yield
        }) : () -> ()
        %scan3A_119 = arith.constant 0 : i32
        scf.yield %scan3A_119 : i32
      }
      %scan3A_68 = arith.constant 20 : i32
      %mul3A_69 = arith.constant 160 : i32
      %mul3A_70 = arith.muli %arg1, %mul3A_69 : i32
      %add3A_71 = arith.constant 120 : i32
      %add3A_72 = arith.addi %mul3A_70, %add3A_71 : i32
      "tpu.region"() ({
        %run_scoped3A = tpu.sem_alloc : memref<!tpu.dma_semaphore, #tpu.memory_space<semaphore_mem>>
        %dma_start3A_88 = arith.constant 0 : i32
        %dma_start3A_89 = tpu.memref_slice %arg3[%add3A_72, %dma_start3A_88] : memref<2560x128xi32, #tpu.memory_space<hbm>> -> memref<40x128xi32, #tpu.memory_space<hbm>>
        %dma_start3A_90 = arith.constant 0 : i32
        %dma_start3A_91 = tpu.memref_slice %arg3[%add3A_72, %dma_start3A_90] : memref<2560x128xi32, #tpu.memory_space<hbm>> -> memref<40x128xi32, #tpu.memory_space<hbm>>
        tpu.enqueue_dma source(%dma_start3A_91 : memref<40x128xi32, #tpu.memory_space<hbm>>) target(%arg6 : memref<40x128xi32, #tpu.memory_space<vmem>>) target_semaphore(%run_scoped3A : memref<!tpu.dma_semaphore, #tpu.memory_space<semaphore_mem>>)
        %dma_wait3A = arith.constant 0 : i32
        %dma_wait3A_92 = tpu.memref_slice %arg3[%add3A_72, %dma_wait3A] : memref<2560x128xi32, #tpu.memory_space<hbm>> -> memref<40x128xi32, #tpu.memory_space<hbm>>
        %dma_wait3A_93 = arith.constant 0 : i32
        %dma_wait3A_94 = tpu.memref_slice %arg3[%add3A_72, %dma_wait3A_93] : memref<2560x128xi32, #tpu.memory_space<hbm>> -> memref<40x128xi32, #tpu.memory_space<hbm>>
        tpu.wait_dma2 semaphore(%run_scoped3A : memref<!tpu.dma_semaphore, #tpu.memory_space<semaphore_mem>>) src(%dma_wait3A_94 : memref<40x128xi32, #tpu.memory_space<hbm>>) dst(%arg6 : memref<40x128xi32, #tpu.memory_space<vmem>>)
        tpu.yield
      }) : () -> ()
      "tpu.region"() ({
        %run_scoped3A = tpu.sem_alloc : memref<!tpu.dma_semaphore, #tpu.memory_space<semaphore_mem>>
        %dma_start3A_88 = arith.constant 0 : i32
        %dma_start3A_89 = tpu.memref_slice %arg4[%add3A_72, %dma_start3A_88] : memref<2560x128xi32, #tpu.memory_space<hbm>> -> memref<40x128xi32, #tpu.memory_space<hbm>>
        %dma_start3A_90 = arith.constant 0 : i32
        %dma_start3A_91 = tpu.memref_slice %arg4[%add3A_72, %dma_start3A_90] : memref<2560x128xi32, #tpu.memory_space<hbm>> -> memref<40x128xi32, #tpu.memory_space<hbm>>
        tpu.enqueue_dma source(%dma_start3A_91 : memref<40x128xi32, #tpu.memory_space<hbm>>) target(%arg7 : memref<40x128xi32, #tpu.memory_space<vmem>>) target_semaphore(%run_scoped3A : memref<!tpu.dma_semaphore, #tpu.memory_space<semaphore_mem>>)
        %dma_wait3A = arith.constant 0 : i32
        %dma_wait3A_92 = tpu.memref_slice %arg4[%add3A_72, %dma_wait3A] : memref<2560x128xi32, #tpu.memory_space<hbm>> -> memref<40x128xi32, #tpu.memory_space<hbm>>
        %dma_wait3A_93 = arith.constant 0 : i32
        %dma_wait3A_94 = tpu.memref_slice %arg4[%add3A_72, %dma_wait3A_93] : memref<2560x128xi32, #tpu.memory_space<hbm>> -> memref<40x128xi32, #tpu.memory_space<hbm>>
        tpu.wait_dma2 semaphore(%run_scoped3A : memref<!tpu.dma_semaphore, #tpu.memory_space<semaphore_mem>>) src(%dma_wait3A_94 : memref<40x128xi32, #tpu.memory_space<hbm>>) dst(%arg7 : memref<40x128xi32, #tpu.memory_space<vmem>>)
        tpu.yield
      }) : () -> ()
      %dma_start3A_73 = arith.constant 0 : i32
      %dma_start3A_74 = arith.constant 0 : i32
      %dma_start3A_75 = tpu.memref_slice %arg6[%dma_start3A_73, %dma_start3A_74] : memref<40x128xi32, #tpu.memory_space<vmem>> -> memref<1x128xi32, #tpu.memory_space<vmem>>
      %dma_start3A_76 = tpu.memref_squeeze %dma_start3A_75 : memref<1x128xi32, #tpu.memory_space<vmem>> -> memref<128xi32, #tpu.memory_space<vmem>>
      %dma_start3A_77 = arith.constant 0 : i32
      %dma_start3A_78 = arith.constant 0 : i32
      %dma_start3A_79 = tpu.memref_slice %arg2[%dma_start3A_77, %dma_start3A_78] : memref<10000x128xf32, #tpu.memory_space<hbm>> -> memref<10000x128xf32, #tpu.memory_space<hbm>>
      tpu.enqueue_indirect_dma source(%dma_start3A_79 : memref<10000x128xf32, #tpu.memory_space<hbm>>) target(%arg8 : memref<128x128xf32, #tpu.memory_space<vmem>>) offsets(%dma_start3A_76 : memref<128xi32, #tpu.memory_space<vmem>>) semaphore(%arg10 : memref<!tpu.dma_semaphore, #tpu.memory_space<semaphore_mem>>)
      %scan3A_80 = arith.constant 0 : i32
      %scan3A_81 = arith.constant 0 : i32
      %scan3A_82 = arith.constant 20 : i32
      %scan3A_83 = arith.addi %scan3A_81, %scan3A_82 : i32
      %scan3A_84 = arith.constant 1 : i32
      %scan3A_85 = scf.for %scan3A_88 = %scan3A_81 to %scan3A_83 step %scan3A_84 iter_args(%scan3A_89 = %scan3A_80) -> (i32)  : i32 {
        %mul3A_90 = arith.constant 2 : i32
        %mul3A_91 = arith.muli %mul3A_90, %scan3A_88 : i32
        %add3A_92 = arith.constant 1 : i32
        %add3A_93 = arith.addi %mul3A_91, %add3A_92 : i32
        %dma_start3A_94 = arith.constant 0 : i32
        %dma_start3A_95 = tpu.memref_slice %arg6[%add3A_93, %dma_start3A_94] : memref<40x128xi32, #tpu.memory_space<vmem>> -> memref<1x128xi32, #tpu.memory_space<vmem>>
        %dma_start3A_96 = tpu.memref_squeeze %dma_start3A_95 : memref<1x128xi32, #tpu.memory_space<vmem>> -> memref<128xi32, #tpu.memory_space<vmem>>
        %dma_start3A_97 = arith.constant 0 : i32
        %dma_start3A_98 = arith.constant 0 : i32
        %dma_start3A_99 = tpu.memref_slice %arg2[%dma_start3A_97, %dma_start3A_98] : memref<10000x128xf32, #tpu.memory_space<hbm>> -> memref<10000x128xf32, #tpu.memory_space<hbm>>
        tpu.enqueue_indirect_dma source(%dma_start3A_99 : memref<10000x128xf32, #tpu.memory_space<hbm>>) target(%arg9 : memref<128x128xf32, #tpu.memory_space<vmem>>) offsets(%dma_start3A_96 : memref<128xi32, #tpu.memory_space<vmem>>) semaphore(%arg10 : memref<!tpu.dma_semaphore, #tpu.memory_space<semaphore_mem>>)
        %dma_wait3A = arith.constant 0 : i32
        %dma_wait3A_100 = tpu.memref_slice %arg6[%mul3A_91, %dma_wait3A] : memref<40x128xi32, #tpu.memory_space<vmem>> -> memref<1x128xi32, #tpu.memory_space<vmem>>
        %dma_wait3A_101 = tpu.memref_squeeze %dma_wait3A_100 : memref<1x128xi32, #tpu.memory_space<vmem>> -> memref<128xi32, #tpu.memory_space<vmem>>
        %dma_wait3A_102 = arith.constant 0 : i32
        %dma_wait3A_103 = arith.constant 0 : i32
        %dma_wait3A_104 = tpu.memref_slice %arg2[%dma_wait3A_102, %dma_wait3A_103] : memref<10000x128xf32, #tpu.memory_space<hbm>> -> memref<10000x128xf32, #tpu.memory_space<hbm>>
        tpu.wait_indirect_dma semaphore(%arg10 : memref<!tpu.dma_semaphore, #tpu.memory_space<semaphore_mem>>) src(%dma_wait3A_104 : memref<10000x128xf32, #tpu.memory_space<hbm>>) dst(%arg8 : memref<128x128xf32, #tpu.memory_space<vmem>>)
        "tpu.region"() ({
          %run_scoped3A = tpu.sem_alloc : memref<!tpu.dma_semaphore, #tpu.memory_space<semaphore_mem>>
          %dma_start3A_120 = arith.constant 0 : i32
          %dma_start3A_121 = tpu.memref_slice %arg7[%mul3A_91, %dma_start3A_120] : memref<40x128xi32, #tpu.memory_space<vmem>> -> memref<1x128xi32, #tpu.memory_space<vmem>>
          %dma_start3A_122 = tpu.memref_squeeze %dma_start3A_121 : memref<1x128xi32, #tpu.memory_space<vmem>> -> memref<128xi32, #tpu.memory_space<vmem>>
          %dma_start3A_123 = arith.constant 0 : i32
          %dma_start3A_124 = arith.constant 0 : i32
          %dma_start3A_125 = tpu.memref_slice %arg11[%dma_start3A_123, %dma_start3A_124] : memref<10240x128xf32, #tpu.memory_space<vmem_shared>> -> memref<10240x128xf32, #tpu.memory_space<vmem_shared>>
          tpu.enqueue_indirect_dma source(%arg8 : memref<128x128xf32, #tpu.memory_space<vmem>>) target(%dma_start3A_125 : memref<10240x128xf32, #tpu.memory_space<vmem_shared>>) offsets(%dma_start3A_122 : memref<128xi32, #tpu.memory_space<vmem>>) semaphore(%run_scoped3A : memref<!tpu.dma_semaphore, #tpu.memory_space<semaphore_mem>>) {add = true}
          %dma_wait3A_126 = arith.constant 0 : i32
          %dma_wait3A_127 = tpu.memref_slice %arg7[%mul3A_91, %dma_wait3A_126] : memref<40x128xi32, #tpu.memory_space<vmem>> -> memref<1x128xi32, #tpu.memory_space<vmem>>
          %dma_wait3A_128 = tpu.memref_squeeze %dma_wait3A_127 : memref<1x128xi32, #tpu.memory_space<vmem>> -> memref<128xi32, #tpu.memory_space<vmem>>
          %dma_wait3A_129 = arith.constant 0 : i32
          %dma_wait3A_130 = arith.constant 0 : i32
          %dma_wait3A_131 = tpu.memref_slice %arg11[%dma_wait3A_129, %dma_wait3A_130] : memref<10240x128xf32, #tpu.memory_space<vmem_shared>> -> memref<10240x128xf32, #tpu.memory_space<vmem_shared>>
          tpu.wait_indirect_dma semaphore(%run_scoped3A : memref<!tpu.dma_semaphore, #tpu.memory_space<semaphore_mem>>) src(%arg8 : memref<128x128xf32, #tpu.memory_space<vmem>>) dst(%dma_wait3A_131 : memref<10240x128xf32, #tpu.memory_space<vmem_shared>>)
          tpu.yield
        }) : () -> ()
        %lt3A = arith.constant 19 : i32
        %lt3A_105 = arith.cmpi slt, %scan3A_88, %lt3A : i32
        %convert_element_type3A_106 = arith.extui %lt3A_105 : i1 to i32
        %cond3A_107 = arith.constant 0 : i32
        %cond3A_108 = arith.cmpi ne, %convert_element_type3A_106, %cond3A_107 : i32
        scf.if %cond3A_108 {
          %add3A_120 = arith.constant 2 : i32
          %add3A_121 = arith.addi %mul3A_91, %add3A_120 : i32
          %dma_start3A_122 = arith.constant 0 : i32
          %dma_start3A_123 = tpu.memref_slice %arg6[%add3A_121, %dma_start3A_122] : memref<40x128xi32, #tpu.memory_space<vmem>> -> memref<1x128xi32, #tpu.memory_space<vmem>>
          %dma_start3A_124 = tpu.memref_squeeze %dma_start3A_123 : memref<1x128xi32, #tpu.memory_space<vmem>> -> memref<128xi32, #tpu.memory_space<vmem>>
          %dma_start3A_125 = arith.constant 0 : i32
          %dma_start3A_126 = arith.constant 0 : i32
          %dma_start3A_127 = tpu.memref_slice %arg2[%dma_start3A_125, %dma_start3A_126] : memref<10000x128xf32, #tpu.memory_space<hbm>> -> memref<10000x128xf32, #tpu.memory_space<hbm>>
          tpu.enqueue_indirect_dma source(%dma_start3A_127 : memref<10000x128xf32, #tpu.memory_space<hbm>>) target(%arg8 : memref<128x128xf32, #tpu.memory_space<vmem>>) offsets(%dma_start3A_124 : memref<128xi32, #tpu.memory_space<vmem>>) semaphore(%arg10 : memref<!tpu.dma_semaphore, #tpu.memory_space<semaphore_mem>>)
        } else {
        }
        %add3A_109 = arith.constant 1 : i32
        %add3A_110 = arith.addi %mul3A_91, %add3A_109 : i32
        %dma_wait3A_111 = arith.constant 0 : i32
        %dma_wait3A_112 = tpu.memref_slice %arg6[%add3A_110, %dma_wait3A_111] : memref<40x128xi32, #tpu.memory_space<vmem>> -> memref<1x128xi32, #tpu.memory_space<vmem>>
        %dma_wait3A_113 = tpu.memref_squeeze %dma_wait3A_112 : memref<1x128xi32, #tpu.memory_space<vmem>> -> memref<128xi32, #tpu.memory_space<vmem>>
        %dma_wait3A_114 = arith.constant 0 : i32
        %dma_wait3A_115 = arith.constant 0 : i32
        %dma_wait3A_116 = tpu.memref_slice %arg2[%dma_wait3A_114, %dma_wait3A_115] : memref<10000x128xf32, #tpu.memory_space<hbm>> -> memref<10000x128xf32, #tpu.memory_space<hbm>>
        tpu.wait_indirect_dma semaphore(%arg10 : memref<!tpu.dma_semaphore, #tpu.memory_space<semaphore_mem>>) src(%dma_wait3A_116 : memref<10000x128xf32, #tpu.memory_space<hbm>>) dst(%arg9 : memref<128x128xf32, #tpu.memory_space<vmem>>)
        %add3A_117 = arith.constant 1 : i32
        %add3A_118 = arith.addi %mul3A_91, %add3A_117 : i32
        "tpu.region"() ({
          %run_scoped3A = tpu.sem_alloc : memref<!tpu.dma_semaphore, #tpu.memory_space<semaphore_mem>>
          %dma_start3A_120 = arith.constant 0 : i32
          %dma_start3A_121 = tpu.memref_slice %arg7[%add3A_118, %dma_start3A_120] : memref<40x128xi32, #tpu.memory_space<vmem>> -> memref<1x128xi32, #tpu.memory_space<vmem>>
          %dma_start3A_122 = tpu.memref_squeeze %dma_start3A_121 : memref<1x128xi32, #tpu.memory_space<vmem>> -> memref<128xi32, #tpu.memory_space<vmem>>
          %dma_start3A_123 = arith.constant 0 : i32
          %dma_start3A_124 = arith.constant 0 : i32
          %dma_start3A_125 = tpu.memref_slice %arg11[%dma_start3A_123, %dma_start3A_124] : memref<10240x128xf32, #tpu.memory_space<vmem_shared>> -> memref<10240x128xf32, #tpu.memory_space<vmem_shared>>
          tpu.enqueue_indirect_dma source(%arg9 : memref<128x128xf32, #tpu.memory_space<vmem>>) target(%dma_start3A_125 : memref<10240x128xf32, #tpu.memory_space<vmem_shared>>) offsets(%dma_start3A_122 : memref<128xi32, #tpu.memory_space<vmem>>) semaphore(%run_scoped3A : memref<!tpu.dma_semaphore, #tpu.memory_space<semaphore_mem>>) {add = true}
          %dma_wait3A_126 = arith.constant 0 : i32
          %dma_wait3A_127 = tpu.memref_slice %arg7[%add3A_118, %dma_wait3A_126] : memref<40x128xi32, #tpu.memory_space<vmem>> -> memref<1x128xi32, #tpu.memory_space<vmem>>
          %dma_wait3A_128 = tpu.memref_squeeze %dma_wait3A_127 : memref<1x128xi32, #tpu.memory_space<vmem>> -> memref<128xi32, #tpu.memory_space<vmem>>
          %dma_wait3A_129 = arith.constant 0 : i32
          %dma_wait3A_130 = arith.constant 0 : i32
          %dma_wait3A_131 = tpu.memref_slice %arg11[%dma_wait3A_129, %dma_wait3A_130] : memref<10240x128xf32, #tpu.memory_space<vmem_shared>> -> memref<10240x128xf32, #tpu.memory_space<vmem_shared>>
          tpu.wait_indirect_dma semaphore(%run_scoped3A : memref<!tpu.dma_semaphore, #tpu.memory_space<semaphore_mem>>) src(%arg9 : memref<128x128xf32, #tpu.memory_space<vmem>>) dst(%dma_wait3A_131 : memref<10240x128xf32, #tpu.memory_space<vmem_shared>>)
          tpu.yield
        }) : () -> ()
        %scan3A_119 = arith.constant 0 : i32
        scf.yield %scan3A_119 : i32
      }
      %scan3A_86 = arith.constant 20 : i32
      %barrier3A_87 = arith.constant 0 : index
      tpu.barrier barrier_id(%barrier3A_87)
      "tpu.region"() ({
        %run_scoped3A = tpu.sem_alloc : memref<!tpu.dma_semaphore, #tpu.memory_space<semaphore_mem>>
        %dma_start3A_88 = arith.constant 0 : i32
        %dma_start3A_89 = tpu.memref_slice %arg5[%mul3A_1, %dma_start3A_88] : memref<10240x128xf32, #tpu.memory_space<hbm>> -> memref<640x128xf32, #tpu.memory_space<hbm>>
        %dma_start3A_90 = arith.constant 0 : i32
        %dma_start3A_91 = tpu.memref_slice %arg11[%mul3A_1, %dma_start3A_90] : memref<10240x128xf32, #tpu.memory_space<vmem_shared>> -> memref<640x128xf32, #tpu.memory_space<vmem_shared>>
        tpu.enqueue_dma source(%dma_start3A_91 : memref<640x128xf32, #tpu.memory_space<vmem_shared>>) target(%dma_start3A_89 : memref<640x128xf32, #tpu.memory_space<hbm>>) target_semaphore(%run_scoped3A : memref<!tpu.dma_semaphore, #tpu.memory_space<semaphore_mem>>)
        %dma_wait3A = arith.constant 0 : i32
        %dma_wait3A_92 = tpu.memref_slice %arg5[%mul3A_1, %dma_wait3A] : memref<10240x128xf32, #tpu.memory_space<hbm>> -> memref<640x128xf32, #tpu.memory_space<hbm>>
        %dma_wait3A_93 = arith.constant 0 : i32
        %dma_wait3A_94 = tpu.memref_slice %arg11[%mul3A_1, %dma_wait3A_93] : memref<10240x128xf32, #tpu.memory_space<vmem_shared>> -> memref<640x128xf32, #tpu.memory_space<vmem_shared>>
        tpu.wait_dma2 semaphore(%run_scoped3A : memref<!tpu.dma_semaphore, #tpu.memory_space<semaphore_mem>>) src(%dma_wait3A_94 : memref<640x128xf32, #tpu.memory_space<vmem_shared>>) dst(%dma_wait3A_92 : memref<640x128xf32, #tpu.memory_space<hbm>>)
        tpu.yield
      }) : () -> ()
    } else {
    }
    return
  }
}

module attributes {stable_mosaic.version = 14 : i64} {
  func.func @_tc_mid_body(%arg0: i32, %arg1: memref<400x128xf32, #tpu.memory_space<vmem>>, %arg2: memref<400x128xf32, #tpu.memory_space<vmem>>, %arg3: memref<400x1xf32, #tpu.memory_space<vmem>>, %arg4: memref<1x128xf32, #tpu.memory_space<vmem>>, %arg5: memref<128x128xf32, #tpu.memory_space<vmem>>, %arg6: memref<400x128xf32, #tpu.memory_space<vmem>>) attributes {dimension_semantics = [#tpu.dimension_semantics<arbitrary>], iteration_bounds = array<i64: 25>, scalar_prefetch = 0 : i64, scratch_operands = 0 : i64, tpu.core_type = #tpu.core_type<tc>, window_params = [{transform_indices = @transform_0, window_bounds = array<i64: 400, 128>}, {transform_indices = @transform_1, window_bounds = array<i64: 400, 128>}, {transform_indices = @transform_2, window_bounds = array<i64: 400, 1>}, {pipeline_mode = #tpu.pipeline_mode<synchronous>, transform_indices = @transform_3, window_bounds = array<i64: 1, 128>}, {pipeline_mode = #tpu.pipeline_mode<synchronous>, transform_indices = @transform_4, window_bounds = array<i64: 128, 128>}, {transform_indices = @transform_5, window_bounds = array<i64: 400, 128>}]} {
    %get3A = arith.constant 0 : index
    %get3A_0 = arith.constant 0 : index
    %get3A_1 = vector.load %arg1[%get3A, %get3A_0] : memref<400x128xf32, #tpu.memory_space<vmem>>, vector<400x128xf32>
    %get3A_2 = arith.constant 0 : index
    %get3A_3 = arith.constant 0 : index
    %get3A_4 = vector.load %arg2[%get3A_2, %get3A_3] : memref<400x128xf32, #tpu.memory_space<vmem>>, vector<400x128xf32>
    %add3A = arith.addf %get3A_1, %get3A_4 : vector<400x128xf32>
    %get3A_5 = arith.constant 0 : index
    %get3A_6 = arith.constant 0 : index
    %get3A_7 = vector.load %arg3[%get3A_5, %get3A_6] : memref<400x1xf32, #tpu.memory_space<vmem>>, vector<400x1xf32>
    %mul3A = vector.broadcast %get3A_7 : vector<400x1xf32> to vector<400x128xf32>
    %mul3A_8 = arith.mulf %add3A, %mul3A : vector<400x128xf32>
    %get3A_9 = arith.constant 0 : index
    %get3A_10 = arith.constant 0 : index
    %get3A_11 = vector.load %arg4[%get3A_9, %get3A_10] : memref<1x128xf32, #tpu.memory_space<vmem>>, vector<1x128xf32>
    %add3A_12 = vector.broadcast %get3A_11 : vector<1x128xf32> to vector<400x128xf32>
    %add3A_13 = arith.addf %mul3A_8, %add3A_12 : vector<400x128xf32>
    %max3A = arith.constant 0.000000e+00 : f32
    %max3A_14 = vector.broadcast %max3A : f32 to vector<400x128xf32>
    %max3A_15 = arith.maximumf %add3A_13, %max3A_14 : vector<400x128xf32>
    %get3A_16 = arith.constant 0 : index
    %get3A_17 = arith.constant 0 : index
    %get3A_18 = vector.load %arg5[%get3A_16, %get3A_17] : memref<128x128xf32, #tpu.memory_space<vmem>>, vector<128x128xf32>
    %dot_general3A = arith.constant dense<0.000000e+00> : vector<400x128xf32>
    %dot_general3A_19 = tpu.matmul %max3A_15, %get3A_18, %dot_general3A {dimension_numbers = #tpu.dot_dimension_numbers<[1], [0], [0], [1], [0, 0, 1, 1], [], []>, transpose_lhs_hint = false} : vector<400x128xf32>, vector<128x128xf32>, vector<400x128xf32> -> vector<400x128xf32>
    %mul3A_20 = vector.broadcast %get3A_7 : vector<400x1xf32> to vector<400x128xf32>
    %mul3A_21 = arith.mulf %dot_general3A_19, %mul3A_20 : vector<400x128xf32>
    %swap3A = arith.constant 0 : index
    %swap3A_22 = arith.constant 0 : index
    %swap3A_23 = vector.load %arg6[%swap3A, %swap3A_22] : memref<400x128xf32, #tpu.memory_space<vmem>>, vector<400x128xf32>
    tpu.vector_store %arg6[%swap3A, %swap3A_22], %mul3A_21 {strides = array<i32>} : memref<400x128xf32, #tpu.memory_space<vmem>>, vector<400x128xf32>,
    return
  }
  func.func @transform_0(%arg0: i32) -> (i32, i32) {
    %c0_i32 = arith.constant 0 : i32
    %c0_i32_0 = arith.constant 0 : i32
    return %arg0, %c0_i32 : i32, i32
  }
  func.func @transform_1(%arg0: i32) -> (i32, i32) {
    %c0_i32 = arith.constant 0 : i32
    %c0_i32_0 = arith.constant 0 : i32
    return %arg0, %c0_i32 : i32, i32
  }
  func.func @transform_2(%arg0: i32) -> (i32, i32) {
    %c0_i32 = arith.constant 0 : i32
    %c0_i32_0 = arith.constant 0 : i32
    return %arg0, %c0_i32 : i32, i32
  }
  func.func @transform_3(%arg0: i32) -> (i32, i32) {
    %c0_i32 = arith.constant 0 : i32
    %c0_i32_0 = arith.constant 0 : i32
    %c0_i32_1 = arith.constant 0 : i32
    return %c0_i32, %c0_i32_0 : i32, i32
  }
  func.func @transform_4(%arg0: i32) -> (i32, i32) {
    %c0_i32 = arith.constant 0 : i32
    %c0_i32_0 = arith.constant 0 : i32
    %c0_i32_1 = arith.constant 0 : i32
    return %c0_i32, %c0_i32_0 : i32, i32
  }
  func.func @transform_5(%arg0: i32) -> (i32, i32) {
    %c0_i32 = arith.constant 0 : i32
    %c0_i32_0 = arith.constant 0 : i32
    return %arg0, %c0_i32 : i32, i32
  }
}

module attributes {stable_mosaic.version = 14 : i64} {
  func.func @_tc_pre_body(%arg0: i32, %arg1: memref<400x128xf32, #tpu.memory_space<vmem>>, %arg2: memref<128x128xf32, #tpu.memory_space<vmem>>, %arg3: memref<2x10240x128xf32, #tpu.memory_space<vmem>>, %arg4: memref<400x128xf32, #tpu.memory_space<vmem>>, %arg5: memref<400x1xf32, #tpu.memory_space<vmem>>) attributes {dimension_semantics = [#tpu.dimension_semantics<arbitrary>], iteration_bounds = array<i64: 25>, scalar_prefetch = 0 : i64, scratch_operands = 0 : i64, tpu.core_type = #tpu.core_type<tc>, window_params = [{transform_indices = @transform_0, window_bounds = array<i64: 400, 128>}, {pipeline_mode = #tpu.pipeline_mode<synchronous>, transform_indices = @transform_1, window_bounds = array<i64: 128, 128>}, {pipeline_mode = #tpu.pipeline_mode<synchronous>, transform_indices = @transform_2, window_bounds = array<i64: 2, 10240, 128>}, {transform_indices = @transform_3, window_bounds = array<i64: 400, 128>}, {transform_indices = @transform_4, window_bounds = array<i64: 400, 1>}]} {
    %mul3A = arith.constant 400 : i32
    %mul3A_0 = arith.muli %arg0, %mul3A : i32
    %get3A = arith.constant 0 : index
    %get3A_1 = arith.index_cast %mul3A_0 : i32 to index
    %get3A_2 = arith.constant 0 : index
    %get3A_3 = vector.load %arg3[%get3A, %get3A_1, %get3A_2] : memref<2x10240x128xf32, #tpu.memory_space<vmem>>, vector<1x400x128xf32>
    %get3A_4 = vector.shape_cast %get3A_3 : vector<1x400x128xf32> to vector<400x128xf32>
    %mul3A_5 = arith.constant 400 : i32
    %mul3A_6 = arith.muli %arg0, %mul3A_5 : i32
    %get3A_7 = arith.constant 1 : index
    %get3A_8 = arith.index_cast %mul3A_6 : i32 to index
    %get3A_9 = arith.constant 0 : index
    %get3A_10 = vector.load %arg3[%get3A_7, %get3A_8, %get3A_9] : memref<2x10240x128xf32, #tpu.memory_space<vmem>>, vector<1x400x128xf32>
    %get3A_11 = vector.shape_cast %get3A_10 : vector<1x400x128xf32> to vector<400x128xf32>
    %add3A = arith.addf %get3A_4, %get3A_11 : vector<400x128xf32>
    %slice3A = vector.extract_strided_slice %add3A {offsets = [0, 0], sizes = [400, 1], strides = [1, 1]} : vector<400x128xf32> to vector<400x1xf32>
    %add3A_12 = arith.constant 1.000000e+00 : f32
    %add3A_13 = vector.broadcast %add3A_12 : f32 to vector<400x1xf32>
    %add3A_14 = arith.addf %slice3A, %add3A_13 : vector<400x1xf32>
    %rsqrt3A = math.rsqrt %add3A_14 : vector<400x1xf32>
    %get3A_15 = arith.constant 0 : index
    %get3A_16 = arith.constant 0 : index
    %get3A_17 = vector.load %arg1[%get3A_15, %get3A_16] : memref<400x128xf32, #tpu.memory_space<vmem>>, vector<400x128xf32>
    %get3A_18 = arith.constant 0 : index
    %get3A_19 = arith.constant 0 : index
    %get3A_20 = vector.load %arg2[%get3A_18, %get3A_19] : memref<128x128xf32, #tpu.memory_space<vmem>>, vector<128x128xf32>
    %dot_general3A = arith.constant dense<0.000000e+00> : vector<400x128xf32>
    %dot_general3A_21 = tpu.matmul %get3A_17, %get3A_20, %dot_general3A {dimension_numbers = #tpu.dot_dimension_numbers<[1], [0], [0], [1], [0, 0, 1, 1], [], []>, transpose_lhs_hint = false} : vector<400x128xf32>, vector<128x128xf32>, vector<400x128xf32> -> vector<400x128xf32>
    %mul3A_22 = vector.broadcast %rsqrt3A : vector<400x1xf32> to vector<400x128xf32>
    %mul3A_23 = arith.mulf %dot_general3A_21, %mul3A_22 : vector<400x128xf32>
    %swap3A = arith.constant 0 : index
    %swap3A_24 = arith.constant 0 : index
    %swap3A_25 = vector.load %arg4[%swap3A, %swap3A_24] : memref<400x128xf32, #tpu.memory_space<vmem>>, vector<400x128xf32>
    tpu.vector_store %arg4[%swap3A, %swap3A_24], %mul3A_23 {strides = array<i32>} : memref<400x128xf32, #tpu.memory_space<vmem>>, vector<400x128xf32>,
    %swap3A_26 = arith.constant 0 : index
    %swap3A_27 = arith.constant 0 : index
    %swap3A_28 = vector.load %arg5[%swap3A_26, %swap3A_27] : memref<400x1xf32, #tpu.memory_space<vmem>>, vector<400x1xf32>
    tpu.vector_store %arg5[%swap3A_26, %swap3A_27], %rsqrt3A {strides = array<i32>} : memref<400x1xf32, #tpu.memory_space<vmem>>, vector<400x1xf32>,
    return
  }
  func.func @transform_0(%arg0: i32) -> (i32, i32) {
    %c0_i32 = arith.constant 0 : i32
    %c0_i32_0 = arith.constant 0 : i32
    return %arg0, %c0_i32 : i32, i32
  }
  func.func @transform_1(%arg0: i32) -> (i32, i32) {
    %c0_i32 = arith.constant 0 : i32
    %c0_i32_0 = arith.constant 0 : i32
    %c0_i32_1 = arith.constant 0 : i32
    return %c0_i32, %c0_i32_0 : i32, i32
  }
  func.func @transform_2(%arg0: i32) -> (i32, i32, i32) {
    %c0_i32 = arith.constant 0 : i32
    %c0_i32_0 = arith.constant 0 : i32
    %c0_i32_1 = arith.constant 0 : i32
    %c0_i32_2 = arith.constant 0 : i32
    return %c0_i32, %c0_i32_0, %c0_i32_1 : i32, i32, i32
  }
  func.func @transform_3(%arg0: i32) -> (i32, i32) {
    %c0_i32 = arith.constant 0 : i32
    %c0_i32_0 = arith.constant 0 : i32
    return %arg0, %c0_i32 : i32, i32
  }
  func.func @transform_4(%arg0: i32) -> (i32, i32) {
    %c0_i32 = arith.constant 0 : i32
    %c0_i32_0 = arith.constant 0 : i32
    return %arg0, %c0_i32 : i32, i32
  }
}

module attributes {stable_mosaic.version = 14 : i64} {
  func.func @_tc_final_body(%arg0: i32, %arg1: memref<400x128xf32, #tpu.memory_space<vmem>>, %arg2: memref<400x128xf32, #tpu.memory_space<vmem>>, %arg3: memref<400x1xf32, #tpu.memory_space<vmem>>, %arg4: memref<1x128xf32, #tpu.memory_space<vmem>>, %arg5: memref<400x128xf32, #tpu.memory_space<vmem>>) attributes {dimension_semantics = [#tpu.dimension_semantics<arbitrary>], iteration_bounds = array<i64: 25>, scalar_prefetch = 0 : i64, scratch_operands = 0 : i64, tpu.core_type = #tpu.core_type<tc>, window_params = [{transform_indices = @transform_0, window_bounds = array<i64: 400, 128>}, {transform_indices = @transform_1, window_bounds = array<i64: 400, 128>}, {transform_indices = @transform_2, window_bounds = array<i64: 400, 1>}, {pipeline_mode = #tpu.pipeline_mode<synchronous>, transform_indices = @transform_3, window_bounds = array<i64: 1, 128>}, {transform_indices = @transform_4, window_bounds = array<i64: 400, 128>}]} {
    %get3A = arith.constant 0 : index
    %get3A_0 = arith.constant 0 : index
    %get3A_1 = vector.load %arg1[%get3A, %get3A_0] : memref<400x128xf32, #tpu.memory_space<vmem>>, vector<400x128xf32>
    %get3A_2 = arith.constant 0 : index
    %get3A_3 = arith.constant 0 : index
    %get3A_4 = vector.load %arg2[%get3A_2, %get3A_3] : memref<400x128xf32, #tpu.memory_space<vmem>>, vector<400x128xf32>
    %add3A = arith.addf %get3A_1, %get3A_4 : vector<400x128xf32>
    %get3A_5 = arith.constant 0 : index
    %get3A_6 = arith.constant 0 : index
    %get3A_7 = vector.load %arg3[%get3A_5, %get3A_6] : memref<400x1xf32, #tpu.memory_space<vmem>>, vector<400x1xf32>
    %mul3A = vector.broadcast %get3A_7 : vector<400x1xf32> to vector<400x128xf32>
    %mul3A_8 = arith.mulf %add3A, %mul3A : vector<400x128xf32>
    %get3A_9 = arith.constant 0 : index
    %get3A_10 = arith.constant 0 : index
    %get3A_11 = vector.load %arg4[%get3A_9, %get3A_10] : memref<1x128xf32, #tpu.memory_space<vmem>>, vector<1x128xf32>
    %add3A_12 = vector.broadcast %get3A_11 : vector<1x128xf32> to vector<400x128xf32>
    %add3A_13 = arith.addf %mul3A_8, %add3A_12 : vector<400x128xf32>
    %reduce_max3A = arith.constant dense<0xFF800000> : vector<400xf32>
    %reduce_max3A_14 = vector.multi_reduction <maximumf>, %add3A_13, %reduce_max3A [1] : vector<400x128xf32> to vector<400xf32>
    %broadcast_in_dim3A = vector.shape_cast %reduce_max3A_14 : vector<400xf32> to vector<400x1xf32>
    %sub3A = vector.broadcast %broadcast_in_dim3A : vector<400x1xf32> to vector<400x128xf32>
    %sub3A_15 = arith.subf %add3A_13, %sub3A : vector<400x128xf32>
    %exp3A = math.exp %sub3A_15 : vector<400x128xf32>
    %reduce_sum3A = arith.constant dense<0.000000e+00> : vector<400xf32>
    %reduce_sum3A_16 = vector.multi_reduction <add>, %exp3A, %reduce_sum3A [1] : vector<400x128xf32> to vector<400xf32>
    %broadcast_in_dim3A_17 = vector.shape_cast %reduce_sum3A_16 : vector<400xf32> to vector<400x1xf32>
    %log3A = math.log %broadcast_in_dim3A_17 : vector<400x1xf32>
    %add3A_18 = arith.addf %broadcast_in_dim3A, %log3A : vector<400x1xf32>
    %sub3A_19 = vector.broadcast %add3A_18 : vector<400x1xf32> to vector<400x128xf32>
    %sub3A_20 = arith.subf %add3A_13, %sub3A_19 : vector<400x128xf32>
    %swap3A = arith.constant 0 : index
    %swap3A_21 = arith.constant 0 : index
    %swap3A_22 = vector.load %arg5[%swap3A, %swap3A_21] : memref<400x128xf32, #tpu.memory_space<vmem>>, vector<400x128xf32>
    tpu.vector_store %arg5[%swap3A, %swap3A_21], %sub3A_20 {strides = array<i32>} : memref<400x128xf32, #tpu.memory_space<vmem>>, vector<400x128xf32>,
    return
  }
  func.func @transform_0(%arg0: i32) -> (i32, i32) {
    %c0_i32 = arith.constant 0 : i32
    %c0_i32_0 = arith.constant 0 : i32
    return %arg0, %c0_i32 : i32, i32
  }
  func.func @transform_1(%arg0: i32) -> (i32, i32) {
    %c0_i32 = arith.constant 0 : i32
    %c0_i32_0 = arith.constant 0 : i32
    return %arg0, %c0_i32 : i32, i32
  }
  func.func @transform_2(%arg0: i32) -> (i32, i32) {
    %c0_i32 = arith.constant 0 : i32
    %c0_i32_0 = arith.constant 0 : i32
    return %arg0, %c0_i32 : i32, i32
  }
  func.func @transform_3(%arg0: i32) -> (i32, i32) {
    %c0_i32 = arith.constant 0 : i32
    %c0_i32_0 = arith.constant 0 : i32
    %c0_i32_1 = arith.constant 0 : i32
    return %c0_i32, %c0_i32_0 : i32, i32
  }
  func.func @transform_4(%arg0: i32) -> (i32, i32) {
    %c0_i32 = arith.constant 0 : i32
    %c0_i32_0 = arith.constant 0 : i32
    return %arg0, %c0_i32 : i32, i32
  }
}

</mosaic_0001>

<sc_bundles>
// kernel: _run.11.cloned.1.call-start
scs
__scs_entry_jumppad:
0x0: {  	(pc) =	sbr.rel $0x88, $3  }
0x1: {  	(tag) =	ssettag $0x0;
	lr =	simm.s32 $0x1  }
0x2: {  	[smem:$0x3F9B] =	sst lr;
	_ =	strace $0xD0000000  }
0x3: {  	_ = 	snop  }
0x4: {  	_ = 	snop  }
0x5: {  	_ = 	snop  }
0x6: {  	_ = 	snop  }
0x7: {  	_ = 	snop  }
__scs_overlays_trampoline_lowered:
0x8: {  	[smem:$0x3FAA] =	sst s0  }
0x9: {  	[smem:$0x3FAB] =	sst s1  }
0xa: {  	[smem:$0x3FAC] =	sst s2  }
0xb: {  	[smem:$0x3FAD] =	sst s3  }
0xc: {  	[smem:$0x3FAE] =	sst s4  }
0xd: {  	[smem:$0x3FAF] =	sst s5  }
0xe: {  	[smem:$0x3FB0] =	sst s6  }
0xf: {  	[smem:$0x3FB1] =	sst s7  }
0x10: {  	[smem:$0x3FB2] =	sst s8  }
0x11: {  	[smem:$0x3FB3] =	sst s9;
	s0 =	simm.s32 @!p0 $0x0  }
0x12: {  	s1 =	sld [smem:$0x3F99];
	s0 =	simm.s32 @p0 $0x1  }
0x13: {  	[smem:$0x3FB4] =	sst s0;
	s0 =	simm.s32 @!p1 $0x0  }
0x14: {  	s2 =	sld [smem:$0x3F98];
	s0 =	simm.s32 @p1 $0x1  }
0x15: {  	[smem:$0x3FB5] =	sst s0;
	s0 =	simm.s32 @!p2 $0x0  }
0x16: {  	s3 =	sld [smem:$0x3FDB];
	s0 =	simm.s32 @p2 $0x1  }
0x17: {  	s4 =	simm.s32 $0x1BF5;
	[smem:$0x3FB7] =	sst s0  }
0x18: {  	s0 =	sld [smem:$0x3F9A];
	_ =	swait.ge [sflag:s4], $0x0  }
0x19: {  	s7 =	sld [smem:$0x3F9B]  }
0x1a: {  	s8 =	sadd.s32 $0xFFFFE003, lr  }
0x1b: {  	s9 =	sadd.s32 $0xFFFFFEF7, lr;
	s5 =	simm.s32 $0xFFFFFFFF;
	p2 =	slt.u32 s8, $0xFFFFF086  }
0x1c: {  	p1 =	slt.u32 s9, $0xF7A;
	s5 =	simm.s32 @!p2 $0x0  }
0x1d: {  	s5 =	simm.s32 @p1 $0x1;
	p0 =	seq.s32 s7, s2  }
0x1e: {  	s7 =	smul.u32 @!p0 $0xF7A, s2;
	p2 =	seq.s32 @!p0 s5, $0x0  }
0x1f: {  	s9 =	smul.u32 $0xF7A, s1;
	s8 =	simm.s32 @!p0 $0x1BF5;
	p2 =	por !p2, p0  }
0x20: {  	[sflag:s8] =	ssyncset.s32 @!p0 $0xFFFFF086;
	s6 =	sadd.s32 @!p0 s3, s7;
	s7 =	simm.s32 @!p0 $0x108  }
0x21: {  	s3 =	sadd.s32 s3, s9;
	s6 =	sadd.s32 @!p0 $0x88, s6;
	s7 =	simm.s32 @p2 $0x1082  }
0x22: {  	[simem:s7], [sflag:s8] =	dma.local @!p0 [hbm:s6], $0xF7A  }
0x23: {  	s9 =	sor.u32 $0xD0000000, s2;
	s6 =	simm.s32 $0x108;
	_ =	swait.ge @!p0 [sflag:s8], $0x0  }
0x24: {  	s3 =	sadd.s32 $0x88, s3;
	s6 =	simm.s32 @!p1 $0x1082;
	[sflag:s4] =	ssyncset.s32 $0xFFFFF086  }
0x25: {  	[simem:s6], [sflag:s4] =	dma.local [hbm:s3], $0xF7A  }
0x26: {  	[smem:$0x3F9B] =	sst s1;
	(tag) =	ssettag s2;
	_ =	strace s9  }
0x27: {  	s1 =	sld [smem:$0x3FAB]  }
0x28: {  	s2 =	sld [smem:$0x3FAC]  }
0x29: {  	s4 =	sld [smem:$0x3FAE]  }
0x2a: {  	p0 =	seq.s32 s5, $0x0;
	s5 =	sld [smem:$0x3FAF]  }
0x2b: {  	s6 =	sld [smem:$0x3FB0]  }
0x2c: {  	s7 =	sld [smem:$0x3FB1]  }
0x2d: {  	s3 =	simm.s32 $0x108;
	s8 =	sld [smem:$0x3FB2]  }
0x2e: {  	s3 =	simm.s32 @!p0 $0x1082;
	s9 =	sld [smem:$0x3FB3]  }
0x2f: {  	lr =	sadd.s32 s0, s3;
	s0 =	sld [smem:$0x3FAA]  }
0x30: {  	s3 =	sld [smem:$0x3FAD]  }
0x31: {  	[smem:$0x3FB6] =	sst s10  }
0x32: {  	s10 =	sld [smem:$0x3FB4];
	_ =	sdelay $0x3  }
0x33: {  	p0 =	seq.s32 s10, $0x1;
	s10 =	sld [smem:$0x3FB6];
	_ =	sdelay $0x3  }
0x34: {  	[smem:$0x3FB6] =	sst s10  }
0x35: {  	s10 =	sld [smem:$0x3FB5];
	_ =	sdelay $0x3  }
0x36: {  	p1 =	seq.s32 s10, $0x1;
	s10 =	sld [smem:$0x3FB6];
	_ =	sdelay $0x3  }
0x37: {  	[smem:$0x3FB6] =	sst s10  }
0x38: {  	s10 =	sld [smem:$0x3FB7]  }
0x39: {  	_ = 	snop;
	(pc) =	sbr.ind lr, $3  }
0x3a: {  	_ = 	snop  }
0x3b: {  	_ = 	snop  }
0x3c: {  	p2 =	seq.s32 s10, $0x1;
	s10 =	sld [smem:$0x3FB6]  }
0x3d: {  	_ =	shalt  }
0x3e: {  	_ =	shalt  }
0x3f: {  	_ =	shalt  }
0x40: {  	_ =	shalt  }
0x41: {  	_ =	shalt  }
0x42: {  	_ =	shalt  }
0x43: {  	_ =	shalt  }
0x44: {  	_ =	shalt  }
0x45: {  	_ =	shalt  }
0x46: {  	_ =	shalt  }
0x47: {  	_ =	shalt  }
0x48: {  	_ =	shalt  }
0x49: {  	_ =	shalt  }
0x4a: {  	_ =	shalt  }
0x4b: {  	_ =	shalt  }
0x4c: {  	_ =	shalt  }
0x4d: {  	_ =	shalt  }
0x4e: {  	_ =	shalt  }
0x4f: {  	_ =	shalt  }
0x50: {  	_ =	shalt  }
0x51: {  	_ =	shalt  }
0x52: {  	_ =	shalt  }
0x53: {  	_ =	shalt  }
0x54: {  	_ =	shalt  }
0x55: {  	_ =	shalt  }
0x56: {  	_ =	shalt  }
0x57: {  	_ =	shalt  }
0x58: {  	_ =	shalt  }
0x59: {  	_ =	shalt  }
0x5a: {  	_ =	shalt  }
0x5b: {  	_ =	shalt  }
0x5c: {  	_ =	shalt  }
0x5d: {  	_ =	shalt  }
0x5e: {  	_ =	shalt  }
0x5f: {  	_ =	shalt  }
0x60: {  	_ =	shalt  }
0x61: {  	_ =	shalt  }
0x62: {  	_ =	shalt  }
0x63: {  	_ =	shalt  }
0x64: {  	_ =	shalt  }
0x65: {  	_ =	shalt  }
0x66: {  	_ =	shalt  }
0x67: {  	_ =	shalt  }
0x68: {  	_ =	shalt  }
0x69: {  	_ =	shalt  }
0x6a: {  	_ =	shalt  }
0x6b: {  	_ =	shalt  }
0x6c: {  	_ =	shalt  }
0x6d: {  	_ =	shalt  }
0x6e: {  	_ =	shalt  }
0x6f: {  	_ =	shalt  }
0x70: {  	_ =	shalt  }
0x71: {  	_ =	shalt  }
0x72: {  	_ =	shalt  }
0x73: {  	_ =	shalt  }
0x74: {  	_ =	shalt  }
0x75: {  	_ =	shalt  }
0x76: {  	_ =	shalt  }
0x77: {  	_ =	shalt  }
0x78: {  	_ =	shalt  }
0x79: {  	_ =	shalt  }
0x7a: {  	_ =	shalt  }
0x7b: {  	_ =	shalt  }
0x7c: {  	_ =	shalt  }
0x7d: {  	_ =	shalt  }
0x7e: {  	_ =	shalt  }
0x7f: {  	_ =	shalt  }
0x80: {  	_ =	shalt  }
0x81: {  	_ =	shalt  }
0x82: {  	_ =	shalt  }
0x83: {  	_ =	shalt  }
0x84: {  	_ =	shalt  }
0x85: {  	_ =	shalt  }
0x86: {  	_ =	shalt  }
0x87: {  	_ =	shalt  }
.Lfunc_end0:
.L_simem_size_0:
called_computation.1_lowered:
.L_overlay_start_0:
0x88: {  	s2 =	sld [smem:$0x3FD9]  }
0x89: {  	s3 =	sld [smem:$0x3FFE];
	_ =	sdelay $0x1  }
0x8a: {  	s1 =	srdreg.scid  }
0x8b: {  	s0 =	sand.u32 $0x1, s1  }
0x8c: {  	s17 =	sshll.u32 s0, $0xA;
	s2 =	sadd.s32 s3, s2  }
0x8d: {  	s2 =	sadd.s32 s2, s17  }
0x8e: {  	[smem:$0x3FC2] =	sst s2  }
0x8f: {  	_ = 	snop  }
0x90: {  	s2 =	sld [smem:$0x3FD0];
	(tm) =	ssettm $0x1  }
0x91: {  	s18 =	sld [smem:$0x3FFB];
	_ =	sdelay $0x3  }
0x92: {  	_ =	strace s18  }
0x93: {  	s3 =	sld [smem:$0x3FFC];
	_ =	sdelay $0x3  }
0x94: {  	_ =	strace s3  }
0x95: {  	s3 =	sld [smem:$0x3FFD];
	_ =	sdelay $0x3  }
0x96: {  	_ =	strace s3  }
0x97: {  	_ =	strace $0x8FFFFFFF  }
0x98: {  	s19 =	sld [smem:$0x3FDB];
	_ =	sdelay $0x1  }
0x99: {  	s4 =	simm.s32 $_scs_section_size  }
0x9a: {  	s5 =	simm.s32 $_size__tile_overlayer_lowered;
	s6 =	simm.s32 $_tile_overlayer_lowered  }
0x9b: {  	s22 =	simm.s32 $0x1BFF;
	s21 =	sshll.u32 s6, $0x1;
	s3 =	sadd.s32 s4, s19  }
0x9c: {  	s7 =	simm.s32 $0x0;
	s20 =	sshll.u32 s5, $0x1;
	s5 =	sadd.s32 s21, s3  }
0x9d: {  	[timem:s7], [sflag:s22] =	dma.local [hbm:s5], s20  }
0x9e: {  	_ =	swait.ge [sflag:s22], s20  }
0x9f: {  	s4 =	ssub.s32 $0x0, s20;
	[sflag:s22] =	ssyncset.done $0x0  }
0xa0: {  	[sflag:s22] =	ssyncadd.s32 s4;
	_ =	sdelay $0x1  }
0xa1: {  	s23 =	simm.s32 $0x1B8B  }
0xa2: {  	_ =	swait.ge [sflag:s23], $0x1  }
0xa3: {  	[sflag:s23] =	ssyncset.done $0x0  }
0xa4: {  	s25 =	simm.s32 $0x1B8E;
	s24 =	sld [smem:$0x3FFE];
	[sflag:s23] =	ssyncadd.s32 $0xFFFFFFFF  }
0xa5: {  	s26 =	simm.s32 $execute0_lowered;
	[smem:$0x3FD2] =	sst s25  }
0xa6: {  	s5 =	sshll.u32 s26, $0x1;
	_ =	strace $0x80000049;
	[dreg:$0x1] =	wrdreg $0xFFFFFFFF  }
0xa7: {  	s28 =	simm.s32 $_size_execute0_lowered;
	s3 =	sadd.s32 s3, s5;
	[dreg:$0x0] =	wrdreg $0x0  }
0xa8: {  	s5 =	sshll.u32 s28, $0x1;
	[dreg:$0x2] =	wrdreg s3  }
0xa9: {  	[dreg:$0x3] =	wrdreg s5  }
0xaa: {  	[dreg:$0x4] =	wrdreg $0xC0  }
0xab: {  	_ =	task [dreg:s7], $0x5FFFF  }
0xac: {  	[dreg:$0x1] =	wrdreg $0xFFFFFFFF  }
0xad: {  	[dreg:$0x0] =	wrdreg $0x60  }
0xae: {  	[dreg:$0x2] =	wrdreg s2  }
0xaf: {  	[dreg:$0x3] =	wrdreg s24  }
0xb0: {  	[dreg:$0x4] =	wrdreg $0xA8000  }
0xb1: {  	[dreg:$0x5] =	wrdreg $0x9  }
0xb2: {  	_ =	task.clear_ibuf [dreg:s7], $0x6FFFF;
	_ =	strace $0x90000049  }
0xb3: {  	s29 =	simm.s32 $0x9;
	_ =	strace $0x8000004B  }
0xb4: {  	_ =	swait.ge [sflag:s29], $0x1  }
0xb5: {  	[sflag:s29] =	ssyncadd.s32 $0xFFFFFFFF  }
0xb6: {  	_ =	strace $0x9000004B  }
0xb7: {  	_ =	sfence  }
0xb8: {  	s30 =	sld [smem:$0x0];
	_ =	sdelay $0x2  }
0xb9: {  	s31 =	sshll.u32 s1, $0xD;
	s1 =	sshrl.u32 s1, $0x2  }
0xba: {  	s3 =	sand.u32 $0x4000, s31;
	s1 =	sadd.s32 s1, s30  }
0xbb: {  	s0 =	sor.u32 s3, s0;
	s1 =	sshll.u32 s1, $0x11  }
0xbc: {  	s0 =	sor.u32 s1, s0  }
0xbd: {  	s0 =	sadd.s32 $0x8F2B, s0  }
0xbe: {  	[sflag:s0] =	ssyncadd.remote.s32 $0x1  }
0xbf: {  	_ =	sfence.sel $0xFFFF  }
0xc0: {  	[dreg:$0x0] =	wrdreg $0xFFFFFFFF;
	(pc) =	sbr.abs _section_cstart, $3  }
0xc1: {  	[dreg:$0x1] =	wrdreg $0xFFFFFFFF  }
0xc2: {  	_ =	task.clear_ibuf [dreg:s7], $0x2FFFF;
	_ =	strace $0x9FFFFFFF  }
0xc3: {  	(tm) =	ssettm $0x7FFFFFFF  }
tec
execute0_lowered:
.L_overlay_start_1:
0x0: {  	(tag) =	ssettag $0x1  }
0x1: {  	s1 =	srdreg.scid  }
0x2: {  	s1 =	sand.u32 $0x1, s1  }
0x3: {  	p0 =	seq.s32 s1, $0x1  }
.Ltmp0:
0x4: {  	s4 =	rddreg [dreg:$0x0];
	(pc) =	sbr.rel @p0 .LBB2_12-.Ltmp0, $4  }
0x5: {  	s3 =	rddreg [dreg:$0x1]  }
0x6: {  	s2 =	rddreg [dreg:$0x2];
	s12 =	simm.s32 $0x0  }
0x7: {  	[smem:$0x7FF] =	sst s12  }
0x8: {  	s0 =	rddreg [dreg:$0x3];
	_ =	strace $0x8000004A;
	s1 =	stileid.u32  }
0x9: {  	s5 =	smul.u32 $0x2800, s1  }
0xa: {  	s6 =	smul.u32 $0x50000, s1  }
0xb: {  	s7 =	sadd.s32 $0x2A00, s3;
	s8 =	smul.u32 $0x5000, s1  }
0xc: {  	s13 =	sadd.s32 $0xCA00, s3;
	s9 =	smul.u32 $0xA00, s1;
	s31 =	sand.u32 $0xFE00, s12  }
0xd: {  	s20 =	sand.u32 $0x70, s12;
	s21 =	sshrl.u32 s31, $0x2;
	s6 =	sshrl.u32 s6, $0x2  }
0xe: {  	s5 =	sadd.s32 s5, s3;
	s29 =	sshrl.u32 s8, $0x3;
	s15 =	sadd.s32 s7, s9  }
0xf: {  	s14 =	sadd.s32 s13, s9;
	s20 =	sor.u32 s20, s21;
	s3 =	sadd.s32 s6, s2  }
0x10: {  	s8 =	sadd.s32 $0x280, s29;
	s30 =	sadd.s32 $0x500, s29;
	s6 =	sadd.s32 $0x780, s29  }
0x11: {  	s5 =	sadd.s32 $0x16A00, s5;
	s11 =	sadd.s32 s7, s8;
	s10 =	sadd.s32 s13, s8  }
0x12: {  	s9 =	sadd.s32 s7, s30;
	s8 =	sadd.s32 s13, s30;
	s7 =	sadd.s32 s7, s6  }
0x13: {  	s6 =	sadd.s32 s13, s6;
	s19 =	sadd.s32 $0x4000, s3;
	s18 =	sadd.s32 $0x8000, s3  }
0x14: {  	v0 =	vimm.f32 $0.0e+00;
	s17 =	sadd.s32 $0xC000, s3;
	s16 =	sadd.s32 $0x10000, s3;
	s13 =	simm.s32 $0x40  }
.LBB2_2:
0x15: {  	p0 =	sne.s32 s13, $0xFFC0  }
0x16: {  	[tilespmem:s20+$0x2800] =	vst v0;
	s12 =	sadd.s32 $0x10, s12;
	s20 =	smov.u32 s13;
	s13 =	sadd.s32 $0x40, s13  }
.Ltmp1:
0x17: {  	(pc) =	sbr.rel @p0 .LBB2_2-.Ltmp1, $4  }
0x18: {  	_ = 	snop  }
0x19: {  	s20 =	sand.u32 $0xFE00, s20  }
0x1a: {  	s21 =	sand.u32 $0x70, s12;
	s20 =	sshrl.u32 s20, $0x2  }
0x1b: {  	s20 =	sor.u32 s21, s20  }
0x1c: {  	[tilespmem:s20+$0x2800] =	vst v0;
	s13 =	simm.s32 $0x2800;
	s12 =	simm.s32 $0x2  }
0x1d: {  	[spmem:s3] =	stream.linear.scatter [tilespmem:s13], [sflag:$0x2], $0x4000, $0x38;
	[tilespmem:$0x1E800] =	vst v63  }
0x1e: {  	_ =	swait.ge [sflag:s12], $0x4000  }
0x1f: {  	[sflag:s12] =	ssyncset.done $0x0  }
0x20: {  	[sflag:s12] =	ssyncadd.s32 $0xFFFFC000  }
0x21: {  	[spmem:s19] =	stream.linear.scatter [tilespmem:s13], [sflag:$0x2], $0x4000, $0x38;
	[tilespmem:$0x1E800] =	vst v63  }
0x22: {  	_ =	swait.ge [sflag:s12], $0x4000  }
0x23: {  	[sflag:s12] =	ssyncset.done $0x0  }
0x24: {  	[sflag:s12] =	ssyncadd.s32 $0xFFFFC000  }
0x25: {  	[spmem:s18] =	stream.linear.scatter [tilespmem:s13], [sflag:$0x2], $0x4000, $0x38;
	[tilespmem:$0x1E800] =	vst v63  }
0x26: {  	_ =	swait.ge [sflag:s12], $0x4000  }
0x27: {  	[sflag:s12] =	ssyncset.done $0x0  }
0x28: {  	[sflag:s12] =	ssyncadd.s32 $0xFFFFC000  }
0x29: {  	[spmem:s17] =	stream.linear.scatter [tilespmem:s13], [sflag:$0x2], $0x4000, $0x38;
	[tilespmem:$0x1E800] =	vst v63  }
0x2a: {  	_ =	swait.ge [sflag:s12], $0x4000  }
0x2b: {  	[sflag:s12] =	ssyncset.done $0x0  }
0x2c: {  	[sflag:s12] =	ssyncadd.s32 $0xFFFFC000  }
0x2d: {  	[spmem:s16] =	stream.linear.scatter [tilespmem:s13], [sflag:$0x2], $0x4000, $0x38;
	[tilespmem:$0x1E800] =	vst v63  }
0x2e: {  	_ =	swait.ge [sflag:s12], $0x4000  }
0x2f: {  	[sflag:s12] =	ssyncset.done $0x0  }
0x30: {  	[sflag:s12] =	ssyncadd.s32 $0xFFFFC000  }
0x31: {  	s25 =	simm.s32 $0x0;
	[bflag:$0x0] =	sbarrier.arrive $0xFFFF  }
0x32: {  	[tilespmem:s25], [sflag:$0x2] =	stream.linear.gather [hbm4b:s15+s25], $0x1400, $0x38;
	[tilespmem:$0x1E800] =	vst v63  }
0x33: {  	_ =	swait.ge [sflag:s12], $0x1400  }
0x34: {  	[sflag:s12] =	ssyncset.done $0x0  }
0x35: {  	s26 =	simm.s32 $0x1400;
	[sflag:s12] =	ssyncadd.s32 $0xFFFFEC00  }
0x36: {  	[tilespmem:s26], [sflag:$0x2] =	stream.linear.gather [hbm4b:s14+s25], $0x1400, $0x38;
	[tilespmem:$0x1E800] =	vst v63  }
0x37: {  	_ =	swait.ge [sflag:s12], $0x1400  }
0x38: {  	[sflag:s12] =	ssyncset.done $0x0  }
0x39: {  	s14 =	simm.s32 $0x80;
	[sflag:s12] =	ssyncadd.s32 $0xFFFFEC00  }
0x3a: {  	[tilespmem:s13], [sflag:$0x1] =	stream.indirect.gather [hbm4b:s4+s14], $0x80, s25, s14, $0xb8;
	[tilespmem:$0x1E800] =	vst v63  }
0x3b: {  	s28 =	simm.s32 $0x80;
	s16 =	simm.s32 $0x1;
	s15 =	simm.s32 $0x6800  }
0x3c: {  	[tilespmem:s15], [sflag:$0x1] =	stream.indirect.gather [hbm4b:s4+s14], $0x80, s28, s14, $0xb8;
	[tilespmem:$0x1E800] =	vst v63  }
0x3d: {  	_ =	swait.ge [sflag:s16], $0x4000  }
0x3e: {  	[sflag:s16] =	ssyncset.done $0x0  }
0x3f: {  	s29 =	simm.s32 $0x1400;
	[sflag:s16] =	ssyncadd.s32 $0xFFFFC000  }
0x40: {  	[spmem:s2] =	stream.indirect.scatter.add.f32 [tilespmem:s13], [sflag:$0x2], $0x80, s29, s14, $0xb8;
	[tilespmem:$0x1E800] =	vst v63  }
0x41: {  	_ =	swait.ge [sflag:s12], $0x4000  }
0x42: {  	[sflag:s12] =	ssyncset.done $0x0  }
0x43: {  	s30 =	simm.s32 $0x100;
	[sflag:s12] =	ssyncadd.s32 $0xFFFFC000  }
0x44: {  	[tilespmem:s13], [sflag:$0x1] =	stream.indirect.gather [hbm4b:s4+s14], $0x80, s30, s14, $0xb8;
	[tilespmem:$0x1E800] =	vst v63  }
0x45: {  	_ =	swait.ge [sflag:s16], $0x4000  }
0x46: {  	[sflag:s16] =	ssyncset.done $0x0  }
0x47: {  	s31 =	simm.s32 $0x1480;
	[sflag:s16] =	ssyncadd.s32 $0xFFFFC000  }
0x48: {  	[spmem:s2] =	stream.indirect.scatter.add.f32 [tilespmem:s15], [sflag:$0x2], $0x80, s31, s14, $0xb8;
	[tilespmem:$0x1E800] =	vst v63  }
0x49: {  	_ =	swait.ge [sflag:s12], $0x4000  }
0x4a: {  	s18 =	simm.s32 $0x800;
	s17 =	simm.s32 $0x100;
	[sflag:s12] =	ssyncset.done $0x0  }
.LBB2_4:
0x4b: {  	s19 =	sadd.s32 $0x80, s17  }
0x4c: {  	[sflag:s12] =	ssyncadd.s32 $0xFFFFC000;
	s20 =	smov.u32 s18;
	s21 =	sadd.s32 $0x400, s18  }
0x4d: {  	[tilespmem:s15], [sflag:$0x1] =	stream.indirect.gather [hbm4b:s4+s14], $0x80, s19, s14, $0xb8;
	[tilespmem:$0x1E800] =	vst v63  }
0x4e: {  	p0 =	sne.s32 s18, $0x4800;
	_ =	swait.ge [sflag:s16], $0x4000  }
0x4f: {  	[sflag:s16] =	ssyncset.done $0x0  }
0x50: {  	s18 =	sadd.s32 $0x1400, s17;
	[sflag:s16] =	ssyncadd.s32 $0xFFFFC000  }
0x51: {  	[spmem:s2] =	stream.indirect.scatter.add.f32 [tilespmem:s13], [sflag:$0x2], $0x80, s18, s14, $0xb8;
	[tilespmem:$0x1E800] =	vst v63  }
0x52: {  	_ =	swait.ge [sflag:s12], $0x4000  }
0x53: {  	[sflag:s12] =	ssyncset.done $0x0  }
0x54: {  	s18 =	sadd.s32 $0x100, s17;
	[sflag:s12] =	ssyncadd.s32 $0xFFFFC000  }
0x55: {  	[tilespmem:s13], [sflag:$0x1] =	stream.indirect.gather [hbm4b:s4+s14], $0x80, s18, s14, $0xb8;
	[tilespmem:$0x1E800] =	vst v63  }
0x56: {  	_ =	swait.ge [sflag:s16], $0x4000  }
.Ltmp2:
0x57: {  	[sflag:s16] =	ssyncset.done $0x0;
	(pc) =	sbr.rel @p0 .LBB2_4-.Ltmp2, $4  }
0x58: {  	s17 =	sadd.s32 $0x1480, s17;
	[sflag:s16] =	ssyncadd.s32 $0xFFFFC000  }
0x59: {  	[spmem:s2] =	stream.indirect.scatter.add.f32 [tilespmem:s15], [sflag:$0x2], $0x80, s17, s14, $0xb8;
	[tilespmem:$0x1E800] =	vst v63  }
0x5a: {  	_ =	swait.ge [sflag:s12], $0x4000  }
0x5b: {  	s18 =	smov.u32 s21;
	s17 =	sshra.s32 s20, $0x2;
	[sflag:s12] =	ssyncset.done $0x0  }
0x5c: {  	s18 =	sadd.s32 $0x80, s17;
	[sflag:s12] =	ssyncadd.s32 $0xFFFFC000  }
0x5d: {  	[tilespmem:s15], [sflag:$0x1] =	stream.indirect.gather [hbm4b:s4+s14], $0x80, s18, s14, $0xb8;
	[tilespmem:$0x1E800] =	vst v63  }
0x5e: {  	_ =	swait.ge [sflag:s16], $0x4000  }
0x5f: {  	[sflag:s16] =	ssyncset.done $0x0  }
0x60: {  	s19 =	sadd.s32 $0x1400, s17;
	[sflag:s16] =	ssyncadd.s32 $0xFFFFC000  }
0x61: {  	[spmem:s2] =	stream.indirect.scatter.add.f32 [tilespmem:s13], [sflag:$0x2], $0x80, s19, s14, $0xb8;
	[tilespmem:$0x1E800] =	vst v63  }
0x62: {  	_ =	swait.ge [sflag:s12], $0x4000  }
0x63: {  	[sflag:s12] =	ssyncset.done $0x0  }
0x64: {  	s20 =	sadd.s32 $0x100, s17;
	[sflag:s12] =	ssyncadd.s32 $0xFFFFC000  }
0x65: {  	[tilespmem:s13], [sflag:$0x1] =	stream.indirect.gather [hbm4b:s4+s14], $0x80, s20, s14, $0xb8;
	[tilespmem:$0x1E800] =	vst v63  }
0x66: {  	_ =	swait.ge [sflag:s16], $0x4000  }
0x67: {  	[sflag:s16] =	ssyncset.done $0x0  }
0x68: {  	s21 =	sadd.s32 $0x1480, s17;
	[sflag:s16] =	ssyncadd.s32 $0xFFFFC000  }
0x69: {  	[spmem:s2] =	stream.indirect.scatter.add.f32 [tilespmem:s15], [sflag:$0x2], $0x80, s21, s14, $0xb8;
	[tilespmem:$0x1E800] =	vst v63  }
0x6a: {  	_ =	swait.ge [sflag:s12], $0x4000  }
0x6b: {  	s22 =	simm.s32 $0x1380;
	s13 =	simm.s32 $0x6800;
	[sflag:s12] =	ssyncset.done $0x0  }
0x6c: {  	s14 =	simm.s32 $0x1;
	[sflag:s12] =	ssyncadd.s32 $0xFFFFC000;
	s12 =	simm.s32 $0x80  }
0x6d: {  	[tilespmem:s13], [sflag:$0x1] =	stream.indirect.gather [hbm4b:s4+s12], $0x80, s22, s12, $0xb8;
	[tilespmem:$0x1E800] =	vst v63  }
0x6e: {  	_ =	swait.ge [sflag:s14], $0x4000  }
0x6f: {  	s23 =	simm.s32 $0x2700;
	[sflag:s14] =	ssyncset.done $0x0  }
0x70: {  	s16 =	simm.s32 $0x2800;
	s15 =	simm.s32 $0x2;
	[sflag:s14] =	ssyncadd.s32 $0xFFFFC000  }
0x71: {  	[spmem:s2] =	stream.indirect.scatter.add.f32 [tilespmem:s16], [sflag:$0x2], $0x80, s23, s12, $0xb8;
	[tilespmem:$0x1E800] =	vst v63  }
0x72: {  	_ =	swait.ge [sflag:s15], $0x4000  }
0x73: {  	[sflag:s15] =	ssyncset.done $0x0  }
0x74: {  	[sflag:s15] =	ssyncadd.s32 $0xFFFFC000  }
0x75: {  	_ =	swait.ge [sflag:s14], $0x4000  }
0x76: {  	[sflag:s14] =	ssyncset.done $0x0  }
0x77: {  	s24 =	simm.s32 $0x2780;
	[sflag:s14] =	ssyncadd.s32 $0xFFFFC000  }
0x78: {  	[spmem:s2] =	stream.indirect.scatter.add.f32 [tilespmem:s13], [sflag:$0x2], $0x80, s24, s12, $0xb8;
	[tilespmem:$0x1E800] =	vst v63  }
0x79: {  	_ =	swait.ge [sflag:s15], $0x4000  }
0x7a: {  	[sflag:s15] =	ssyncset.done $0x0  }
0x7b: {  	s25 =	simm.s32 $0x0;
	[sflag:s15] =	ssyncadd.s32 $0xFFFFC000  }
0x7c: {  	[tilespmem:s25], [sflag:$0x2] =	stream.linear.gather [hbm4b:s11+s25], $0x1400, $0x38;
	[tilespmem:$0x1E800] =	vst v63  }
0x7d: {  	_ =	swait.ge [sflag:s15], $0x1400  }
0x7e: {  	[sflag:s15] =	ssyncset.done $0x0  }
0x7f: {  	s26 =	simm.s32 $0x1400;
	[sflag:s15] =	ssyncadd.s32 $0xFFFFEC00  }
0x80: {  	[tilespmem:s26], [sflag:$0x2] =	stream.linear.gather [hbm4b:s10+s25], $0x1400, $0x38;
	[tilespmem:$0x1E800] =	vst v63  }
0x81: {  	_ =	swait.ge [sflag:s15], $0x1400  }
0x82: {  	[sflag:s15] =	ssyncset.done $0x0  }
0x83: {  	[sflag:s15] =	ssyncadd.s32 $0xFFFFEC00  }
0x84: {  	[tilespmem:s16], [sflag:$0x1] =	stream.indirect.gather [hbm4b:s4+s12], $0x80, s25, s12, $0xb8;
	[tilespmem:$0x1E800] =	vst v63  }
0x85: {  	s28 =	simm.s32 $0x80  }
0x86: {  	[tilespmem:s13], [sflag:$0x1] =	stream.indirect.gather [hbm4b:s4+s12], $0x80, s28, s12, $0xb8;
	[tilespmem:$0x1E800] =	vst v63  }
0x87: {  	_ =	swait.ge [sflag:s14], $0x4000  }
0x88: {  	[sflag:s14] =	ssyncset.done $0x0  }
0x89: {  	s29 =	simm.s32 $0x1400;
	[sflag:s14] =	ssyncadd.s32 $0xFFFFC000  }
0x8a: {  	[spmem:s2] =	stream.indirect.scatter.add.f32 [tilespmem:s16], [sflag:$0x2], $0x80, s29, s12, $0xb8;
	[tilespmem:$0x1E800] =	vst v63  }
0x8b: {  	_ =	swait.ge [sflag:s15], $0x4000  }
0x8c: {  	[sflag:s15] =	ssyncset.done $0x0  }
0x8d: {  	s30 =	simm.s32 $0x100;
	[sflag:s15] =	ssyncadd.s32 $0xFFFFC000  }
0x8e: {  	[tilespmem:s16], [sflag:$0x1] =	stream.indirect.gather [hbm4b:s4+s12], $0x80, s30, s12, $0xb8;
	[tilespmem:$0x1E800] =	vst v63  }
0x8f: {  	_ =	swait.ge [sflag:s14], $0x4000  }
0x90: {  	[sflag:s14] =	ssyncset.done $0x0  }
0x91: {  	s31 =	simm.s32 $0x1480;
	[sflag:s14] =	ssyncadd.s32 $0xFFFFC000  }
0x92: {  	[spmem:s2] =	stream.indirect.scatter.add.f32 [tilespmem:s13], [sflag:$0x2], $0x80, s31, s12, $0xb8;
	[tilespmem:$0x1E800] =	vst v63  }
0x93: {  	_ =	swait.ge [sflag:s15], $0x4000  }
0x94: {  	s11 =	simm.s32 $0x800;
	s10 =	simm.s32 $0x100;
	[sflag:s15] =	ssyncset.done $0x0  }
.LBB2_6:
0x95: {  	s17 =	sadd.s32 $0x80, s10  }
0x96: {  	[sflag:s15] =	ssyncadd.s32 $0xFFFFC000;
	s18 =	smov.u32 s11;
	s19 =	sadd.s32 $0x400, s11  }
0x97: {  	[tilespmem:s13], [sflag:$0x1] =	stream.indirect.gather [hbm4b:s4+s12], $0x80, s17, s12, $0xb8;
	[tilespmem:$0x1E800] =	vst v63  }
0x98: {  	p0 =	sne.s32 s11, $0x4800;
	_ =	swait.ge [sflag:s14], $0x4000  }
0x99: {  	[sflag:s14] =	ssyncset.done $0x0  }
0x9a: {  	s11 =	sadd.s32 $0x1400, s10;
	[sflag:s14] =	ssyncadd.s32 $0xFFFFC000  }
0x9b: {  	[spmem:s2] =	stream.indirect.scatter.add.f32 [tilespmem:s16], [sflag:$0x2], $0x80, s11, s12, $0xb8;
	[tilespmem:$0x1E800] =	vst v63  }
0x9c: {  	_ =	swait.ge [sflag:s15], $0x4000  }
0x9d: {  	[sflag:s15] =	ssyncset.done $0x0  }
0x9e: {  	s11 =	sadd.s32 $0x100, s10;
	[sflag:s15] =	ssyncadd.s32 $0xFFFFC000  }
0x9f: {  	[tilespmem:s16], [sflag:$0x1] =	stream.indirect.gather [hbm4b:s4+s12], $0x80, s11, s12, $0xb8;
	[tilespmem:$0x1E800] =	vst v63  }
0xa0: {  	_ =	swait.ge [sflag:s14], $0x4000  }
.Ltmp3:
0xa1: {  	[sflag:s14] =	ssyncset.done $0x0;
	(pc) =	sbr.rel @p0 .LBB2_6-.Ltmp3, $4  }
0xa2: {  	s10 =	sadd.s32 $0x1480, s10;
	[sflag:s14] =	ssyncadd.s32 $0xFFFFC000  }
0xa3: {  	[spmem:s2] =	stream.indirect.scatter.add.f32 [tilespmem:s13], [sflag:$0x2], $0x80, s10, s12, $0xb8;
	[tilespmem:$0x1E800] =	vst v63  }
0xa4: {  	_ =	swait.ge [sflag:s15], $0x4000  }
0xa5: {  	s11 =	smov.u32 s19;
	s10 =	sshra.s32 s18, $0x2;
	[sflag:s15] =	ssyncset.done $0x0  }
0xa6: {  	s11 =	sadd.s32 $0x80, s10;
	[sflag:s15] =	ssyncadd.s32 $0xFFFFC000  }
0xa7: {  	[tilespmem:s13], [sflag:$0x1] =	stream.indirect.gather [hbm4b:s4+s12], $0x80, s11, s12, $0xb8;
	[tilespmem:$0x1E800] =	vst v63  }
0xa8: {  	_ =	swait.ge [sflag:s14], $0x4000  }
0xa9: {  	[sflag:s14] =	ssyncset.done $0x0  }
0xaa: {  	s19 =	sadd.s32 $0x1400, s10;
	[sflag:s14] =	ssyncadd.s32 $0xFFFFC000  }
0xab: {  	[spmem:s2] =	stream.indirect.scatter.add.f32 [tilespmem:s16], [sflag:$0x2], $0x80, s19, s12, $0xb8;
	[tilespmem:$0x1E800] =	vst v63  }
0xac: {  	_ =	swait.ge [sflag:s15], $0x4000  }
0xad: {  	[sflag:s15] =	ssyncset.done $0x0  }
0xae: {  	s20 =	sadd.s32 $0x100, s10;
	[sflag:s15] =	ssyncadd.s32 $0xFFFFC000  }
0xaf: {  	[tilespmem:s16], [sflag:$0x1] =	stream.indirect.gather [hbm4b:s4+s12], $0x80, s20, s12, $0xb8;
	[tilespmem:$0x1E800] =	vst v63  }
0xb0: {  	_ =	swait.ge [sflag:s14], $0x4000  }
0xb1: {  	[sflag:s14] =	ssyncset.done $0x0  }
0xb2: {  	s21 =	sadd.s32 $0x1480, s10;
	[sflag:s14] =	ssyncadd.s32 $0xFFFFC000  }
0xb3: {  	[spmem:s2] =	stream.indirect.scatter.add.f32 [tilespmem:s13], [sflag:$0x2], $0x80, s21, s12, $0xb8;
	[tilespmem:$0x1E800] =	vst v63  }
0xb4: {  	_ =	swait.ge [sflag:s15], $0x4000  }
0xb5: {  	s10 =	simm.s32 $0x80;
	s22 =	simm.s32 $0x1380;
	[sflag:s15] =	ssyncset.done $0x0  }
0xb6: {  	s11 =	simm.s32 $0x6800;
	s12 =	simm.s32 $0x1;
	[sflag:s15] =	ssyncadd.s32 $0xFFFFC000  }
0xb7: {  	[tilespmem:s11], [sflag:$0x1] =	stream.indirect.gather [hbm4b:s4+s10], $0x80, s22, s10, $0xb8;
	[tilespmem:$0x1E800] =	vst v63  }
0xb8: {  	_ =	swait.ge [sflag:s12], $0x4000  }
0xb9: {  	s23 =	simm.s32 $0x2700;
	[sflag:s12] =	ssyncset.done $0x0  }
0xba: {  	s14 =	simm.s32 $0x2800;
	s13 =	simm.s32 $0x2;
	[sflag:s12] =	ssyncadd.s32 $0xFFFFC000  }
0xbb: {  	[spmem:s2] =	stream.indirect.scatter.add.f32 [tilespmem:s14], [sflag:$0x2], $0x80, s23, s10, $0xb8;
	[tilespmem:$0x1E800] =	vst v63  }
0xbc: {  	_ =	swait.ge [sflag:s13], $0x4000  }
0xbd: {  	[sflag:s13] =	ssyncset.done $0x0  }
0xbe: {  	[sflag:s13] =	ssyncadd.s32 $0xFFFFC000  }
0xbf: {  	_ =	swait.ge [sflag:s12], $0x4000  }
0xc0: {  	[sflag:s12] =	ssyncset.done $0x0  }
0xc1: {  	s24 =	simm.s32 $0x2780;
	[sflag:s12] =	ssyncadd.s32 $0xFFFFC000  }
0xc2: {  	[spmem:s2] =	stream.indirect.scatter.add.f32 [tilespmem:s11], [sflag:$0x2], $0x80, s24, s10, $0xb8;
	[tilespmem:$0x1E800] =	vst v63  }
0xc3: {  	_ =	swait.ge [sflag:s13], $0x4000  }
0xc4: {  	[sflag:s13] =	ssyncset.done $0x0  }
0xc5: {  	s25 =	simm.s32 $0x0;
	[sflag:s13] =	ssyncadd.s32 $0xFFFFC000  }
0xc6: {  	[tilespmem:s25], [sflag:$0x2] =	stream.linear.gather [hbm4b:s9+s25], $0x1400, $0x38;
	[tilespmem:$0x1E800] =	vst v63  }
0xc7: {  	_ =	swait.ge [sflag:s13], $0x1400  }
0xc8: {  	[sflag:s13] =	ssyncset.done $0x0  }
0xc9: {  	s26 =	simm.s32 $0x1400;
	[sflag:s13] =	ssyncadd.s32 $0xFFFFEC00  }
0xca: {  	[tilespmem:s26], [sflag:$0x2] =	stream.linear.gather [hbm4b:s8+s25], $0x1400, $0x38;
	[tilespmem:$0x1E800] =	vst v63  }
0xcb: {  	_ =	swait.ge [sflag:s13], $0x1400  }
0xcc: {  	[sflag:s13] =	ssyncset.done $0x0  }
0xcd: {  	[sflag:s13] =	ssyncadd.s32 $0xFFFFEC00  }
0xce: {  	[tilespmem:s14], [sflag:$0x1] =	stream.indirect.gather [hbm4b:s4+s10], $0x80, s25, s10, $0xb8;
	[tilespmem:$0x1E800] =	vst v63  }
0xcf: {  	s28 =	simm.s32 $0x80  }
0xd0: {  	[tilespmem:s11], [sflag:$0x1] =	stream.indirect.gather [hbm4b:s4+s10], $0x80, s28, s10, $0xb8;
	[tilespmem:$0x1E800] =	vst v63  }
0xd1: {  	_ =	swait.ge [sflag:s12], $0x4000  }
0xd2: {  	[sflag:s12] =	ssyncset.done $0x0  }
0xd3: {  	s29 =	simm.s32 $0x1400;
	[sflag:s12] =	ssyncadd.s32 $0xFFFFC000  }
0xd4: {  	[spmem:s2] =	stream.indirect.scatter.add.f32 [tilespmem:s14], [sflag:$0x2], $0x80, s29, s10, $0xb8;
	[tilespmem:$0x1E800] =	vst v63  }
0xd5: {  	_ =	swait.ge [sflag:s13], $0x4000  }
0xd6: {  	[sflag:s13] =	ssyncset.done $0x0  }
0xd7: {  	s30 =	simm.s32 $0x100;
	[sflag:s13] =	ssyncadd.s32 $0xFFFFC000  }
0xd8: {  	[tilespmem:s14], [sflag:$0x1] =	stream.indirect.gather [hbm4b:s4+s10], $0x80, s30, s10, $0xb8;
	[tilespmem:$0x1E800] =	vst v63  }
0xd9: {  	_ =	swait.ge [sflag:s12], $0x4000  }
0xda: {  	[sflag:s12] =	ssyncset.done $0x0  }
0xdb: {  	s31 =	simm.s32 $0x1480;
	[sflag:s12] =	ssyncadd.s32 $0xFFFFC000  }
0xdc: {  	[spmem:s2] =	stream.indirect.scatter.add.f32 [tilespmem:s11], [sflag:$0x2], $0x80, s31, s10, $0xb8;
	[tilespmem:$0x1E800] =	vst v63  }
0xdd: {  	_ =	swait.ge [sflag:s13], $0x4000  }
0xde: {  	s9 =	simm.s32 $0x800;
	s8 =	simm.s32 $0x100;
	[sflag:s13] =	ssyncset.done $0x0  }
.LBB2_8:
0xdf: {  	s15 =	sadd.s32 $0x80, s8  }
0xe0: {  	[sflag:s13] =	ssyncadd.s32 $0xFFFFC000;
	s16 =	smov.u32 s9;
	s17 =	sadd.s32 $0x400, s9  }
0xe1: {  	[tilespmem:s11], [sflag:$0x1] =	stream.indirect.gather [hbm4b:s4+s10], $0x80, s15, s10, $0xb8;
	[tilespmem:$0x1E800] =	vst v63  }
0xe2: {  	p0 =	sne.s32 s9, $0x4800;
	_ =	swait.ge [sflag:s12], $0x4000  }
0xe3: {  	[sflag:s12] =	ssyncset.done $0x0  }
0xe4: {  	s9 =	sadd.s32 $0x1400, s8;
	[sflag:s12] =	ssyncadd.s32 $0xFFFFC000  }
0xe5: {  	[spmem:s2] =	stream.indirect.scatter.add.f32 [tilespmem:s14], [sflag:$0x2], $0x80, s9, s10, $0xb8;
	[tilespmem:$0x1E800] =	vst v63  }
0xe6: {  	_ =	swait.ge [sflag:s13], $0x4000  }
0xe7: {  	[sflag:s13] =	ssyncset.done $0x0  }
0xe8: {  	s9 =	sadd.s32 $0x100, s8;
	[sflag:s13] =	ssyncadd.s32 $0xFFFFC000  }
0xe9: {  	[tilespmem:s14], [sflag:$0x1] =	stream.indirect.gather [hbm4b:s4+s10], $0x80, s9, s10, $0xb8;
	[tilespmem:$0x1E800] =	vst v63  }
0xea: {  	_ =	swait.ge [sflag:s12], $0x4000  }
.Ltmp4:
0xeb: {  	[sflag:s12] =	ssyncset.done $0x0;
	(pc) =	sbr.rel @p0 .LBB2_8-.Ltmp4, $4  }
0xec: {  	s8 =	sadd.s32 $0x1480, s8;
	[sflag:s12] =	ssyncadd.s32 $0xFFFFC000  }
0xed: {  	[spmem:s2] =	stream.indirect.scatter.add.f32 [tilespmem:s11], [sflag:$0x2], $0x80, s8, s10, $0xb8;
	[tilespmem:$0x1E800] =	vst v63  }
0xee: {  	_ =	swait.ge [sflag:s13], $0x4000  }
0xef: {  	s9 =	smov.u32 s17;
	s8 =	sshra.s32 s16, $0x2;
	[sflag:s13] =	ssyncset.done $0x0  }
0xf0: {  	s9 =	sadd.s32 $0x80, s8;
	[sflag:s13] =	ssyncadd.s32 $0xFFFFC000  }
0xf1: {  	[tilespmem:s11], [sflag:$0x1] =	stream.indirect.gather [hbm4b:s4+s10], $0x80, s9, s10, $0xb8;
	[tilespmem:$0x1E800] =	vst v63  }
0xf2: {  	_ =	swait.ge [sflag:s12], $0x4000  }
0xf3: {  	[sflag:s12] =	ssyncset.done $0x0  }
0xf4: {  	s19 =	sadd.s32 $0x1400, s8;
	[sflag:s12] =	ssyncadd.s32 $0xFFFFC000  }
0xf5: {  	[spmem:s2] =	stream.indirect.scatter.add.f32 [tilespmem:s14], [sflag:$0x2], $0x80, s19, s10, $0xb8;
	[tilespmem:$0x1E800] =	vst v63  }
0xf6: {  	_ =	swait.ge [sflag:s13], $0x4000  }
0xf7: {  	[sflag:s13] =	ssyncset.done $0x0  }
0xf8: {  	s20 =	sadd.s32 $0x100, s8;
	[sflag:s13] =	ssyncadd.s32 $0xFFFFC000  }
0xf9: {  	[tilespmem:s14], [sflag:$0x1] =	stream.indirect.gather [hbm4b:s4+s10], $0x80, s20, s10, $0xb8;
	[tilespmem:$0x1E800] =	vst v63  }
0xfa: {  	_ =	swait.ge [sflag:s12], $0x4000  }
0xfb: {  	[sflag:s12] =	ssyncset.done $0x0  }
0xfc: {  	s21 =	sadd.s32 $0x1480, s8;
	[sflag:s12] =	ssyncadd.s32 $0xFFFFC000  }
0xfd: {  	[spmem:s2] =	stream.indirect.scatter.add.f32 [tilespmem:s11], [sflag:$0x2], $0x80, s21, s10, $0xb8;
	[tilespmem:$0x1E800] =	vst v63  }
0xfe: {  	_ =	swait.ge [sflag:s13], $0x4000  }
0xff: {  	s8 =	simm.s32 $0x80;
	s22 =	simm.s32 $0x1380;
	[sflag:s13] =	ssyncset.done $0x0  }
0x100: {  	s9 =	simm.s32 $0x6800;
	s10 =	simm.s32 $0x1;
	[sflag:s13] =	ssyncadd.s32 $0xFFFFC000  }
0x101: {  	[tilespmem:s9], [sflag:$0x1] =	stream.indirect.gather [hbm4b:s4+s8], $0x80, s22, s8, $0xb8;
	[tilespmem:$0x1E800] =	vst v63  }
0x102: {  	_ =	swait.ge [sflag:s10], $0x4000  }
0x103: {  	s23 =	simm.s32 $0x2700;
	[sflag:s10] =	ssyncset.done $0x0  }
0x104: {  	s12 =	simm.s32 $0x2800;
	s11 =	simm.s32 $0x2;
	[sflag:s10] =	ssyncadd.s32 $0xFFFFC000  }
0x105: {  	[spmem:s2] =	stream.indirect.scatter.add.f32 [tilespmem:s12], [sflag:$0x2], $0x80, s23, s8, $0xb8;
	[tilespmem:$0x1E800] =	vst v63  }
0x106: {  	_ =	swait.ge [sflag:s11], $0x4000  }
0x107: {  	[sflag:s11] =	ssyncset.done $0x0  }
0x108: {  	[sflag:s11] =	ssyncadd.s32 $0xFFFFC000  }
0x109: {  	_ =	swait.ge [sflag:s10], $0x4000  }
0x10a: {  	[sflag:s10] =	ssyncset.done $0x0  }
0x10b: {  	s24 =	simm.s32 $0x2780;
	[sflag:s10] =	ssyncadd.s32 $0xFFFFC000  }
0x10c: {  	[spmem:s2] =	stream.indirect.scatter.add.f32 [tilespmem:s9], [sflag:$0x2], $0x80, s24, s8, $0xb8;
	[tilespmem:$0x1E800] =	vst v63  }
0x10d: {  	_ =	swait.ge [sflag:s11], $0x4000  }
0x10e: {  	[sflag:s11] =	ssyncset.done $0x0  }
0x10f: {  	s25 =	simm.s32 $0x0;
	[sflag:s11] =	ssyncadd.s32 $0xFFFFC000  }
0x110: {  	[tilespmem:s25], [sflag:$0x2] =	stream.linear.gather [hbm4b:s7+s25], $0x1400, $0x38;
	[tilespmem:$0x1E800] =	vst v63  }
0x111: {  	_ =	swait.ge [sflag:s11], $0x1400  }
0x112: {  	[sflag:s11] =	ssyncset.done $0x0  }
0x113: {  	s26 =	simm.s32 $0x1400;
	[sflag:s11] =	ssyncadd.s32 $0xFFFFEC00  }
0x114: {  	[tilespmem:s26], [sflag:$0x2] =	stream.linear.gather [hbm4b:s6+s25], $0x1400, $0x38;
	[tilespmem:$0x1E800] =	vst v63  }
0x115: {  	_ =	swait.ge [sflag:s11], $0x1400  }
0x116: {  	[sflag:s11] =	ssyncset.done $0x0  }
0x117: {  	[sflag:s11] =	ssyncadd.s32 $0xFFFFEC00  }
0x118: {  	[tilespmem:s12], [sflag:$0x1] =	stream.indirect.gather [hbm4b:s4+s8], $0x80, s25, s8, $0xb8;
	[tilespmem:$0x1E800] =	vst v63  }
0x119: {  	s28 =	simm.s32 $0x80  }
0x11a: {  	[tilespmem:s9], [sflag:$0x1] =	stream.indirect.gather [hbm4b:s4+s8], $0x80, s28, s8, $0xb8;
	[tilespmem:$0x1E800] =	vst v63  }
0x11b: {  	_ =	swait.ge [sflag:s10], $0x4000  }
0x11c: {  	[sflag:s10] =	ssyncset.done $0x0  }
0x11d: {  	s29 =	simm.s32 $0x1400;
	[sflag:s10] =	ssyncadd.s32 $0xFFFFC000  }
0x11e: {  	[spmem:s2] =	stream.indirect.scatter.add.f32 [tilespmem:s12], [sflag:$0x2], $0x80, s29, s8, $0xb8;
	[tilespmem:$0x1E800] =	vst v63  }
0x11f: {  	_ =	swait.ge [sflag:s11], $0x4000  }
0x120: {  	[sflag:s11] =	ssyncset.done $0x0  }
0x121: {  	s30 =	simm.s32 $0x100;
	[sflag:s11] =	ssyncadd.s32 $0xFFFFC000  }
0x122: {  	[tilespmem:s12], [sflag:$0x1] =	stream.indirect.gather [hbm4b:s4+s8], $0x80, s30, s8, $0xb8;
	[tilespmem:$0x1E800] =	vst v63  }
0x123: {  	_ =	swait.ge [sflag:s10], $0x4000  }
0x124: {  	[sflag:s10] =	ssyncset.done $0x0  }
0x125: {  	s31 =	simm.s32 $0x1480;
	[sflag:s10] =	ssyncadd.s32 $0xFFFFC000  }
0x126: {  	[spmem:s2] =	stream.indirect.scatter.add.f32 [tilespmem:s9], [sflag:$0x2], $0x80, s31, s8, $0xb8;
	[tilespmem:$0x1E800] =	vst v63  }
0x127: {  	_ =	swait.ge [sflag:s11], $0x4000  }
0x128: {  	s7 =	simm.s32 $0x800;
	s6 =	simm.s32 $0x100;
	[sflag:s11] =	ssyncset.done $0x0  }
.LBB2_10:
0x129: {  	s13 =	sadd.s32 $0x80, s6  }
0x12a: {  	[sflag:s11] =	ssyncadd.s32 $0xFFFFC000;
	s14 =	smov.u32 s7;
	s15 =	sadd.s32 $0x400, s7  }
0x12b: {  	[tilespmem:s9], [sflag:$0x1] =	stream.indirect.gather [hbm4b:s4+s8], $0x80, s13, s8, $0xb8;
	[tilespmem:$0x1E800] =	vst v63  }
0x12c: {  	p0 =	sne.s32 s7, $0x4800;
	_ =	swait.ge [sflag:s10], $0x4000  }
0x12d: {  	[sflag:s10] =	ssyncset.done $0x0  }
0x12e: {  	s7 =	sadd.s32 $0x1400, s6;
	[sflag:s10] =	ssyncadd.s32 $0xFFFFC000  }
0x12f: {  	[spmem:s2] =	stream.indirect.scatter.add.f32 [tilespmem:s12], [sflag:$0x2], $0x80, s7, s8, $0xb8;
	[tilespmem:$0x1E800] =	vst v63  }
0x130: {  	_ =	swait.ge [sflag:s11], $0x4000  }
0x131: {  	[sflag:s11] =	ssyncset.done $0x0  }
0x132: {  	s7 =	sadd.s32 $0x100, s6;
	[sflag:s11] =	ssyncadd.s32 $0xFFFFC000  }
0x133: {  	[tilespmem:s12], [sflag:$0x1] =	stream.indirect.gather [hbm4b:s4+s8], $0x80, s7, s8, $0xb8;
	[tilespmem:$0x1E800] =	vst v63  }
0x134: {  	_ =	swait.ge [sflag:s10], $0x4000  }
.Ltmp5:
0x135: {  	[sflag:s10] =	ssyncset.done $0x0;
	(pc) =	sbr.rel @p0 .LBB2_10-.Ltmp5, $4  }
0x136: {  	s6 =	sadd.s32 $0x1480, s6;
	[sflag:s10] =	ssyncadd.s32 $0xFFFFC000  }
0x137: {  	[spmem:s2] =	stream.indirect.scatter.add.f32 [tilespmem:s9], [sflag:$0x2], $0x80, s6, s8, $0xb8;
	[tilespmem:$0x1E800] =	vst v63  }
0x138: {  	_ =	swait.ge [sflag:s11], $0x4000  }
0x139: {  	s7 =	smov.u32 s15;
	s6 =	sshra.s32 s14, $0x2;
	[sflag:s11] =	ssyncset.done $0x0  }
0x13a: {  	s7 =	sadd.s32 $0x80, s6;
	[sflag:s11] =	ssyncadd.s32 $0xFFFFC000  }
0x13b: {  	[tilespmem:s9], [sflag:$0x1] =	stream.indirect.gather [hbm4b:s4+s8], $0x80, s7, s8, $0xb8;
	[tilespmem:$0x1E800] =	vst v63  }
0x13c: {  	_ =	swait.ge [sflag:s10], $0x4000  }
0x13d: {  	[sflag:s10] =	ssyncset.done $0x0  }
0x13e: {  	s19 =	sadd.s32 $0x1400, s6;
	[sflag:s10] =	ssyncadd.s32 $0xFFFFC000  }
0x13f: {  	[spmem:s2] =	stream.indirect.scatter.add.f32 [tilespmem:s12], [sflag:$0x2], $0x80, s19, s8, $0xb8;
	[tilespmem:$0x1E800] =	vst v63  }
0x140: {  	_ =	swait.ge [sflag:s11], $0x4000  }
0x141: {  	[sflag:s11] =	ssyncset.done $0x0  }
0x142: {  	s20 =	sadd.s32 $0x100, s6;
	[sflag:s11] =	ssyncadd.s32 $0xFFFFC000  }
0x143: {  	[tilespmem:s12], [sflag:$0x1] =	stream.indirect.gather [hbm4b:s4+s8], $0x80, s20, s8, $0xb8;
	[tilespmem:$0x1E800] =	vst v63  }
0x144: {  	_ =	swait.ge [sflag:s10], $0x4000  }
0x145: {  	[sflag:s10] =	ssyncset.done $0x0  }
0x146: {  	s21 =	sadd.s32 $0x1480, s6;
	[sflag:s10] =	ssyncadd.s32 $0xFFFFC000  }
0x147: {  	[spmem:s2] =	stream.indirect.scatter.add.f32 [tilespmem:s9], [sflag:$0x2], $0x80, s21, s8, $0xb8;
	[tilespmem:$0x1E800] =	vst v63  }
0x148: {  	_ =	swait.ge [sflag:s11], $0x4000  }
0x149: {  	s22 =	simm.s32 $0x80;
	s23 =	simm.s32 $0x1380;
	[sflag:s11] =	ssyncset.done $0x0  }
0x14a: {  	s24 =	simm.s32 $0x6800;
	s25 =	simm.s32 $0x1;
	[sflag:s11] =	ssyncadd.s32 $0xFFFFC000  }
0x14b: {  	[tilespmem:s24], [sflag:$0x1] =	stream.indirect.gather [hbm4b:s4+s22], $0x80, s23, s22, $0xb8;
	[tilespmem:$0x1E800] =	vst v63  }
0x14c: {  	_ =	swait.ge [sflag:s25], $0x4000  }
0x14d: {  	s26 =	simm.s32 $0x2700;
	[sflag:s25] =	ssyncset.done $0x0  }
0x14e: {  	s28 =	simm.s32 $0x2800;
	s29 =	simm.s32 $0x2;
	[sflag:s25] =	ssyncadd.s32 $0xFFFFC000  }
0x14f: {  	[spmem:s2] =	stream.indirect.scatter.add.f32 [tilespmem:s28], [sflag:$0x2], $0x80, s26, s22, $0xb8;
	[tilespmem:$0x1E800] =	vst v63  }
0x150: {  	_ =	swait.ge [sflag:s29], $0x4000  }
0x151: {  	[sflag:s29] =	ssyncset.done $0x0  }
0x152: {  	[sflag:s29] =	ssyncadd.s32 $0xFFFFC000  }
0x153: {  	_ =	swait.ge [sflag:s25], $0x4000  }
0x154: {  	[sflag:s25] =	ssyncset.done $0x0  }
0x155: {  	s30 =	simm.s32 $0x2780;
	[sflag:s25] =	ssyncadd.s32 $0xFFFFC000  }
0x156: {  	[spmem:s2] =	stream.indirect.scatter.add.f32 [tilespmem:s24], [sflag:$0x2], $0x80, s30, s22, $0xb8;
	[tilespmem:$0x1E800] =	vst v63  }
0x157: {  	_ =	swait.ge [sflag:s29], $0x4000  }
0x158: {  	[sflag:s29] =	ssyncset.done $0x0  }
0x159: {  	s31 =	sshll.u32 s1, $0x6;
	[sflag:s29] =	ssyncadd.s32 $0xFFFFC000  }
0x15a: {  	s3 =	sshrl.u32 s3, $0x3;
	s2 =	sor.u32 $0x1C02, s31;
	[bflag:$0x0] =	sbarrier.arrive $0xFFFF  }
0x15b: {  	[hbm:s5], [sflag:s2] =	dma.local [spmem:s3], $0x2800  }
0x15c: {  	_ =	swait.ge [sflag:s29], $0x2800  }
0x15d: {  	[sflag:s29] =	ssyncset.done $0x0  }
0x15e: {  	[sflag:s29] =	ssyncadd.s32 $0xFFFFD800  }
.LBB2_12:
0x15f: {  	_ =	sfence.sel $0x180000  }
0x160: {  	[bflag:$0x0] =	sbarrier.arrive $0xFFFF  }
0x161: {  	p0 =	sne.s32 s1, $0x0;
	_ =	strace $0x9000004A  }
0x162: {  	s0 =	sadd.s32 @!p0 $0x100000, s0;
	[bflag:$0x2] =	sbarrier.arrive $0xFFFF  }
0x163: {  	[sflag:s0] =	ssyncadd.tile.s32 @!p0 $0x1;
	_ =	shalt  }
.Lfunc_end2:
_tile_overlayer_lowered:
.L_overlay_start_2:
0x164: {  	(tag) =	ssettag $0x2  }
0x165: {  	s0 =	rddreg [dreg:$0x0];
	s2 =	stileid.u32  }
0x166: {  	s1 =	rddreg [dreg:$0x1];
	p0 =	sne.s32 s2, $0x0  }
0x167: {  	s3 =	rddreg [dreg:$0x2];
	[bflag:$0x3] =	sbarrier.arrive $0xFFFF;
	s2 =	simm.s32 @!p0 $0x1C02  }
0x168: {  	[timem:s3], [sflag:s2] =	dma.local @!p0 [hbm:s0], s1  }
0x169: {  	s0 =	simm.s32 @!p0 $0x2  }
0x16a: {  	_ =	swait.ge @!p0 [sflag:s0], s1  }
0x16b: {  	s1 =	ssub.s32 @!p0 $0x0, s1;
	[sflag:s0] =	ssyncset.done @!p0 $0x0  }
0x16c: {  	[sflag:s0] =	ssyncadd.s32 @!p0 s1  }
0x16d: {  	[bflag:$0x3] =	sbarrier.arrive $0xFFFF  }
0x16e: {  	_ =	shalt  }

// kernel: _run.14.cloned.1.call-start
scs
__scs_entry_jumppad:
0x0: {  	(pc) =	sbr.rel $0x88, $3  }
0x1: {  	(tag) =	ssettag $0x0;
	lr =	simm.s32 $0x1  }
0x2: {  	[smem:$0x3F9B] =	sst lr;
	_ =	strace $0xD0000000  }
0x3: {  	_ = 	snop  }
0x4: {  	_ = 	snop  }
0x5: {  	_ = 	snop  }
0x6: {  	_ = 	snop  }
0x7: {  	_ = 	snop  }
__scs_overlays_trampoline_lowered:
0x8: {  	[smem:$0x3FAA] =	sst s0  }
0x9: {  	[smem:$0x3FAB] =	sst s1  }
0xa: {  	[smem:$0x3FAC] =	sst s2  }
0xb: {  	[smem:$0x3FAD] =	sst s3  }
0xc: {  	[smem:$0x3FAE] =	sst s4  }
0xd: {  	[smem:$0x3FAF] =	sst s5  }
0xe: {  	[smem:$0x3FB0] =	sst s6  }
0xf: {  	[smem:$0x3FB1] =	sst s7  }
0x10: {  	[smem:$0x3FB2] =	sst s8  }
0x11: {  	[smem:$0x3FB3] =	sst s9;
	s0 =	simm.s32 @!p0 $0x0  }
0x12: {  	s1 =	sld [smem:$0x3F99];
	s0 =	simm.s32 @p0 $0x1  }
0x13: {  	[smem:$0x3FB4] =	sst s0;
	s0 =	simm.s32 @!p1 $0x0  }
0x14: {  	s2 =	sld [smem:$0x3F98];
	s0 =	simm.s32 @p1 $0x1  }
0x15: {  	[smem:$0x3FB5] =	sst s0;
	s0 =	simm.s32 @!p2 $0x0  }
0x16: {  	s3 =	sld [smem:$0x3FDB];
	s0 =	simm.s32 @p2 $0x1  }
0x17: {  	s4 =	simm.s32 $0x1BF5;
	[smem:$0x3FB7] =	sst s0  }
0x18: {  	s0 =	sld [smem:$0x3F9A];
	_ =	swait.ge [sflag:s4], $0x0  }
0x19: {  	s7 =	sld [smem:$0x3F9B]  }
0x1a: {  	s8 =	sadd.s32 $0xFFFFE003, lr  }
0x1b: {  	s9 =	sadd.s32 $0xFFFFFEF7, lr;
	s5 =	simm.s32 $0xFFFFFFFF;
	p2 =	slt.u32 s8, $0xFFFFF086  }
0x1c: {  	p1 =	slt.u32 s9, $0xF7A;
	s5 =	simm.s32 @!p2 $0x0  }
0x1d: {  	s5 =	simm.s32 @p1 $0x1;
	p0 =	seq.s32 s7, s2  }
0x1e: {  	s7 =	smul.u32 @!p0 $0xF7A, s2;
	p2 =	seq.s32 @!p0 s5, $0x0  }
0x1f: {  	s9 =	smul.u32 $0xF7A, s1;
	s8 =	simm.s32 @!p0 $0x1BF5;
	p2 =	por !p2, p0  }
0x20: {  	[sflag:s8] =	ssyncset.s32 @!p0 $0xFFFFF086;
	s6 =	sadd.s32 @!p0 s3, s7;
	s7 =	simm.s32 @!p0 $0x108  }
0x21: {  	s3 =	sadd.s32 s3, s9;
	s6 =	sadd.s32 @!p0 $0x88, s6;
	s7 =	simm.s32 @p2 $0x1082  }
0x22: {  	[simem:s7], [sflag:s8] =	dma.local @!p0 [hbm:s6], $0xF7A  }
0x23: {  	s9 =	sor.u32 $0xD0000000, s2;
	s6 =	simm.s32 $0x108;
	_ =	swait.ge @!p0 [sflag:s8], $0x0  }
0x24: {  	s3 =	sadd.s32 $0x88, s3;
	s6 =	simm.s32 @!p1 $0x1082;
	[sflag:s4] =	ssyncset.s32 $0xFFFFF086  }
0x25: {  	[simem:s6], [sflag:s4] =	dma.local [hbm:s3], $0xF7A  }
0x26: {  	[smem:$0x3F9B] =	sst s1;
	(tag) =	ssettag s2;
	_ =	strace s9  }
0x27: {  	s1 =	sld [smem:$0x3FAB]  }
0x28: {  	s2 =	sld [smem:$0x3FAC]  }
0x29: {  	s4 =	sld [smem:$0x3FAE]  }
0x2a: {  	p0 =	seq.s32 s5, $0x0;
	s5 =	sld [smem:$0x3FAF]  }
0x2b: {  	s6 =	sld [smem:$0x3FB0]  }
0x2c: {  	s7 =	sld [smem:$0x3FB1]  }
0x2d: {  	s3 =	simm.s32 $0x108;
	s8 =	sld [smem:$0x3FB2]  }
0x2e: {  	s3 =	simm.s32 @!p0 $0x1082;
	s9 =	sld [smem:$0x3FB3]  }
0x2f: {  	lr =	sadd.s32 s0, s3;
	s0 =	sld [smem:$0x3FAA]  }
0x30: {  	s3 =	sld [smem:$0x3FAD]  }
0x31: {  	[smem:$0x3FB6] =	sst s10  }
0x32: {  	s10 =	sld [smem:$0x3FB4];
	_ =	sdelay $0x3  }
0x33: {  	p0 =	seq.s32 s10, $0x1;
	s10 =	sld [smem:$0x3FB6];
	_ =	sdelay $0x3  }
0x34: {  	[smem:$0x3FB6] =	sst s10  }
0x35: {  	s10 =	sld [smem:$0x3FB5];
	_ =	sdelay $0x3  }
0x36: {  	p1 =	seq.s32 s10, $0x1;
	s10 =	sld [smem:$0x3FB6];
	_ =	sdelay $0x3  }
0x37: {  	[smem:$0x3FB6] =	sst s10  }
0x38: {  	s10 =	sld [smem:$0x3FB7]  }
0x39: {  	_ = 	snop;
	(pc) =	sbr.ind lr, $3  }
0x3a: {  	_ = 	snop  }
0x3b: {  	_ = 	snop  }
0x3c: {  	p2 =	seq.s32 s10, $0x1;
	s10 =	sld [smem:$0x3FB6]  }
0x3d: {  	_ =	shalt  }
0x3e: {  	_ =	shalt  }
0x3f: {  	_ =	shalt  }
0x40: {  	_ =	shalt  }
0x41: {  	_ =	shalt  }
0x42: {  	_ =	shalt  }
0x43: {  	_ =	shalt  }
0x44: {  	_ =	shalt  }
0x45: {  	_ =	shalt  }
0x46: {  	_ =	shalt  }
0x47: {  	_ =	shalt  }
0x48: {  	_ =	shalt  }
0x49: {  	_ =	shalt  }
0x4a: {  	_ =	shalt  }
0x4b: {  	_ =	shalt  }
0x4c: {  	_ =	shalt  }
0x4d: {  	_ =	shalt  }
0x4e: {  	_ =	shalt  }
0x4f: {  	_ =	shalt  }
0x50: {  	_ =	shalt  }
0x51: {  	_ =	shalt  }
0x52: {  	_ =	shalt  }
0x53: {  	_ =	shalt  }
0x54: {  	_ =	shalt  }
0x55: {  	_ =	shalt  }
0x56: {  	_ =	shalt  }
0x57: {  	_ =	shalt  }
0x58: {  	_ =	shalt  }
0x59: {  	_ =	shalt  }
0x5a: {  	_ =	shalt  }
0x5b: {  	_ =	shalt  }
0x5c: {  	_ =	shalt  }
0x5d: {  	_ =	shalt  }
0x5e: {  	_ =	shalt  }
0x5f: {  	_ =	shalt  }
0x60: {  	_ =	shalt  }
0x61: {  	_ =	shalt  }
0x62: {  	_ =	shalt  }
0x63: {  	_ =	shalt  }
0x64: {  	_ =	shalt  }
0x65: {  	_ =	shalt  }
0x66: {  	_ =	shalt  }
0x67: {  	_ =	shalt  }
0x68: {  	_ =	shalt  }
0x69: {  	_ =	shalt  }
0x6a: {  	_ =	shalt  }
0x6b: {  	_ =	shalt  }
0x6c: {  	_ =	shalt  }
0x6d: {  	_ =	shalt  }
0x6e: {  	_ =	shalt  }
0x6f: {  	_ =	shalt  }
0x70: {  	_ =	shalt  }
0x71: {  	_ =	shalt  }
0x72: {  	_ =	shalt  }
0x73: {  	_ =	shalt  }
0x74: {  	_ =	shalt  }
0x75: {  	_ =	shalt  }
0x76: {  	_ =	shalt  }
0x77: {  	_ =	shalt  }
0x78: {  	_ =	shalt  }
0x79: {  	_ =	shalt  }
0x7a: {  	_ =	shalt  }
0x7b: {  	_ =	shalt  }
0x7c: {  	_ =	shalt  }
0x7d: {  	_ =	shalt  }
0x7e: {  	_ =	shalt  }
0x7f: {  	_ =	shalt  }
0x80: {  	_ =	shalt  }
0x81: {  	_ =	shalt  }
0x82: {  	_ =	shalt  }
0x83: {  	_ =	shalt  }
0x84: {  	_ =	shalt  }
0x85: {  	_ =	shalt  }
0x86: {  	_ =	shalt  }
0x87: {  	_ =	shalt  }
.Lfunc_end0:
.L_simem_size_0:
called_computation.2_lowered:
.L_overlay_start_0:
0x88: {  	s2 =	sld [smem:$0x3FD9]  }
0x89: {  	s3 =	sld [smem:$0x3FFE];
	_ =	sdelay $0x1  }
0x8a: {  	s1 =	srdreg.scid  }
0x8b: {  	s0 =	sand.u32 $0x1, s1  }
0x8c: {  	s17 =	sshll.u32 s0, $0xA;
	s2 =	sadd.s32 s3, s2  }
0x8d: {  	s2 =	sadd.s32 s2, s17  }
0x8e: {  	[smem:$0x3FC2] =	sst s2  }
0x8f: {  	_ = 	snop  }
0x90: {  	s2 =	sld [smem:$0x3FD0];
	(tm) =	ssettm $0x1  }
0x91: {  	s18 =	sld [smem:$0x3FFB];
	_ =	sdelay $0x3  }
0x92: {  	_ =	strace s18  }
0x93: {  	s3 =	sld [smem:$0x3FFC];
	_ =	sdelay $0x3  }
0x94: {  	_ =	strace s3  }
0x95: {  	s3 =	sld [smem:$0x3FFD];
	_ =	sdelay $0x3  }
0x96: {  	_ =	strace s3  }
0x97: {  	_ =	strace $0x8FFFFFFF  }
0x98: {  	s19 =	sld [smem:$0x3FDB];
	_ =	sdelay $0x1  }
0x99: {  	s4 =	simm.s32 $_scs_section_size  }
0x9a: {  	s5 =	simm.s32 $_size__tile_overlayer_lowered;
	s6 =	simm.s32 $_tile_overlayer_lowered  }
0x9b: {  	s22 =	simm.s32 $0x1BFF;
	s21 =	sshll.u32 s6, $0x1;
	s3 =	sadd.s32 s4, s19  }
0x9c: {  	s7 =	simm.s32 $0x0;
	s20 =	sshll.u32 s5, $0x1;
	s5 =	sadd.s32 s21, s3  }
0x9d: {  	[timem:s7], [sflag:s22] =	dma.local [hbm:s5], s20  }
0x9e: {  	_ =	swait.ge [sflag:s22], s20  }
0x9f: {  	s4 =	ssub.s32 $0x0, s20;
	[sflag:s22] =	ssyncset.done $0x0  }
0xa0: {  	[sflag:s22] =	ssyncadd.s32 s4;
	_ =	sdelay $0x1  }
0xa1: {  	s23 =	simm.s32 $0x1B8B  }
0xa2: {  	_ =	swait.ge [sflag:s23], $0x1  }
0xa3: {  	[sflag:s23] =	ssyncset.done $0x0  }
0xa4: {  	s25 =	simm.s32 $0x1B8E;
	s24 =	sld [smem:$0x3FFE];
	[sflag:s23] =	ssyncadd.s32 $0xFFFFFFFF  }
0xa5: {  	s26 =	simm.s32 $execute0_lowered;
	[smem:$0x3FD2] =	sst s25  }
0xa6: {  	s5 =	sshll.u32 s26, $0x1;
	_ =	strace $0x8000004C;
	[dreg:$0x1] =	wrdreg $0xFFFFFFFF  }
0xa7: {  	s28 =	simm.s32 $_size_execute0_lowered;
	s3 =	sadd.s32 s3, s5;
	[dreg:$0x0] =	wrdreg $0x0  }
0xa8: {  	s5 =	sshll.u32 s28, $0x1;
	[dreg:$0x2] =	wrdreg s3  }
0xa9: {  	[dreg:$0x3] =	wrdreg s5  }
0xaa: {  	[dreg:$0x4] =	wrdreg $0xC0  }
0xab: {  	_ =	task [dreg:s7], $0x5FFFF  }
0xac: {  	[dreg:$0x1] =	wrdreg $0xFFFFFFFF  }
0xad: {  	[dreg:$0x0] =	wrdreg $0x60  }
0xae: {  	[dreg:$0x2] =	wrdreg s2  }
0xaf: {  	[dreg:$0x3] =	wrdreg s24  }
0xb0: {  	[dreg:$0x4] =	wrdreg $0xA8000  }
0xb1: {  	[dreg:$0x5] =	wrdreg $0x9  }
0xb2: {  	_ =	task.clear_ibuf [dreg:s7], $0x6FFFF;
	_ =	strace $0x9000004C  }
0xb3: {  	s29 =	simm.s32 $0x9;
	_ =	strace $0x8000004E  }
0xb4: {  	_ =	swait.ge [sflag:s29], $0x1  }
0xb5: {  	[sflag:s29] =	ssyncadd.s32 $0xFFFFFFFF  }
0xb6: {  	_ =	strace $0x9000004E  }
0xb7: {  	_ =	sfence  }
0xb8: {  	s30 =	sld [smem:$0x0];
	_ =	sdelay $0x2  }
0xb9: {  	s31 =	sshll.u32 s1, $0xD;
	s1 =	sshrl.u32 s1, $0x2  }
0xba: {  	s3 =	sand.u32 $0x4000, s31;
	s1 =	sadd.s32 s1, s30  }
0xbb: {  	s0 =	sor.u32 s3, s0;
	s1 =	sshll.u32 s1, $0x11  }
0xbc: {  	s0 =	sor.u32 s1, s0  }
0xbd: {  	s0 =	sadd.s32 $0x8F2B, s0  }
0xbe: {  	[sflag:s0] =	ssyncadd.remote.s32 $0x1  }
0xbf: {  	_ =	sfence.sel $0xFFFF  }
0xc0: {  	[dreg:$0x0] =	wrdreg $0xFFFFFFFF;
	(pc) =	sbr.abs _section_cstart, $3  }
0xc1: {  	[dreg:$0x1] =	wrdreg $0xFFFFFFFF  }
0xc2: {  	_ =	task.clear_ibuf [dreg:s7], $0x2FFFF;
	_ =	strace $0x9FFFFFFF  }
0xc3: {  	(tm) =	ssettm $0x7FFFFFFF  }
tec
execute0_lowered:
.L_overlay_start_1:
0x0: {  	(tag) =	ssettag $0x1  }
0x1: {  	s1 =	srdreg.scid  }
0x2: {  	s1 =	sand.u32 $0x1, s1  }
0x3: {  	p0 =	seq.s32 s1, $0x1  }
.Ltmp0:
0x4: {  	s4 =	rddreg [dreg:$0x0];
	(pc) =	sbr.rel @p0 .LBB2_12-.Ltmp0, $4  }
0x5: {  	s3 =	rddreg [dreg:$0x1]  }
0x6: {  	s2 =	rddreg [dreg:$0x2];
	s12 =	simm.s32 $0x0  }
0x7: {  	[smem:$0x7FF] =	sst s12  }
0x8: {  	s0 =	rddreg [dreg:$0x3];
	_ =	strace $0x8000004D;
	s1 =	stileid.u32  }
0x9: {  	s5 =	smul.u32 $0x2800, s1  }
0xa: {  	s6 =	smul.u32 $0x50000, s1  }
0xb: {  	s7 =	sadd.s32 $0x2A00, s3;
	s8 =	smul.u32 $0x5000, s1  }
0xc: {  	s13 =	sadd.s32 $0xCA00, s3;
	s9 =	smul.u32 $0xA00, s1;
	s31 =	sand.u32 $0xFE00, s12  }
0xd: {  	s20 =	sand.u32 $0x70, s12;
	s21 =	sshrl.u32 s31, $0x2;
	s6 =	sshrl.u32 s6, $0x2  }
0xe: {  	s5 =	sadd.s32 s5, s3;
	s29 =	sshrl.u32 s8, $0x3;
	s15 =	sadd.s32 s7, s9  }
0xf: {  	s14 =	sadd.s32 s13, s9;
	s20 =	sor.u32 s20, s21;
	s3 =	sadd.s32 s6, s2  }
0x10: {  	s8 =	sadd.s32 $0x280, s29;
	s30 =	sadd.s32 $0x500, s29;
	s6 =	sadd.s32 $0x780, s29  }
0x11: {  	s5 =	sadd.s32 $0x16A00, s5;
	s11 =	sadd.s32 s7, s8;
	s10 =	sadd.s32 s13, s8  }
0x12: {  	s9 =	sadd.s32 s7, s30;
	s8 =	sadd.s32 s13, s30;
	s7 =	sadd.s32 s7, s6  }
0x13: {  	s6 =	sadd.s32 s13, s6;
	s19 =	sadd.s32 $0x4000, s3;
	s18 =	sadd.s32 $0x8000, s3  }
0x14: {  	v0 =	vimm.f32 $0.0e+00;
	s17 =	sadd.s32 $0xC000, s3;
	s16 =	sadd.s32 $0x10000, s3;
	s13 =	simm.s32 $0x40  }
.LBB2_2:
0x15: {  	p0 =	sne.s32 s13, $0xFFC0  }
0x16: {  	[tilespmem:s20+$0x2800] =	vst v0;
	s12 =	sadd.s32 $0x10, s12;
	s20 =	smov.u32 s13;
	s13 =	sadd.s32 $0x40, s13  }
.Ltmp1:
0x17: {  	(pc) =	sbr.rel @p0 .LBB2_2-.Ltmp1, $4  }
0x18: {  	_ = 	snop  }
0x19: {  	s20 =	sand.u32 $0xFE00, s20  }
0x1a: {  	s21 =	sand.u32 $0x70, s12;
	s20 =	sshrl.u32 s20, $0x2  }
0x1b: {  	s20 =	sor.u32 s21, s20  }
0x1c: {  	[tilespmem:s20+$0x2800] =	vst v0;
	s13 =	simm.s32 $0x2800;
	s12 =	simm.s32 $0x2  }
0x1d: {  	[spmem:s3] =	stream.linear.scatter [tilespmem:s13], [sflag:$0x2], $0x4000, $0x38;
	[tilespmem:$0x1E800] =	vst v63  }
0x1e: {  	_ =	swait.ge [sflag:s12], $0x4000  }
0x1f: {  	[sflag:s12] =	ssyncset.done $0x0  }
0x20: {  	[sflag:s12] =	ssyncadd.s32 $0xFFFFC000  }
0x21: {  	[spmem:s19] =	stream.linear.scatter [tilespmem:s13], [sflag:$0x2], $0x4000, $0x38;
	[tilespmem:$0x1E800] =	vst v63  }
0x22: {  	_ =	swait.ge [sflag:s12], $0x4000  }
0x23: {  	[sflag:s12] =	ssyncset.done $0x0  }
0x24: {  	[sflag:s12] =	ssyncadd.s32 $0xFFFFC000  }
0x25: {  	[spmem:s18] =	stream.linear.scatter [tilespmem:s13], [sflag:$0x2], $0x4000, $0x38;
	[tilespmem:$0x1E800] =	vst v63  }
0x26: {  	_ =	swait.ge [sflag:s12], $0x4000  }
0x27: {  	[sflag:s12] =	ssyncset.done $0x0  }
0x28: {  	[sflag:s12] =	ssyncadd.s32 $0xFFFFC000  }
0x29: {  	[spmem:s17] =	stream.linear.scatter [tilespmem:s13], [sflag:$0x2], $0x4000, $0x38;
	[tilespmem:$0x1E800] =	vst v63  }
0x2a: {  	_ =	swait.ge [sflag:s12], $0x4000  }
0x2b: {  	[sflag:s12] =	ssyncset.done $0x0  }
0x2c: {  	[sflag:s12] =	ssyncadd.s32 $0xFFFFC000  }
0x2d: {  	[spmem:s16] =	stream.linear.scatter [tilespmem:s13], [sflag:$0x2], $0x4000, $0x38;
	[tilespmem:$0x1E800] =	vst v63  }
0x2e: {  	_ =	swait.ge [sflag:s12], $0x4000  }
0x2f: {  	[sflag:s12] =	ssyncset.done $0x0  }
0x30: {  	[sflag:s12] =	ssyncadd.s32 $0xFFFFC000  }
0x31: {  	s25 =	simm.s32 $0x0;
	[bflag:$0x0] =	sbarrier.arrive $0xFFFF  }
0x32: {  	[tilespmem:s25], [sflag:$0x2] =	stream.linear.gather [hbm4b:s15+s25], $0x1400, $0x38;
	[tilespmem:$0x1E800] =	vst v63  }
0x33: {  	_ =	swait.ge [sflag:s12], $0x1400  }
0x34: {  	[sflag:s12] =	ssyncset.done $0x0  }
0x35: {  	s26 =	simm.s32 $0x1400;
	[sflag:s12] =	ssyncadd.s32 $0xFFFFEC00  }
0x36: {  	[tilespmem:s26], [sflag:$0x2] =	stream.linear.gather [hbm4b:s14+s25], $0x1400, $0x38;
	[tilespmem:$0x1E800] =	vst v63  }
0x37: {  	_ =	swait.ge [sflag:s12], $0x1400  }
0x38: {  	[sflag:s12] =	ssyncset.done $0x0  }
0x39: {  	s14 =	simm.s32 $0x80;
	[sflag:s12] =	ssyncadd.s32 $0xFFFFEC00  }
0x3a: {  	[tilespmem:s13], [sflag:$0x1] =	stream.indirect.gather [hbm4b:s4+s14], $0x80, s25, s14, $0xb8;
	[tilespmem:$0x1E800] =	vst v63  }
0x3b: {  	s28 =	simm.s32 $0x80;
	s16 =	simm.s32 $0x1;
	s15 =	simm.s32 $0x6800  }
0x3c: {  	[tilespmem:s15], [sflag:$0x1] =	stream.indirect.gather [hbm4b:s4+s14], $0x80, s28, s14, $0xb8;
	[tilespmem:$0x1E800] =	vst v63  }
0x3d: {  	_ =	swait.ge [sflag:s16], $0x4000  }
0x3e: {  	[sflag:s16] =	ssyncset.done $0x0  }
0x3f: {  	s29 =	simm.s32 $0x1400;
	[sflag:s16] =	ssyncadd.s32 $0xFFFFC000  }
0x40: {  	[spmem:s2] =	stream.indirect.scatter.add.f32 [tilespmem:s13], [sflag:$0x2], $0x80, s29, s14, $0xb8;
	[tilespmem:$0x1E800] =	vst v63  }
0x41: {  	_ =	swait.ge [sflag:s12], $0x4000  }
0x42: {  	[sflag:s12] =	ssyncset.done $0x0  }
0x43: {  	s30 =	simm.s32 $0x100;
	[sflag:s12] =	ssyncadd.s32 $0xFFFFC000  }
0x44: {  	[tilespmem:s13], [sflag:$0x1] =	stream.indirect.gather [hbm4b:s4+s14], $0x80, s30, s14, $0xb8;
	[tilespmem:$0x1E800] =	vst v63  }
0x45: {  	_ =	swait.ge [sflag:s16], $0x4000  }
0x46: {  	[sflag:s16] =	ssyncset.done $0x0  }
0x47: {  	s31 =	simm.s32 $0x1480;
	[sflag:s16] =	ssyncadd.s32 $0xFFFFC000  }
0x48: {  	[spmem:s2] =	stream.indirect.scatter.add.f32 [tilespmem:s15], [sflag:$0x2], $0x80, s31, s14, $0xb8;
	[tilespmem:$0x1E800] =	vst v63  }
0x49: {  	_ =	swait.ge [sflag:s12], $0x4000  }
0x4a: {  	s18 =	simm.s32 $0x800;
	s17 =	simm.s32 $0x100;
	[sflag:s12] =	ssyncset.done $0x0  }
.LBB2_4:
0x4b: {  	s19 =	sadd.s32 $0x80, s17  }
0x4c: {  	[sflag:s12] =	ssyncadd.s32 $0xFFFFC000;
	s20 =	smov.u32 s18;
	s21 =	sadd.s32 $0x400, s18  }
0x4d: {  	[tilespmem:s15], [sflag:$0x1] =	stream.indirect.gather [hbm4b:s4+s14], $0x80, s19, s14, $0xb8;
	[tilespmem:$0x1E800] =	vst v63  }
0x4e: {  	p0 =	sne.s32 s18, $0x4800;
	_ =	swait.ge [sflag:s16], $0x4000  }
0x4f: {  	[sflag:s16] =	ssyncset.done $0x0  }
0x50: {  	s18 =	sadd.s32 $0x1400, s17;
	[sflag:s16] =	ssyncadd.s32 $0xFFFFC000  }
0x51: {  	[spmem:s2] =	stream.indirect.scatter.add.f32 [tilespmem:s13], [sflag:$0x2], $0x80, s18, s14, $0xb8;
	[tilespmem:$0x1E800] =	vst v63  }
0x52: {  	_ =	swait.ge [sflag:s12], $0x4000  }
0x53: {  	[sflag:s12] =	ssyncset.done $0x0  }
0x54: {  	s18 =	sadd.s32 $0x100, s17;
	[sflag:s12] =	ssyncadd.s32 $0xFFFFC000  }
0x55: {  	[tilespmem:s13], [sflag:$0x1] =	stream.indirect.gather [hbm4b:s4+s14], $0x80, s18, s14, $0xb8;
	[tilespmem:$0x1E800] =	vst v63  }
0x56: {  	_ =	swait.ge [sflag:s16], $0x4000  }
.Ltmp2:
0x57: {  	[sflag:s16] =	ssyncset.done $0x0;
	(pc) =	sbr.rel @p0 .LBB2_4-.Ltmp2, $4  }
0x58: {  	s17 =	sadd.s32 $0x1480, s17;
	[sflag:s16] =	ssyncadd.s32 $0xFFFFC000  }
0x59: {  	[spmem:s2] =	stream.indirect.scatter.add.f32 [tilespmem:s15], [sflag:$0x2], $0x80, s17, s14, $0xb8;
	[tilespmem:$0x1E800] =	vst v63  }
0x5a: {  	_ =	swait.ge [sflag:s12], $0x4000  }
0x5b: {  	s18 =	smov.u32 s21;
	s17 =	sshra.s32 s20, $0x2;
	[sflag:s12] =	ssyncset.done $0x0  }
0x5c: {  	s18 =	sadd.s32 $0x80, s17;
	[sflag:s12] =	ssyncadd.s32 $0xFFFFC000  }
0x5d: {  	[tilespmem:s15], [sflag:$0x1] =	stream.indirect.gather [hbm4b:s4+s14], $0x80, s18, s14, $0xb8;
	[tilespmem:$0x1E800] =	vst v63  }
0x5e: {  	_ =	swait.ge [sflag:s16], $0x4000  }
0x5f: {  	[sflag:s16] =	ssyncset.done $0x0  }
0x60: {  	s19 =	sadd.s32 $0x1400, s17;
	[sflag:s16] =	ssyncadd.s32 $0xFFFFC000  }
0x61: {  	[spmem:s2] =	stream.indirect.scatter.add.f32 [tilespmem:s13], [sflag:$0x2], $0x80, s19, s14, $0xb8;
	[tilespmem:$0x1E800] =	vst v63  }
0x62: {  	_ =	swait.ge [sflag:s12], $0x4000  }
0x63: {  	[sflag:s12] =	ssyncset.done $0x0  }
0x64: {  	s20 =	sadd.s32 $0x100, s17;
	[sflag:s12] =	ssyncadd.s32 $0xFFFFC000  }
0x65: {  	[tilespmem:s13], [sflag:$0x1] =	stream.indirect.gather [hbm4b:s4+s14], $0x80, s20, s14, $0xb8;
	[tilespmem:$0x1E800] =	vst v63  }
0x66: {  	_ =	swait.ge [sflag:s16], $0x4000  }
0x67: {  	[sflag:s16] =	ssyncset.done $0x0  }
0x68: {  	s21 =	sadd.s32 $0x1480, s17;
	[sflag:s16] =	ssyncadd.s32 $0xFFFFC000  }
0x69: {  	[spmem:s2] =	stream.indirect.scatter.add.f32 [tilespmem:s15], [sflag:$0x2], $0x80, s21, s14, $0xb8;
	[tilespmem:$0x1E800] =	vst v63  }
0x6a: {  	_ =	swait.ge [sflag:s12], $0x4000  }
0x6b: {  	s22 =	simm.s32 $0x1380;
	s13 =	simm.s32 $0x6800;
	[sflag:s12] =	ssyncset.done $0x0  }
0x6c: {  	s14 =	simm.s32 $0x1;
	[sflag:s12] =	ssyncadd.s32 $0xFFFFC000;
	s12 =	simm.s32 $0x80  }
0x6d: {  	[tilespmem:s13], [sflag:$0x1] =	stream.indirect.gather [hbm4b:s4+s12], $0x80, s22, s12, $0xb8;
	[tilespmem:$0x1E800] =	vst v63  }
0x6e: {  	_ =	swait.ge [sflag:s14], $0x4000  }
0x6f: {  	s23 =	simm.s32 $0x2700;
	[sflag:s14] =	ssyncset.done $0x0  }
0x70: {  	s16 =	simm.s32 $0x2800;
	s15 =	simm.s32 $0x2;
	[sflag:s14] =	ssyncadd.s32 $0xFFFFC000  }
0x71: {  	[spmem:s2] =	stream.indirect.scatter.add.f32 [tilespmem:s16], [sflag:$0x2], $0x80, s23, s12, $0xb8;
	[tilespmem:$0x1E800] =	vst v63  }
0x72: {  	_ =	swait.ge [sflag:s15], $0x4000  }
0x73: {  	[sflag:s15] =	ssyncset.done $0x0  }
0x74: {  	[sflag:s15] =	ssyncadd.s32 $0xFFFFC000  }
0x75: {  	_ =	swait.ge [sflag:s14], $0x4000  }
0x76: {  	[sflag:s14] =	ssyncset.done $0x0  }
0x77: {  	s24 =	simm.s32 $0x2780;
	[sflag:s14] =	ssyncadd.s32 $0xFFFFC000  }
0x78: {  	[spmem:s2] =	stream.indirect.scatter.add.f32 [tilespmem:s13], [sflag:$0x2], $0x80, s24, s12, $0xb8;
	[tilespmem:$0x1E800] =	vst v63  }
0x79: {  	_ =	swait.ge [sflag:s15], $0x4000  }
0x7a: {  	[sflag:s15] =	ssyncset.done $0x0  }
0x7b: {  	s25 =	simm.s32 $0x0;
	[sflag:s15] =	ssyncadd.s32 $0xFFFFC000  }
0x7c: {  	[tilespmem:s25], [sflag:$0x2] =	stream.linear.gather [hbm4b:s11+s25], $0x1400, $0x38;
	[tilespmem:$0x1E800] =	vst v63  }
0x7d: {  	_ =	swait.ge [sflag:s15], $0x1400  }
0x7e: {  	[sflag:s15] =	ssyncset.done $0x0  }
0x7f: {  	s26 =	simm.s32 $0x1400;
	[sflag:s15] =	ssyncadd.s32 $0xFFFFEC00  }
0x80: {  	[tilespmem:s26], [sflag:$0x2] =	stream.linear.gather [hbm4b:s10+s25], $0x1400, $0x38;
	[tilespmem:$0x1E800] =	vst v63  }
0x81: {  	_ =	swait.ge [sflag:s15], $0x1400  }
0x82: {  	[sflag:s15] =	ssyncset.done $0x0  }
0x83: {  	[sflag:s15] =	ssyncadd.s32 $0xFFFFEC00  }
0x84: {  	[tilespmem:s16], [sflag:$0x1] =	stream.indirect.gather [hbm4b:s4+s12], $0x80, s25, s12, $0xb8;
	[tilespmem:$0x1E800] =	vst v63  }
0x85: {  	s28 =	simm.s32 $0x80  }
0x86: {  	[tilespmem:s13], [sflag:$0x1] =	stream.indirect.gather [hbm4b:s4+s12], $0x80, s28, s12, $0xb8;
	[tilespmem:$0x1E800] =	vst v63  }
0x87: {  	_ =	swait.ge [sflag:s14], $0x4000  }
0x88: {  	[sflag:s14] =	ssyncset.done $0x0  }
0x89: {  	s29 =	simm.s32 $0x1400;
	[sflag:s14] =	ssyncadd.s32 $0xFFFFC000  }
0x8a: {  	[spmem:s2] =	stream.indirect.scatter.add.f32 [tilespmem:s16], [sflag:$0x2], $0x80, s29, s12, $0xb8;
	[tilespmem:$0x1E800] =	vst v63  }
0x8b: {  	_ =	swait.ge [sflag:s15], $0x4000  }
0x8c: {  	[sflag:s15] =	ssyncset.done $0x0  }
0x8d: {  	s30 =	simm.s32 $0x100;
	[sflag:s15] =	ssyncadd.s32 $0xFFFFC000  }
0x8e: {  	[tilespmem:s16], [sflag:$0x1] =	stream.indirect.gather [hbm4b:s4+s12], $0x80, s30, s12, $0xb8;
	[tilespmem:$0x1E800] =	vst v63  }
0x8f: {  	_ =	swait.ge [sflag:s14], $0x4000  }
0x90: {  	[sflag:s14] =	ssyncset.done $0x0  }
0x91: {  	s31 =	simm.s32 $0x1480;
	[sflag:s14] =	ssyncadd.s32 $0xFFFFC000  }
0x92: {  	[spmem:s2] =	stream.indirect.scatter.add.f32 [tilespmem:s13], [sflag:$0x2], $0x80, s31, s12, $0xb8;
	[tilespmem:$0x1E800] =	vst v63  }
0x93: {  	_ =	swait.ge [sflag:s15], $0x4000  }
0x94: {  	s11 =	simm.s32 $0x800;
	s10 =	simm.s32 $0x100;
	[sflag:s15] =	ssyncset.done $0x0  }
.LBB2_6:
0x95: {  	s17 =	sadd.s32 $0x80, s10  }
0x96: {  	[sflag:s15] =	ssyncadd.s32 $0xFFFFC000;
	s18 =	smov.u32 s11;
	s19 =	sadd.s32 $0x400, s11  }
0x97: {  	[tilespmem:s13], [sflag:$0x1] =	stream.indirect.gather [hbm4b:s4+s12], $0x80, s17, s12, $0xb8;
	[tilespmem:$0x1E800] =	vst v63  }
0x98: {  	p0 =	sne.s32 s11, $0x4800;
	_ =	swait.ge [sflag:s14], $0x4000  }
0x99: {  	[sflag:s14] =	ssyncset.done $0x0  }
0x9a: {  	s11 =	sadd.s32 $0x1400, s10;
	[sflag:s14] =	ssyncadd.s32 $0xFFFFC000  }
0x9b: {  	[spmem:s2] =	stream.indirect.scatter.add.f32 [tilespmem:s16], [sflag:$0x2], $0x80, s11, s12, $0xb8;
	[tilespmem:$0x1E800] =	vst v63  }
0x9c: {  	_ =	swait.ge [sflag:s15], $0x4000  }
0x9d: {  	[sflag:s15] =	ssyncset.done $0x0  }
0x9e: {  	s11 =	sadd.s32 $0x100, s10;
	[sflag:s15] =	ssyncadd.s32 $0xFFFFC000  }
0x9f: {  	[tilespmem:s16], [sflag:$0x1] =	stream.indirect.gather [hbm4b:s4+s12], $0x80, s11, s12, $0xb8;
	[tilespmem:$0x1E800] =	vst v63  }
0xa0: {  	_ =	swait.ge [sflag:s14], $0x4000  }
.Ltmp3:
0xa1: {  	[sflag:s14] =	ssyncset.done $0x0;
	(pc) =	sbr.rel @p0 .LBB2_6-.Ltmp3, $4  }
0xa2: {  	s10 =	sadd.s32 $0x1480, s10;
	[sflag:s14] =	ssyncadd.s32 $0xFFFFC000  }
0xa3: {  	[spmem:s2] =	stream.indirect.scatter.add.f32 [tilespmem:s13], [sflag:$0x2], $0x80, s10, s12, $0xb8;
	[tilespmem:$0x1E800] =	vst v63  }
0xa4: {  	_ =	swait.ge [sflag:s15], $0x4000  }
0xa5: {  	s11 =	smov.u32 s19;
	s10 =	sshra.s32 s18, $0x2;
	[sflag:s15] =	ssyncset.done $0x0  }
0xa6: {  	s11 =	sadd.s32 $0x80, s10;
	[sflag:s15] =	ssyncadd.s32 $0xFFFFC000  }
0xa7: {  	[tilespmem:s13], [sflag:$0x1] =	stream.indirect.gather [hbm4b:s4+s12], $0x80, s11, s12, $0xb8;
	[tilespmem:$0x1E800] =	vst v63  }
0xa8: {  	_ =	swait.ge [sflag:s14], $0x4000  }
0xa9: {  	[sflag:s14] =	ssyncset.done $0x0  }
0xaa: {  	s19 =	sadd.s32 $0x1400, s10;
	[sflag:s14] =	ssyncadd.s32 $0xFFFFC000  }
0xab: {  	[spmem:s2] =	stream.indirect.scatter.add.f32 [tilespmem:s16], [sflag:$0x2], $0x80, s19, s12, $0xb8;
	[tilespmem:$0x1E800] =	vst v63  }
0xac: {  	_ =	swait.ge [sflag:s15], $0x4000  }
0xad: {  	[sflag:s15] =	ssyncset.done $0x0  }
0xae: {  	s20 =	sadd.s32 $0x100, s10;
	[sflag:s15] =	ssyncadd.s32 $0xFFFFC000  }
0xaf: {  	[tilespmem:s16], [sflag:$0x1] =	stream.indirect.gather [hbm4b:s4+s12], $0x80, s20, s12, $0xb8;
	[tilespmem:$0x1E800] =	vst v63  }
0xb0: {  	_ =	swait.ge [sflag:s14], $0x4000  }
0xb1: {  	[sflag:s14] =	ssyncset.done $0x0  }
0xb2: {  	s21 =	sadd.s32 $0x1480, s10;
	[sflag:s14] =	ssyncadd.s32 $0xFFFFC000  }
0xb3: {  	[spmem:s2] =	stream.indirect.scatter.add.f32 [tilespmem:s13], [sflag:$0x2], $0x80, s21, s12, $0xb8;
	[tilespmem:$0x1E800] =	vst v63  }
0xb4: {  	_ =	swait.ge [sflag:s15], $0x4000  }
0xb5: {  	s10 =	simm.s32 $0x80;
	s22 =	simm.s32 $0x1380;
	[sflag:s15] =	ssyncset.done $0x0  }
0xb6: {  	s11 =	simm.s32 $0x6800;
	s12 =	simm.s32 $0x1;
	[sflag:s15] =	ssyncadd.s32 $0xFFFFC000  }
0xb7: {  	[tilespmem:s11], [sflag:$0x1] =	stream.indirect.gather [hbm4b:s4+s10], $0x80, s22, s10, $0xb8;
	[tilespmem:$0x1E800] =	vst v63  }
0xb8: {  	_ =	swait.ge [sflag:s12], $0x4000  }
0xb9: {  	s23 =	simm.s32 $0x2700;
	[sflag:s12] =	ssyncset.done $0x0  }
0xba: {  	s14 =	simm.s32 $0x2800;
	s13 =	simm.s32 $0x2;
	[sflag:s12] =	ssyncadd.s32 $0xFFFFC000  }
0xbb: {  	[spmem:s2] =	stream.indirect.scatter.add.f32 [tilespmem:s14], [sflag:$0x2], $0x80, s23, s10, $0xb8;
	[tilespmem:$0x1E800] =	vst v63  }
0xbc: {  	_ =	swait.ge [sflag:s13], $0x4000  }
0xbd: {  	[sflag:s13] =	ssyncset.done $0x0  }
0xbe: {  	[sflag:s13] =	ssyncadd.s32 $0xFFFFC000  }
0xbf: {  	_ =	swait.ge [sflag:s12], $0x4000  }
0xc0: {  	[sflag:s12] =	ssyncset.done $0x0  }
0xc1: {  	s24 =	simm.s32 $0x2780;
	[sflag:s12] =	ssyncadd.s32 $0xFFFFC000  }
0xc2: {  	[spmem:s2] =	stream.indirect.scatter.add.f32 [tilespmem:s11], [sflag:$0x2], $0x80, s24, s10, $0xb8;
	[tilespmem:$0x1E800] =	vst v63  }
0xc3: {  	_ =	swait.ge [sflag:s13], $0x4000  }
0xc4: {  	[sflag:s13] =	ssyncset.done $0x0  }
0xc5: {  	s25 =	simm.s32 $0x0;
	[sflag:s13] =	ssyncadd.s32 $0xFFFFC000  }
0xc6: {  	[tilespmem:s25], [sflag:$0x2] =	stream.linear.gather [hbm4b:s9+s25], $0x1400, $0x38;
	[tilespmem:$0x1E800] =	vst v63  }
0xc7: {  	_ =	swait.ge [sflag:s13], $0x1400  }
0xc8: {  	[sflag:s13] =	ssyncset.done $0x0  }
0xc9: {  	s26 =	simm.s32 $0x1400;
	[sflag:s13] =	ssyncadd.s32 $0xFFFFEC00  }
0xca: {  	[tilespmem:s26], [sflag:$0x2] =	stream.linear.gather [hbm4b:s8+s25], $0x1400, $0x38;
	[tilespmem:$0x1E800] =	vst v63  }
0xcb: {  	_ =	swait.ge [sflag:s13], $0x1400  }
0xcc: {  	[sflag:s13] =	ssyncset.done $0x0  }
0xcd: {  	[sflag:s13] =	ssyncadd.s32 $0xFFFFEC00  }
0xce: {  	[tilespmem:s14], [sflag:$0x1] =	stream.indirect.gather [hbm4b:s4+s10], $0x80, s25, s10, $0xb8;
	[tilespmem:$0x1E800] =	vst v63  }
0xcf: {  	s28 =	simm.s32 $0x80  }
0xd0: {  	[tilespmem:s11], [sflag:$0x1] =	stream.indirect.gather [hbm4b:s4+s10], $0x80, s28, s10, $0xb8;
	[tilespmem:$0x1E800] =	vst v63  }
0xd1: {  	_ =	swait.ge [sflag:s12], $0x4000  }
0xd2: {  	[sflag:s12] =	ssyncset.done $0x0  }
0xd3: {  	s29 =	simm.s32 $0x1400;
	[sflag:s12] =	ssyncadd.s32 $0xFFFFC000  }
0xd4: {  	[spmem:s2] =	stream.indirect.scatter.add.f32 [tilespmem:s14], [sflag:$0x2], $0x80, s29, s10, $0xb8;
	[tilespmem:$0x1E800] =	vst v63  }
0xd5: {  	_ =	swait.ge [sflag:s13], $0x4000  }
0xd6: {  	[sflag:s13] =	ssyncset.done $0x0  }
0xd7: {  	s30 =	simm.s32 $0x100;
	[sflag:s13] =	ssyncadd.s32 $0xFFFFC000  }
0xd8: {  	[tilespmem:s14], [sflag:$0x1] =	stream.indirect.gather [hbm4b:s4+s10], $0x80, s30, s10, $0xb8;
	[tilespmem:$0x1E800] =	vst v63  }
0xd9: {  	_ =	swait.ge [sflag:s12], $0x4000  }
0xda: {  	[sflag:s12] =	ssyncset.done $0x0  }
0xdb: {  	s31 =	simm.s32 $0x1480;
	[sflag:s12] =	ssyncadd.s32 $0xFFFFC000  }
0xdc: {  	[spmem:s2] =	stream.indirect.scatter.add.f32 [tilespmem:s11], [sflag:$0x2], $0x80, s31, s10, $0xb8;
	[tilespmem:$0x1E800] =	vst v63  }
0xdd: {  	_ =	swait.ge [sflag:s13], $0x4000  }
0xde: {  	s9 =	simm.s32 $0x800;
	s8 =	simm.s32 $0x100;
	[sflag:s13] =	ssyncset.done $0x0  }
.LBB2_8:
0xdf: {  	s15 =	sadd.s32 $0x80, s8  }
0xe0: {  	[sflag:s13] =	ssyncadd.s32 $0xFFFFC000;
	s16 =	smov.u32 s9;
	s17 =	sadd.s32 $0x400, s9  }
0xe1: {  	[tilespmem:s11], [sflag:$0x1] =	stream.indirect.gather [hbm4b:s4+s10], $0x80, s15, s10, $0xb8;
	[tilespmem:$0x1E800] =	vst v63  }
0xe2: {  	p0 =	sne.s32 s9, $0x4800;
	_ =	swait.ge [sflag:s12], $0x4000  }
0xe3: {  	[sflag:s12] =	ssyncset.done $0x0  }
0xe4: {  	s9 =	sadd.s32 $0x1400, s8;
	[sflag:s12] =	ssyncadd.s32 $0xFFFFC000  }
0xe5: {  	[spmem:s2] =	stream.indirect.scatter.add.f32 [tilespmem:s14], [sflag:$0x2], $0x80, s9, s10, $0xb8;
	[tilespmem:$0x1E800] =	vst v63  }
0xe6: {  	_ =	swait.ge [sflag:s13], $0x4000  }
0xe7: {  	[sflag:s13] =	ssyncset.done $0x0  }
0xe8: {  	s9 =	sadd.s32 $0x100, s8;
	[sflag:s13] =	ssyncadd.s32 $0xFFFFC000  }
0xe9: {  	[tilespmem:s14], [sflag:$0x1] =	stream.indirect.gather [hbm4b:s4+s10], $0x80, s9, s10, $0xb8;
	[tilespmem:$0x1E800] =	vst v63  }
0xea: {  	_ =	swait.ge [sflag:s12], $0x4000  }
.Ltmp4:
0xeb: {  	[sflag:s12] =	ssyncset.done $0x0;
	(pc) =	sbr.rel @p0 .LBB2_8-.Ltmp4, $4  }
0xec: {  	s8 =	sadd.s32 $0x1480, s8;
	[sflag:s12] =	ssyncadd.s32 $0xFFFFC000  }
0xed: {  	[spmem:s2] =	stream.indirect.scatter.add.f32 [tilespmem:s11], [sflag:$0x2], $0x80, s8, s10, $0xb8;
	[tilespmem:$0x1E800] =	vst v63  }
0xee: {  	_ =	swait.ge [sflag:s13], $0x4000  }
0xef: {  	s9 =	smov.u32 s17;
	s8 =	sshra.s32 s16, $0x2;
	[sflag:s13] =	ssyncset.done $0x0  }
0xf0: {  	s9 =	sadd.s32 $0x80, s8;
	[sflag:s13] =	ssyncadd.s32 $0xFFFFC000  }
0xf1: {  	[tilespmem:s11], [sflag:$0x1] =	stream.indirect.gather [hbm4b:s4+s10], $0x80, s9, s10, $0xb8;
	[tilespmem:$0x1E800] =	vst v63  }
0xf2: {  	_ =	swait.ge [sflag:s12], $0x4000  }
0xf3: {  	[sflag:s12] =	ssyncset.done $0x0  }
0xf4: {  	s19 =	sadd.s32 $0x1400, s8;
	[sflag:s12] =	ssyncadd.s32 $0xFFFFC000  }
0xf5: {  	[spmem:s2] =	stream.indirect.scatter.add.f32 [tilespmem:s14], [sflag:$0x2], $0x80, s19, s10, $0xb8;
	[tilespmem:$0x1E800] =	vst v63  }
0xf6: {  	_ =	swait.ge [sflag:s13], $0x4000  }
0xf7: {  	[sflag:s13] =	ssyncset.done $0x0  }
0xf8: {  	s20 =	sadd.s32 $0x100, s8;
	[sflag:s13] =	ssyncadd.s32 $0xFFFFC000  }
0xf9: {  	[tilespmem:s14], [sflag:$0x1] =	stream.indirect.gather [hbm4b:s4+s10], $0x80, s20, s10, $0xb8;
	[tilespmem:$0x1E800] =	vst v63  }
0xfa: {  	_ =	swait.ge [sflag:s12], $0x4000  }
0xfb: {  	[sflag:s12] =	ssyncset.done $0x0  }
0xfc: {  	s21 =	sadd.s32 $0x1480, s8;
	[sflag:s12] =	ssyncadd.s32 $0xFFFFC000  }
0xfd: {  	[spmem:s2] =	stream.indirect.scatter.add.f32 [tilespmem:s11], [sflag:$0x2], $0x80, s21, s10, $0xb8;
	[tilespmem:$0x1E800] =	vst v63  }
0xfe: {  	_ =	swait.ge [sflag:s13], $0x4000  }
0xff: {  	s8 =	simm.s32 $0x80;
	s22 =	simm.s32 $0x1380;
	[sflag:s13] =	ssyncset.done $0x0  }
0x100: {  	s9 =	simm.s32 $0x6800;
	s10 =	simm.s32 $0x1;
	[sflag:s13] =	ssyncadd.s32 $0xFFFFC000  }
0x101: {  	[tilespmem:s9], [sflag:$0x1] =	stream.indirect.gather [hbm4b:s4+s8], $0x80, s22, s8, $0xb8;
	[tilespmem:$0x1E800] =	vst v63  }
0x102: {  	_ =	swait.ge [sflag:s10], $0x4000  }
0x103: {  	s23 =	simm.s32 $0x2700;
	[sflag:s10] =	ssyncset.done $0x0  }
0x104: {  	s12 =	simm.s32 $0x2800;
	s11 =	simm.s32 $0x2;
	[sflag:s10] =	ssyncadd.s32 $0xFFFFC000  }
0x105: {  	[spmem:s2] =	stream.indirect.scatter.add.f32 [tilespmem:s12], [sflag:$0x2], $0x80, s23, s8, $0xb8;
	[tilespmem:$0x1E800] =	vst v63  }
0x106: {  	_ =	swait.ge [sflag:s11], $0x4000  }
0x107: {  	[sflag:s11] =	ssyncset.done $0x0  }
0x108: {  	[sflag:s11] =	ssyncadd.s32 $0xFFFFC000  }
0x109: {  	_ =	swait.ge [sflag:s10], $0x4000  }
0x10a: {  	[sflag:s10] =	ssyncset.done $0x0  }
0x10b: {  	s24 =	simm.s32 $0x2780;
	[sflag:s10] =	ssyncadd.s32 $0xFFFFC000  }
0x10c: {  	[spmem:s2] =	stream.indirect.scatter.add.f32 [tilespmem:s9], [sflag:$0x2], $0x80, s24, s8, $0xb8;
	[tilespmem:$0x1E800] =	vst v63  }
0x10d: {  	_ =	swait.ge [sflag:s11], $0x4000  }
0x10e: {  	[sflag:s11] =	ssyncset.done $0x0  }
0x10f: {  	s25 =	simm.s32 $0x0;
	[sflag:s11] =	ssyncadd.s32 $0xFFFFC000  }
0x110: {  	[tilespmem:s25], [sflag:$0x2] =	stream.linear.gather [hbm4b:s7+s25], $0x1400, $0x38;
	[tilespmem:$0x1E800] =	vst v63  }
0x111: {  	_ =	swait.ge [sflag:s11], $0x1400  }
0x112: {  	[sflag:s11] =	ssyncset.done $0x0  }
0x113: {  	s26 =	simm.s32 $0x1400;
	[sflag:s11] =	ssyncadd.s32 $0xFFFFEC00  }
0x114: {  	[tilespmem:s26], [sflag:$0x2] =	stream.linear.gather [hbm4b:s6+s25], $0x1400, $0x38;
	[tilespmem:$0x1E800] =	vst v63  }
0x115: {  	_ =	swait.ge [sflag:s11], $0x1400  }
0x116: {  	[sflag:s11] =	ssyncset.done $0x0  }
0x117: {  	[sflag:s11] =	ssyncadd.s32 $0xFFFFEC00  }
0x118: {  	[tilespmem:s12], [sflag:$0x1] =	stream.indirect.gather [hbm4b:s4+s8], $0x80, s25, s8, $0xb8;
	[tilespmem:$0x1E800] =	vst v63  }
0x119: {  	s28 =	simm.s32 $0x80  }
0x11a: {  	[tilespmem:s9], [sflag:$0x1] =	stream.indirect.gather [hbm4b:s4+s8], $0x80, s28, s8, $0xb8;
	[tilespmem:$0x1E800] =	vst v63  }
0x11b: {  	_ =	swait.ge [sflag:s10], $0x4000  }
0x11c: {  	[sflag:s10] =	ssyncset.done $0x0  }
0x11d: {  	s29 =	simm.s32 $0x1400;
	[sflag:s10] =	ssyncadd.s32 $0xFFFFC000  }
0x11e: {  	[spmem:s2] =	stream.indirect.scatter.add.f32 [tilespmem:s12], [sflag:$0x2], $0x80, s29, s8, $0xb8;
	[tilespmem:$0x1E800] =	vst v63  }
0x11f: {  	_ =	swait.ge [sflag:s11], $0x4000  }
0x120: {  	[sflag:s11] =	ssyncset.done $0x0  }
0x121: {  	s30 =	simm.s32 $0x100;
	[sflag:s11] =	ssyncadd.s32 $0xFFFFC000  }
0x122: {  	[tilespmem:s12], [sflag:$0x1] =	stream.indirect.gather [hbm4b:s4+s8], $0x80, s30, s8, $0xb8;
	[tilespmem:$0x1E800] =	vst v63  }
0x123: {  	_ =	swait.ge [sflag:s10], $0x4000  }
0x124: {  	[sflag:s10] =	ssyncset.done $0x0  }
0x125: {  	s31 =	simm.s32 $0x1480;
	[sflag:s10] =	ssyncadd.s32 $0xFFFFC000  }
0x126: {  	[spmem:s2] =	stream.indirect.scatter.add.f32 [tilespmem:s9], [sflag:$0x2], $0x80, s31, s8, $0xb8;
	[tilespmem:$0x1E800] =	vst v63  }
0x127: {  	_ =	swait.ge [sflag:s11], $0x4000  }
0x128: {  	s7 =	simm.s32 $0x800;
	s6 =	simm.s32 $0x100;
	[sflag:s11] =	ssyncset.done $0x0  }
.LBB2_10:
0x129: {  	s13 =	sadd.s32 $0x80, s6  }
0x12a: {  	[sflag:s11] =	ssyncadd.s32 $0xFFFFC000;
	s14 =	smov.u32 s7;
	s15 =	sadd.s32 $0x400, s7  }
0x12b: {  	[tilespmem:s9], [sflag:$0x1] =	stream.indirect.gather [hbm4b:s4+s8], $0x80, s13, s8, $0xb8;
	[tilespmem:$0x1E800] =	vst v63  }
0x12c: {  	p0 =	sne.s32 s7, $0x4800;
	_ =	swait.ge [sflag:s10], $0x4000  }
0x12d: {  	[sflag:s10] =	ssyncset.done $0x0  }
0x12e: {  	s7 =	sadd.s32 $0x1400, s6;
	[sflag:s10] =	ssyncadd.s32 $0xFFFFC000  }
0x12f: {  	[spmem:s2] =	stream.indirect.scatter.add.f32 [tilespmem:s12], [sflag:$0x2], $0x80, s7, s8, $0xb8;
	[tilespmem:$0x1E800] =	vst v63  }
0x130: {  	_ =	swait.ge [sflag:s11], $0x4000  }
0x131: {  	[sflag:s11] =	ssyncset.done $0x0  }
0x132: {  	s7 =	sadd.s32 $0x100, s6;
	[sflag:s11] =	ssyncadd.s32 $0xFFFFC000  }
0x133: {  	[tilespmem:s12], [sflag:$0x1] =	stream.indirect.gather [hbm4b:s4+s8], $0x80, s7, s8, $0xb8;
	[tilespmem:$0x1E800] =	vst v63  }
0x134: {  	_ =	swait.ge [sflag:s10], $0x4000  }
.Ltmp5:
0x135: {  	[sflag:s10] =	ssyncset.done $0x0;
	(pc) =	sbr.rel @p0 .LBB2_10-.Ltmp5, $4  }
0x136: {  	s6 =	sadd.s32 $0x1480, s6;
	[sflag:s10] =	ssyncadd.s32 $0xFFFFC000  }
0x137: {  	[spmem:s2] =	stream.indirect.scatter.add.f32 [tilespmem:s9], [sflag:$0x2], $0x80, s6, s8, $0xb8;
	[tilespmem:$0x1E800] =	vst v63  }
0x138: {  	_ =	swait.ge [sflag:s11], $0x4000  }
0x139: {  	s7 =	smov.u32 s15;
	s6 =	sshra.s32 s14, $0x2;
	[sflag:s11] =	ssyncset.done $0x0  }
0x13a: {  	s7 =	sadd.s32 $0x80, s6;
	[sflag:s11] =	ssyncadd.s32 $0xFFFFC000  }
0x13b: {  	[tilespmem:s9], [sflag:$0x1] =	stream.indirect.gather [hbm4b:s4+s8], $0x80, s7, s8, $0xb8;
	[tilespmem:$0x1E800] =	vst v63  }
0x13c: {  	_ =	swait.ge [sflag:s10], $0x4000  }
0x13d: {  	[sflag:s10] =	ssyncset.done $0x0  }
0x13e: {  	s19 =	sadd.s32 $0x1400, s6;
	[sflag:s10] =	ssyncadd.s32 $0xFFFFC000  }
0x13f: {  	[spmem:s2] =	stream.indirect.scatter.add.f32 [tilespmem:s12], [sflag:$0x2], $0x80, s19, s8, $0xb8;
	[tilespmem:$0x1E800] =	vst v63  }
0x140: {  	_ =	swait.ge [sflag:s11], $0x4000  }
0x141: {  	[sflag:s11] =	ssyncset.done $0x0  }
0x142: {  	s20 =	sadd.s32 $0x100, s6;
	[sflag:s11] =	ssyncadd.s32 $0xFFFFC000  }
0x143: {  	[tilespmem:s12], [sflag:$0x1] =	stream.indirect.gather [hbm4b:s4+s8], $0x80, s20, s8, $0xb8;
	[tilespmem:$0x1E800] =	vst v63  }
0x144: {  	_ =	swait.ge [sflag:s10], $0x4000  }
0x145: {  	[sflag:s10] =	ssyncset.done $0x0  }
0x146: {  	s21 =	sadd.s32 $0x1480, s6;
	[sflag:s10] =	ssyncadd.s32 $0xFFFFC000  }
0x147: {  	[spmem:s2] =	stream.indirect.scatter.add.f32 [tilespmem:s9], [sflag:$0x2], $0x80, s21, s8, $0xb8;
	[tilespmem:$0x1E800] =	vst v63  }
0x148: {  	_ =	swait.ge [sflag:s11], $0x4000  }
0x149: {  	s22 =	simm.s32 $0x80;
	s23 =	simm.s32 $0x1380;
	[sflag:s11] =	ssyncset.done $0x0  }
0x14a: {  	s24 =	simm.s32 $0x6800;
	s25 =	simm.s32 $0x1;
	[sflag:s11] =	ssyncadd.s32 $0xFFFFC000  }
0x14b: {  	[tilespmem:s24], [sflag:$0x1] =	stream.indirect.gather [hbm4b:s4+s22], $0x80, s23, s22, $0xb8;
	[tilespmem:$0x1E800] =	vst v63  }
0x14c: {  	_ =	swait.ge [sflag:s25], $0x4000  }
0x14d: {  	s26 =	simm.s32 $0x2700;
	[sflag:s25] =	ssyncset.done $0x0  }
0x14e: {  	s28 =	simm.s32 $0x2800;
	s29 =	simm.s32 $0x2;
	[sflag:s25] =	ssyncadd.s32 $0xFFFFC000  }
0x14f: {  	[spmem:s2] =	stream.indirect.scatter.add.f32 [tilespmem:s28], [sflag:$0x2], $0x80, s26, s22, $0xb8;
	[tilespmem:$0x1E800] =	vst v63  }
0x150: {  	_ =	swait.ge [sflag:s29], $0x4000  }
0x151: {  	[sflag:s29] =	ssyncset.done $0x0  }
0x152: {  	[sflag:s29] =	ssyncadd.s32 $0xFFFFC000  }
0x153: {  	_ =	swait.ge [sflag:s25], $0x4000  }
0x154: {  	[sflag:s25] =	ssyncset.done $0x0  }
0x155: {  	s30 =	simm.s32 $0x2780;
	[sflag:s25] =	ssyncadd.s32 $0xFFFFC000  }
0x156: {  	[spmem:s2] =	stream.indirect.scatter.add.f32 [tilespmem:s24], [sflag:$0x2], $0x80, s30, s22, $0xb8;
	[tilespmem:$0x1E800] =	vst v63  }
0x157: {  	_ =	swait.ge [sflag:s29], $0x4000  }
0x158: {  	[sflag:s29] =	ssyncset.done $0x0  }
0x159: {  	s31 =	sshll.u32 s1, $0x6;
	[sflag:s29] =	ssyncadd.s32 $0xFFFFC000  }
0x15a: {  	s3 =	sshrl.u32 s3, $0x3;
	s2 =	sor.u32 $0x1C02, s31;
	[bflag:$0x0] =	sbarrier.arrive $0xFFFF  }
0x15b: {  	[hbm:s5], [sflag:s2] =	dma.local [spmem:s3], $0x2800  }
0x15c: {  	_ =	swait.ge [sflag:s29], $0x2800  }
0x15d: {  	[sflag:s29] =	ssyncset.done $0x0  }
0x15e: {  	[sflag:s29] =	ssyncadd.s32 $0xFFFFD800  }
.LBB2_12:
0x15f: {  	_ =	sfence.sel $0x180000  }
0x160: {  	[bflag:$0x0] =	sbarrier.arrive $0xFFFF  }
0x161: {  	p0 =	sne.s32 s1, $0x0;
	_ =	strace $0x9000004D  }
0x162: {  	s0 =	sadd.s32 @!p0 $0x100000, s0;
	[bflag:$0x2] =	sbarrier.arrive $0xFFFF  }
0x163: {  	[sflag:s0] =	ssyncadd.tile.s32 @!p0 $0x1;
	_ =	shalt  }
.Lfunc_end2:
_tile_overlayer_lowered:
.L_overlay_start_2:
0x164: {  	(tag) =	ssettag $0x2  }
0x165: {  	s0 =	rddreg [dreg:$0x0];
	s2 =	stileid.u32  }
0x166: {  	s1 =	rddreg [dreg:$0x1];
	p0 =	sne.s32 s2, $0x0  }
0x167: {  	s3 =	rddreg [dreg:$0x2];
	[bflag:$0x3] =	sbarrier.arrive $0xFFFF;
	s2 =	simm.s32 @!p0 $0x1C02  }
0x168: {  	[timem:s3], [sflag:s2] =	dma.local @!p0 [hbm:s0], s1  }
0x169: {  	s0 =	simm.s32 @!p0 $0x2  }
0x16a: {  	_ =	swait.ge @!p0 [sflag:s0], s1  }
0x16b: {  	s1 =	ssub.s32 @!p0 $0x0, s1;
	[sflag:s0] =	ssyncset.done @!p0 $0x0  }
0x16c: {  	[sflag:s0] =	ssyncadd.s32 @!p0 s1  }
0x16d: {  	[bflag:$0x3] =	sbarrier.arrive $0xFFFF  }
0x16e: {  	_ =	shalt  }

// kernel: _run.8.cloned.1.call-start
scs
__scs_entry_jumppad:
0x0: {  	(pc) =	sbr.rel $0x88, $3  }
0x1: {  	(tag) =	ssettag $0x0;
	lr =	simm.s32 $0x1  }
0x2: {  	[smem:$0x3F9B] =	sst lr;
	_ =	strace $0xD0000000  }
0x3: {  	_ = 	snop  }
0x4: {  	_ = 	snop  }
0x5: {  	_ = 	snop  }
0x6: {  	_ = 	snop  }
0x7: {  	_ = 	snop  }
__scs_overlays_trampoline_lowered:
0x8: {  	[smem:$0x3FAA] =	sst s0  }
0x9: {  	[smem:$0x3FAB] =	sst s1  }
0xa: {  	[smem:$0x3FAC] =	sst s2  }
0xb: {  	[smem:$0x3FAD] =	sst s3  }
0xc: {  	[smem:$0x3FAE] =	sst s4  }
0xd: {  	[smem:$0x3FAF] =	sst s5  }
0xe: {  	[smem:$0x3FB0] =	sst s6  }
0xf: {  	[smem:$0x3FB1] =	sst s7  }
0x10: {  	[smem:$0x3FB2] =	sst s8  }
0x11: {  	[smem:$0x3FB3] =	sst s9;
	s0 =	simm.s32 @!p0 $0x0  }
0x12: {  	s1 =	sld [smem:$0x3F99];
	s0 =	simm.s32 @p0 $0x1  }
0x13: {  	[smem:$0x3FB4] =	sst s0;
	s0 =	simm.s32 @!p1 $0x0  }
0x14: {  	s2 =	sld [smem:$0x3F98];
	s0 =	simm.s32 @p1 $0x1  }
0x15: {  	[smem:$0x3FB5] =	sst s0;
	s0 =	simm.s32 @!p2 $0x0  }
0x16: {  	s3 =	sld [smem:$0x3FDB];
	s0 =	simm.s32 @p2 $0x1  }
0x17: {  	s4 =	simm.s32 $0x1BF5;
	[smem:$0x3FB7] =	sst s0  }
0x18: {  	s0 =	sld [smem:$0x3F9A];
	_ =	swait.ge [sflag:s4], $0x0  }
0x19: {  	s7 =	sld [smem:$0x3F9B]  }
0x1a: {  	s8 =	sadd.s32 $0xFFFFE003, lr  }
0x1b: {  	s9 =	sadd.s32 $0xFFFFFEF7, lr;
	s5 =	simm.s32 $0xFFFFFFFF;
	p2 =	slt.u32 s8, $0xFFFFF086  }
0x1c: {  	p1 =	slt.u32 s9, $0xF7A;
	s5 =	simm.s32 @!p2 $0x0  }
0x1d: {  	s5 =	simm.s32 @p1 $0x1;
	p0 =	seq.s32 s7, s2  }
0x1e: {  	s7 =	smul.u32 @!p0 $0xF7A, s2;
	p2 =	seq.s32 @!p0 s5, $0x0  }
0x1f: {  	s9 =	smul.u32 $0xF7A, s1;
	s8 =	simm.s32 @!p0 $0x1BF5;
	p2 =	por !p2, p0  }
0x20: {  	[sflag:s8] =	ssyncset.s32 @!p0 $0xFFFFF086;
	s6 =	sadd.s32 @!p0 s3, s7;
	s7 =	simm.s32 @!p0 $0x108  }
0x21: {  	s3 =	sadd.s32 s3, s9;
	s6 =	sadd.s32 @!p0 $0x88, s6;
	s7 =	simm.s32 @p2 $0x1082  }
0x22: {  	[simem:s7], [sflag:s8] =	dma.local @!p0 [hbm:s6], $0xF7A  }
0x23: {  	s9 =	sor.u32 $0xD0000000, s2;
	s6 =	simm.s32 $0x108;
	_ =	swait.ge @!p0 [sflag:s8], $0x0  }
0x24: {  	s3 =	sadd.s32 $0x88, s3;
	s6 =	simm.s32 @!p1 $0x1082;
	[sflag:s4] =	ssyncset.s32 $0xFFFFF086  }
0x25: {  	[simem:s6], [sflag:s4] =	dma.local [hbm:s3], $0xF7A  }
0x26: {  	[smem:$0x3F9B] =	sst s1;
	(tag) =	ssettag s2;
	_ =	strace s9  }
0x27: {  	s1 =	sld [smem:$0x3FAB]  }
0x28: {  	s2 =	sld [smem:$0x3FAC]  }
0x29: {  	s4 =	sld [smem:$0x3FAE]  }
0x2a: {  	p0 =	seq.s32 s5, $0x0;
	s5 =	sld [smem:$0x3FAF]  }
0x2b: {  	s6 =	sld [smem:$0x3FB0]  }
0x2c: {  	s7 =	sld [smem:$0x3FB1]  }
0x2d: {  	s3 =	simm.s32 $0x108;
	s8 =	sld [smem:$0x3FB2]  }
0x2e: {  	s3 =	simm.s32 @!p0 $0x1082;
	s9 =	sld [smem:$0x3FB3]  }
0x2f: {  	lr =	sadd.s32 s0, s3;
	s0 =	sld [smem:$0x3FAA]  }
0x30: {  	s3 =	sld [smem:$0x3FAD]  }
0x31: {  	[smem:$0x3FB6] =	sst s10  }
0x32: {  	s10 =	sld [smem:$0x3FB4];
	_ =	sdelay $0x3  }
0x33: {  	p0 =	seq.s32 s10, $0x1;
	s10 =	sld [smem:$0x3FB6];
	_ =	sdelay $0x3  }
0x34: {  	[smem:$0x3FB6] =	sst s10  }
0x35: {  	s10 =	sld [smem:$0x3FB5];
	_ =	sdelay $0x3  }
0x36: {  	p1 =	seq.s32 s10, $0x1;
	s10 =	sld [smem:$0x3FB6];
	_ =	sdelay $0x3  }
0x37: {  	[smem:$0x3FB6] =	sst s10  }
0x38: {  	s10 =	sld [smem:$0x3FB7]  }
0x39: {  	_ = 	snop;
	(pc) =	sbr.ind lr, $3  }
0x3a: {  	_ = 	snop  }
0x3b: {  	_ = 	snop  }
0x3c: {  	p2 =	seq.s32 s10, $0x1;
	s10 =	sld [smem:$0x3FB6]  }
0x3d: {  	_ =	shalt  }
0x3e: {  	_ =	shalt  }
0x3f: {  	_ =	shalt  }
0x40: {  	_ =	shalt  }
0x41: {  	_ =	shalt  }
0x42: {  	_ =	shalt  }
0x43: {  	_ =	shalt  }
0x44: {  	_ =	shalt  }
0x45: {  	_ =	shalt  }
0x46: {  	_ =	shalt  }
0x47: {  	_ =	shalt  }
0x48: {  	_ =	shalt  }
0x49: {  	_ =	shalt  }
0x4a: {  	_ =	shalt  }
0x4b: {  	_ =	shalt  }
0x4c: {  	_ =	shalt  }
0x4d: {  	_ =	shalt  }
0x4e: {  	_ =	shalt  }
0x4f: {  	_ =	shalt  }
0x50: {  	_ =	shalt  }
0x51: {  	_ =	shalt  }
0x52: {  	_ =	shalt  }
0x53: {  	_ =	shalt  }
0x54: {  	_ =	shalt  }
0x55: {  	_ =	shalt  }
0x56: {  	_ =	shalt  }
0x57: {  	_ =	shalt  }
0x58: {  	_ =	shalt  }
0x59: {  	_ =	shalt  }
0x5a: {  	_ =	shalt  }
0x5b: {  	_ =	shalt  }
0x5c: {  	_ =	shalt  }
0x5d: {  	_ =	shalt  }
0x5e: {  	_ =	shalt  }
0x5f: {  	_ =	shalt  }
0x60: {  	_ =	shalt  }
0x61: {  	_ =	shalt  }
0x62: {  	_ =	shalt  }
0x63: {  	_ =	shalt  }
0x64: {  	_ =	shalt  }
0x65: {  	_ =	shalt  }
0x66: {  	_ =	shalt  }
0x67: {  	_ =	shalt  }
0x68: {  	_ =	shalt  }
0x69: {  	_ =	shalt  }
0x6a: {  	_ =	shalt  }
0x6b: {  	_ =	shalt  }
0x6c: {  	_ =	shalt  }
0x6d: {  	_ =	shalt  }
0x6e: {  	_ =	shalt  }
0x6f: {  	_ =	shalt  }
0x70: {  	_ =	shalt  }
0x71: {  	_ =	shalt  }
0x72: {  	_ =	shalt  }
0x73: {  	_ =	shalt  }
0x74: {  	_ =	shalt  }
0x75: {  	_ =	shalt  }
0x76: {  	_ =	shalt  }
0x77: {  	_ =	shalt  }
0x78: {  	_ =	shalt  }
0x79: {  	_ =	shalt  }
0x7a: {  	_ =	shalt  }
0x7b: {  	_ =	shalt  }
0x7c: {  	_ =	shalt  }
0x7d: {  	_ =	shalt  }
0x7e: {  	_ =	shalt  }
0x7f: {  	_ =	shalt  }
0x80: {  	_ =	shalt  }
0x81: {  	_ =	shalt  }
0x82: {  	_ =	shalt  }
0x83: {  	_ =	shalt  }
0x84: {  	_ =	shalt  }
0x85: {  	_ =	shalt  }
0x86: {  	_ =	shalt  }
0x87: {  	_ =	shalt  }
.Lfunc_end0:
.L_simem_size_0:
called_computation_lowered:
.L_overlay_start_0:
0x88: {  	s2 =	sld [smem:$0x3FD9]  }
0x89: {  	s3 =	sld [smem:$0x3FFE];
	_ =	sdelay $0x1  }
0x8a: {  	s1 =	srdreg.scid  }
0x8b: {  	s0 =	sand.u32 $0x1, s1  }
0x8c: {  	s16 =	sshll.u32 s0, $0xA;
	s2 =	sadd.s32 s3, s2  }
0x8d: {  	s2 =	sadd.s32 s2, s16  }
0x8e: {  	[smem:$0x3FC2] =	sst s2  }
0x8f: {  	_ = 	snop  }
0x90: {  	(tm) =	ssettm $0x1  }
0x91: {  	s17 =	sld [smem:$0x3FFB];
	_ =	sdelay $0x3  }
0x92: {  	_ =	strace s17  }
0x93: {  	s2 =	sld [smem:$0x3FFC];
	_ =	sdelay $0x3  }
0x94: {  	_ =	strace s2  }
0x95: {  	s2 =	sld [smem:$0x3FFD];
	_ =	sdelay $0x3  }
0x96: {  	_ =	strace s2  }
0x97: {  	_ =	strace $0x8FFFFFFF  }
0x98: {  	s18 =	sld [smem:$0x3FDB];
	_ =	sdelay $0x1  }
0x99: {  	s19 =	simm.s32 $_scs_section_size  }
0x9a: {  	s4 =	simm.s32 $_size__tile_overlayer_lowered;
	s5 =	simm.s32 $_tile_overlayer_lowered  }
0x9b: {  	s22 =	simm.s32 $0x1BFF;
	s21 =	sshll.u32 s5, $0x1;
	s2 =	sadd.s32 s19, s18  }
0x9c: {  	s6 =	simm.s32 $0x0;
	s20 =	sshll.u32 s4, $0x1;
	s4 =	sadd.s32 s21, s2  }
0x9d: {  	[timem:s6], [sflag:s22] =	dma.local [hbm:s4], s20  }
0x9e: {  	_ =	swait.ge [sflag:s22], s20  }
0x9f: {  	s3 =	ssub.s32 $0x0, s20;
	[sflag:s22] =	ssyncset.done $0x0  }
0xa0: {  	[sflag:s22] =	ssyncadd.s32 s3;
	_ =	sdelay $0x1  }
0xa1: {  	s23 =	simm.s32 $0x1B8B  }
0xa2: {  	_ =	swait.ge [sflag:s23], $0x1  }
0xa3: {  	[sflag:s23] =	ssyncset.done $0x0  }
0xa4: {  	s25 =	simm.s32 $0x1B8E;
	s24 =	sld [smem:$0x3FFE];
	[sflag:s23] =	ssyncadd.s32 $0xFFFFFFFF  }
0xa5: {  	s26 =	simm.s32 $execute0_lowered;
	[smem:$0x3FD2] =	sst s25  }
0xa6: {  	s4 =	sshll.u32 s26, $0x1;
	_ =	strace $0x80000046;
	[dreg:$0x1] =	wrdreg $0xFFFFFFFF  }
0xa7: {  	s28 =	simm.s32 $_size_execute0_lowered;
	s2 =	sadd.s32 s2, s4;
	[dreg:$0x0] =	wrdreg $0x0  }
0xa8: {  	s4 =	sshll.u32 s28, $0x1;
	[dreg:$0x2] =	wrdreg s2  }
0xa9: {  	[dreg:$0x3] =	wrdreg s4  }
0xaa: {  	[dreg:$0x4] =	wrdreg $0xC0  }
0xab: {  	_ =	task [dreg:s6], $0x5FFFF  }
0xac: {  	[dreg:$0x1] =	wrdreg $0xFFFFFFFF  }
0xad: {  	[dreg:$0x0] =	wrdreg $0x60  }
0xae: {  	[dreg:$0x2] =	wrdreg s24  }
0xaf: {  	[dreg:$0x3] =	wrdreg $0x68000  }
0xb0: {  	[dreg:$0x4] =	wrdreg $0x9  }
0xb1: {  	_ =	task.clear_ibuf [dreg:s6], $0x5FFFF;
	_ =	strace $0x90000046  }
0xb2: {  	s29 =	simm.s32 $0x9;
	_ =	strace $0x80000048  }
0xb3: {  	_ =	swait.ge [sflag:s29], $0x1  }
0xb4: {  	[sflag:s29] =	ssyncadd.s32 $0xFFFFFFFF  }
0xb5: {  	_ =	strace $0x90000048  }
0xb6: {  	_ =	sfence  }
0xb7: {  	s30 =	sld [smem:$0x0];
	_ =	sdelay $0x2  }
0xb8: {  	s31 =	sshll.u32 s1, $0xD;
	s1 =	sshrl.u32 s1, $0x2  }
0xb9: {  	s3 =	sand.u32 $0x4000, s31;
	s1 =	sadd.s32 s1, s30  }
0xba: {  	s0 =	sor.u32 s3, s0;
	s1 =	sshll.u32 s1, $0x11  }
0xbb: {  	s0 =	sor.u32 s1, s0  }
0xbc: {  	s0 =	sadd.s32 $0x8F2B, s0  }
0xbd: {  	[sflag:s0] =	ssyncadd.remote.s32 $0x1  }
0xbe: {  	_ =	sfence.sel $0xFFFF  }
0xbf: {  	[dreg:$0x0] =	wrdreg $0xFFFFFFFF;
	(pc) =	sbr.abs _section_cstart, $3  }
0xc0: {  	[dreg:$0x1] =	wrdreg $0xFFFFFFFF  }
0xc1: {  	_ =	task.clear_ibuf [dreg:s6], $0x2FFFF;
	_ =	strace $0x9FFFFFFF  }
0xc2: {  	(tm) =	ssettm $0x7FFFFFFF  }
0xc3: {  	_ =	shalt  }
tec
execute0_lowered:
.L_overlay_start_1:
0x0: {  	(tag) =	ssettag $0x1  }
0x1: {  	s4 =	rddreg [dreg:$0x0]  }
0x2: {  	s1 =	rddreg [dreg:$0x1]  }
0x3: {  	s2 =	srdreg.scid;
	s0 =	rddreg [dreg:$0x2];
	s3 =	simm.s32 $0x0  }
0x4: {  	s12 =	simm.s32 $0x2800;
	s13 =	simm.s32 $0x2;
	s14 =	simm.s32 $0x80  }
0x5: {  	s15 =	simm.s32 $0x1;
	s5 =	sand.u32 $0x1, s2;
	s2 =	stileid.u32  }
0x6: {  	s17 =	simm.s32 $0x0;
	[smem:$0x7FF] =	sst s3;
	s7 =	smul.u32 $0x140000, s5  }
0x7: {  	s6 =	sshll.u32 s5, $0x4;
	s8 =	smul.u32 $0x14000, s2;
	_ =	strace $0x80000047  }
0x8: {  	s5 =	ssub.s32 $0x2, s5;
	s30 =	smul.u32 $0x50000, s2;
	s6 =	sor.u32 s2, s6  }
0x9: {  	s16 =	sshll.u32 s2, $0x6;
	s9 =	sshrl.u32 s5, $0x1;
	s6 =	smul.u32 $0x500, s6  }
0xa: {  	s16 =	sor.u32 $0x1C02, s16;
	s7 =	sadd.s32 s8, s7;
	s9 =	ssub.s32 s5, s9  }
0xb: {  	s31 =	sshrl.u32 s30, $0x2;
	s7 =	sshrl.u32 s7, $0x3;
	s6 =	sadd.s32 s6, s4  }
0xc: {  	s7 =	sadd.s32 s7, s4;
	s4 =	sadd.s32 s31, s1;
	s5 =	sadd.s32 $0xCA00, s6  }
0xd: {  	s6 =	sadd.s32 $0x16A00, s7;
	s7 =	smax.u32 s9, $0x1;
	s8 =	sadd.s32 $0x4000, s4  }
0xe: {  	v0 =	vimm.f32 $0.0e+00;
	v1 =	vimm.f32 $1.000000000e+00;
	s9 =	sadd.s32 $0x8000, s4;
	s10 =	sadd.s32 $0xC000, s4;
	s11 =	sadd.s32 $0x10000, s4  }
.LBB2_1:
0xf: {  	s18 =	sand.u32 $0xFE00, s3  }
0x10: {  	s19 =	sand.u32 $0x70, s3;
	s20 =	sshrl.u32 s18, $0x2  }
0x11: {  	s18 =	simm.s32 $0x40;
	s20 =	sor.u32 s19, s20;
	s19 =	simm.s32 $0x0  }
.LBB2_2:
0x12: {  	p0 =	sne.s32 s18, $0xFFC0  }
0x13: {  	[tilespmem:s20+$0x2800] =	vst v0;
	s19 =	sadd.s32 $0x10, s19;
	s20 =	smov.u32 s18;
	s18 =	sadd.s32 $0x40, s18  }
.Ltmp0:
0x14: {  	(pc) =	sbr.rel @p0 .LBB2_2-.Ltmp0, $4  }
0x15: {  	_ = 	snop  }
0x16: {  	s20 =	sand.u32 $0xFE00, s20  }
0x17: {  	s21 =	sand.u32 $0x70, s19;
	s20 =	sshrl.u32 s20, $0x2  }
0x18: {  	s20 =	sor.u32 s21, s20  }
0x19: {  	[tilespmem:s20+$0x2800] =	vst v0  }
0x1a: {  	[spmem:s4] =	stream.linear.scatter [tilespmem:s12], [sflag:$0x2], $0x4000, $0x38;
	[tilespmem:$0x1A800] =	vst v63  }
0x1b: {  	_ =	swait.ge [sflag:s13], $0x4000  }
0x1c: {  	[sflag:s13] =	ssyncset.done $0x0  }
0x1d: {  	[sflag:s13] =	ssyncadd.s32 $0xFFFFC000  }
0x1e: {  	[spmem:s8] =	stream.linear.scatter [tilespmem:s12], [sflag:$0x2], $0x4000, $0x38;
	[tilespmem:$0x1A800] =	vst v63  }
0x1f: {  	_ =	swait.ge [sflag:s13], $0x4000  }
0x20: {  	[sflag:s13] =	ssyncset.done $0x0  }
0x21: {  	[sflag:s13] =	ssyncadd.s32 $0xFFFFC000  }
0x22: {  	[spmem:s9] =	stream.linear.scatter [tilespmem:s12], [sflag:$0x2], $0x4000, $0x38;
	[tilespmem:$0x1A800] =	vst v63  }
0x23: {  	_ =	swait.ge [sflag:s13], $0x4000  }
0x24: {  	[sflag:s13] =	ssyncset.done $0x0  }
0x25: {  	[sflag:s13] =	ssyncadd.s32 $0xFFFFC000  }
0x26: {  	[spmem:s10] =	stream.linear.scatter [tilespmem:s12], [sflag:$0x2], $0x4000, $0x38;
	[tilespmem:$0x1A800] =	vst v63  }
0x27: {  	_ =	swait.ge [sflag:s13], $0x4000  }
0x28: {  	[sflag:s13] =	ssyncset.done $0x0  }
0x29: {  	s18 =	simm.s32 $0x0;
	[sflag:s13] =	ssyncadd.s32 $0xFFFFC000  }
0x2a: {  	[spmem:s11] =	stream.linear.scatter [tilespmem:s12], [sflag:$0x2], $0x4000, $0x38;
	[tilespmem:$0x1A800] =	vst v63  }
0x2b: {  	s19 =	sand.u32 $0xFE00, s18;
	_ =	swait.ge [sflag:s13], $0x4000  }
0x2c: {  	s31 =	sand.u32 $0x70, s18;
	s21 =	sshrl.u32 s19, $0x2;
	[sflag:s13] =	ssyncset.done $0x0  }
0x2d: {  	s19 =	simm.s32 $0x40;
	s20 =	sor.u32 s31, s21;
	[sflag:s13] =	ssyncadd.s32 $0xFFFFC000  }
.LBB2_4:
0x2e: {  	p0 =	sne.s32 s19, $0xFFC0  }
0x2f: {  	[tilespmem:s20+$0x2800] =	vst v1;
	s18 =	sadd.s32 $0x10, s18;
	s20 =	smov.u32 s19;
	s19 =	sadd.s32 $0x40, s19  }
.Ltmp1:
0x30: {  	(pc) =	sbr.rel @p0 .LBB2_4-.Ltmp1, $4  }
0x31: {  	_ = 	snop  }
0x32: {  	s20 =	sand.u32 $0xFE00, s20  }
0x33: {  	s21 =	sand.u32 $0x70, s18;
	s20 =	sshrl.u32 s20, $0x2  }
0x34: {  	s20 =	sor.u32 s21, s20  }
0x35: {  	[tilespmem:s20+$0x2800] =	vst v1;
	s18 =	simm.s32 $0x0  }
0x36: {  	[tilespmem:s18], [sflag:$0x2] =	stream.linear.gather [hbm4b:s5+s18], $0x2800, $0x38;
	[tilespmem:$0x1A800] =	vst v63  }
0x37: {  	_ =	swait.ge [sflag:s13], $0x2800  }
0x38: {  	[sflag:s13] =	ssyncset.done $0x0  }
0x39: {  	[sflag:s13] =	ssyncadd.s32 $0xFFFFD800  }
0x3a: {  	[bflag:$0x0] =	sbarrier.arrive $0xFFFF  }
.LBB2_6:
0x3b: {  	p0 =	sne.s32 s18, $0x9E00  }
.Ltmp2:
0x3c: {  	_ = 	snop;
	(pc) =	sbr.rel @p0 .LBB2_6-.Ltmp2, $3  }
0x3d: {  	_ =	sdelay $0x1  }
0x3e: {  	s19 =	sshra.s32 s18, $0x2;
	s18 =	sadd.s32 $0x200, s18  }
0x3f: {  	[spmem:s1] =	stream.indirect.scatter.add.f32 [tilespmem:s12], [sflag:$0x1], $0x80, s19, s14, $0xb8;
	[tilespmem:$0x1A800] =	vst v63  }
0x40: {  	_ =	swait.ge [sflag:s15], $0x4000  }
0x41: {  	s18 =	simm.s32 $0x4F;
	[sflag:s15] =	ssyncset.done $0x0  }
.LBB2_8:
0x42: {  	p0 =	sne.s32 s18, $0x1;
	s18 =	sadd.s32 $0xFFFFFFFF, s18;
	[sflag:s15] =	ssyncadd.s32 $0xFFFFC000  }
.Ltmp3:
0x43: {  	(pc) =	sbr.rel @p0 .LBB2_8-.Ltmp3, $3  }
0x44: {  	_ =	sdelay $0x1  }
0x45: {  	_ =	swait.ge [sflag:s15], $0x4000  }
0x46: {  	[sflag:s15] =	ssyncset.done $0x0  }
0x47: {  	s17 =	sadd.s32 $0x1, s17  }
0x48: {  	[sflag:s15] =	ssyncadd.s32 $0xFFFFC000;
	p0 =	sne.s32 s17, s7  }
.Ltmp4:
0x49: {  	s18 =	sshrl.u32 s4, $0x3;
	[bflag:$0x0] =	sbarrier.arrive $0xFFFF;
	(pc) =	sbr.rel @p0 .LBB2_1-.Ltmp4, $4  }
0x4a: {  	[hbm:s6], [sflag:s16] =	dma.local [spmem:s18], $0x2800  }
0x4b: {  	_ =	swait.ge [sflag:s13], $0x2800  }
0x4c: {  	[sflag:s13] =	ssyncset.done $0x0  }
0x4d: {  	[sflag:s13] =	ssyncadd.s32 $0xFFFFD800  }
0x4e: {  	_ =	sfence.sel $0x180000  }
0x4f: {  	[bflag:$0x0] =	sbarrier.arrive $0xFFFF  }
0x50: {  	p0 =	sne.s32 s2, $0x0;
	_ =	strace $0x90000047  }
0x51: {  	s0 =	sadd.s32 @!p0 $0x100000, s0;
	[bflag:$0x2] =	sbarrier.arrive $0xFFFF  }
0x52: {  	[sflag:s0] =	ssyncadd.tile.s32 @!p0 $0x1;
	_ =	shalt  }
.Lfunc_end2:
_tile_overlayer_lowered:
.L_overlay_start_2:
0x53: {  	(tag) =	ssettag $0x2  }
0x54: {  	s0 =	rddreg [dreg:$0x0];
	s2 =	stileid.u32  }
0x55: {  	s1 =	rddreg [dreg:$0x1];
	p0 =	sne.s32 s2, $0x0  }
0x56: {  	s3 =	rddreg [dreg:$0x2];
	[bflag:$0x3] =	sbarrier.arrive $0xFFFF;
	s2 =	simm.s32 @!p0 $0x1C02  }
0x57: {  	[timem:s3], [sflag:s2] =	dma.local @!p0 [hbm:s0], s1  }
0x58: {  	s0 =	simm.s32 @!p0 $0x2  }
0x59: {  	_ =	swait.ge @!p0 [sflag:s0], s1  }
0x5a: {  	s1 =	ssub.s32 @!p0 $0x0, s1;
	[sflag:s0] =	ssyncset.done @!p0 $0x0  }
0x5b: {  	[sflag:s0] =	ssyncadd.s32 @!p0 s1  }
0x5c: {  	[bflag:$0x3] =	sbarrier.arrive $0xFFFF  }
0x5d: {  	_ =	shalt  }

</sc_bundles>
